<compile_context>
chip_gen: v7x
topology: tpu7x:2x2x1
jax: 0.10.2.dev20260603
libtpu: 0.0.44.dev20260713+nightly
codegen_flags: <defaults>
</compile_context>

<pallas_src>
import functools

import numpy as np
import jax
import jax.numpy as jnp
from jax import lax
from jax.experimental import pallas as pl
from jax.experimental.pallas import tpu as pltpu
from jax.experimental.pallas import tpu_sc as plsc

VOCAB = 1000000
D = 64
B = 4096
L = 200
N = B * L

CH = 128
UNITS = N // CH


def _make_gather():
  info = plsc.get_sparse_core_info()
  nc, ns = info.num_cores, info.num_subcores
  nw = nc * ns
  units_per_w = UNITS // nw
  pairs_per_w = units_per_w // 2

  mesh = plsc.VectorSubcoreMesh(core_axis_name="c", subcore_axis_name="s")

  RING = 4
  groups = units_per_w // RING

  @functools.partial(
      pl.kernel,
      mesh=mesh,
      out_type=jax.ShapeDtypeStruct((L, D // 8, B // CH, 8, CH), jnp.float32),
      scratch_types=[
          pltpu.VMEM((units_per_w * CH,), jnp.int32),
          [pltpu.VMEM((CH, D), jnp.float32) for _ in range(RING)],
          [pltpu.VMEM((D // 8, 8, CH + 1), jnp.float32) for _ in range(2)],
          [pltpu.SemaphoreType.DMA for _ in range(RING)],
          [pltpu.SemaphoreType.DMA for _ in range(2)],
      ],
      compiler_params=pltpu.CompilerParams(
          use_tc_tiling_on_sc=False, needs_layout_passes=False),
  )
  def gather_kernel(table_hbm, idx_hbm, out_hbm, idx_all, rows, trans, gs, ws):
    wid = lax.axis_index("s") * nc + lax.axis_index("c")
    u0 = wid * units_per_w

    pltpu.sync_copy(idx_hbm.at[pl.ds(u0 * CH, units_per_w * CH)], idx_all)

    lanes = lax.iota(jnp.int32, 16)
    di_c = lanes & 7
    drow_c = [(lanes >> 3) + 2 * gp for gp in range(D // 16)]

    def transpose(rows_j, trans_p):
      for gp in range(D // 16):
        @plsc.parallel_loop(0, CH, unroll=8)
        def _(bi, _gp=gp):
          bivec = jnp.broadcast_to(bi, (16,))
          v = rows_j[bi, pl.ds(_gp * 16, 16)]
          plsc.store_scatter(trans_p, [drow_c[_gp], di_c, bivec], v)

    def fire(u, j):
      pltpu.async_copy(table_hbm.at[idx_all.at[pl.ds(u * CH, CH)]],
                       rows[j], gs[j])

    for j in range(RING):
      fire(j, j)

    def body(q, carry):
      for j in range(RING):
        u = RING * q + j
        gu = u0 + u
        lu = lax.div(gu, B // CH)
        bu = lax.rem(gu, B // CH)

        pltpu.make_async_copy(
            table_hbm.at[idx_all.at[pl.ds(0, CH)]], rows[j], gs[j]).wait()

        if j >= 2:
          pltpu.make_async_copy(trans[j % 2].at[:, :, pl.ds(0, CH)],
                                out_hbm.at[0, :, 0], ws[j % 2]).wait()
        else:
          @pl.when(q > 0)
          def _():
            pltpu.make_async_copy(trans[j % 2].at[:, :, pl.ds(0, CH)],
                                  out_hbm.at[0, :, 0], ws[j % 2]).wait()

        transpose(rows[j], trans[j % 2])
        pltpu.async_copy(trans[j % 2].at[:, :, pl.ds(0, CH)],
                         out_hbm.at[lu, :, bu], ws[j % 2])

        @pl.when(q < groups - 1)
        def _():
          fire(u + RING, j)
      return carry

    lax.fori_loop(0, groups, body, 0)
    pltpu.make_async_copy(trans[0].at[:, :, pl.ds(0, CH)],
                          out_hbm.at[0, :, 0], ws[0]).wait()
    pltpu.make_async_copy(trans[1].at[:, :, pl.ds(0, CH)],
                          out_hbm.at[0, :, 0], ws[1]).wait()

  return gather_kernel


_gather = _make_gather()


@jax.jit
def kernel(x, embed_weight):
  idx_t = jnp.transpose(x).reshape(-1).astype(jnp.int32)
  out5 = _gather(embed_weight, idx_t)
  return out5.transpose(2, 4, 0, 1, 3).reshape(B, L, D)

# --- scband reference (transcript-rebuilt; emitter-appended) ---
"""Pipeline reference for scband-embedding-layer-8546984919408 (READ-ONLY COPY).

The authoritative reference and input builder live on the scoring server;
editing this copy changes nothing except your own understanding.
"""

import jax, jax.numpy as jnp
import numpy as np

VOCAB = 1000000
D_MODEL = 64
B = 4096
L = 200

def setup_inputs(seed: int = 0) -> dict:
    key = jax.random.key(seed)
    k1, k2 = jax.random.split(key)
    x = jax.random.randint(k1, (B, L), 0, VOCAB, dtype=jnp.int64)
    embed_weight = jax.random.normal(k2, (VOCAB, D_MODEL), dtype=jnp.float32)
    return {"x": x, "embed_weight": embed_weight}

def reference(x, embed_weight):
    # nn.Embedding lookup: table[idx]. Dropout is identity at inference.
    out = jnp.take(embed_weight, x, axis=0)
    return out

if __name__ == "__main__":
    import jax
    _d = setup_inputs()
    print(jax.jit(kernel)(*tuple(_d.values())))

</pallas_src>

<mosaic_0001>
#map = affine_map<(d0, d1) -> (0, 0)>
#map1 = affine_map<(d0, d1) -> (0)>
#map2 = affine_map<(d0, d1) -> (0, 0, 0, 0, 0)>
module attributes {stable_mosaic.version = 14 : i64} {
  func.func @gather_kernel(%arg0: i32, %arg1: i32, %arg2: memref<1000000x64xf32, #tpu.memory_space<hbm>>, %arg3: memref<819200xi32, #tpu.memory_space<hbm>>, %arg4: memref<200x8x32x8x128xf32, #tpu.memory_space<hbm>>, %arg5: memref<25600xi32, #tpu.memory_space<vmem>>, %arg6: memref<128x64xf32, #tpu.memory_space<vmem>>, %arg7: memref<128x64xf32, #tpu.memory_space<vmem>>, %arg8: memref<128x64xf32, #tpu.memory_space<vmem>>, %arg9: memref<128x64xf32, #tpu.memory_space<vmem>>, %arg10: memref<8x8x129xf32, #tpu.memory_space<vmem>>, %arg11: memref<8x8x129xf32, #tpu.memory_space<vmem>>, %arg12: memref<!tpu.dma_semaphore, #tpu.memory_space<semaphore_mem>>, %arg13: memref<!tpu.dma_semaphore, #tpu.memory_space<semaphore_mem>>, %arg14: memref<!tpu.dma_semaphore, #tpu.memory_space<semaphore_mem>>, %arg15: memref<!tpu.dma_semaphore, #tpu.memory_space<semaphore_mem>>, %arg16: memref<!tpu.dma_semaphore, #tpu.memory_space<semaphore_mem>>, %arg17: memref<!tpu.dma_semaphore, #tpu.memory_space<semaphore_mem>>) attributes {dimension_semantics = [#tpu.dimension_semantics<core_parallel>, #tpu.dimension_semantics<subcore_parallel>], iteration_bounds = array<i64: 2, 16>, scalar_prefetch = 0 : i64, scratch_operands = 13 : i64, tpu.core_type = #tpu.core_type<sc_vector_subcore>, window_params = [{transform_indices = #map}, {transform_indices = #map1}, {transform_indices = #map2}]} {
    %mul3A = arith.constant 2 : i32
    %mul3A_0 = arith.muli %arg1, %mul3A : i32
    %add3A = arith.addi %mul3A_0, %arg0 : i32
    %mul3A_1 = arith.constant 200 : i32
    %mul3A_2 = arith.muli %add3A, %mul3A_1 : i32
    %mul3A_3 = arith.constant 128 : i32
    %mul3A_4 = arith.muli %mul3A_2, %mul3A_3 : i32
    "tpu.region"() ({
      %run_scoped3A = tpu.sem_alloc : memref<!tpu.dma_semaphore, #tpu.memory_space<semaphore_mem>>
      %dma_start3A_93 = tpu.memref_slice %arg3[%mul3A_4] : memref<819200xi32, #tpu.memory_space<hbm>> -> memref<25600xi32, #tpu.memory_space<hbm>>
      %dma_start3A_94 = tpu.memref_slice %arg3[%mul3A_4] : memref<819200xi32, #tpu.memory_space<hbm>> -> memref<25600xi32, #tpu.memory_space<hbm>>
      tpu.enqueue_dma source(%dma_start3A_94 : memref<25600xi32, #tpu.memory_space<hbm>>) target(%arg5 : memref<25600xi32, #tpu.memory_space<vmem>>) target_semaphore(%run_scoped3A : memref<!tpu.dma_semaphore, #tpu.memory_space<semaphore_mem>>)
      %dma_wait3A_95 = tpu.memref_slice %arg3[%mul3A_4] : memref<819200xi32, #tpu.memory_space<hbm>> -> memref<25600xi32, #tpu.memory_space<hbm>>
      %dma_wait3A_96 = tpu.memref_slice %arg3[%mul3A_4] : memref<819200xi32, #tpu.memory_space<hbm>> -> memref<25600xi32, #tpu.memory_space<hbm>>
      tpu.wait_dma2 semaphore(%run_scoped3A : memref<!tpu.dma_semaphore, #tpu.memory_space<semaphore_mem>>) src(%dma_wait3A_96 : memref<25600xi32, #tpu.memory_space<hbm>>) dst(%arg5 : memref<25600xi32, #tpu.memory_space<vmem>>)
      tpu.yield
    }) : () -> ()
    %iota3A = tpu.iota {dimensions = array<i32: 0>} : vector<16xi32>
    %and3A = arith.constant 7 : i32
    %and3A_5 = vector.broadcast %and3A : i32 to vector<16xi32>
    %and3A_6 = arith.andi %iota3A, %and3A_5 : vector<16xi32>
    %shift_right_arithmetic3A = arith.constant 3 : i32
    %shift_right_arithmetic3A_7 = vector.broadcast %shift_right_arithmetic3A : i32 to vector<16xi32>
    %shift_right_arithmetic3A_8 = arith.shrsi %iota3A, %shift_right_arithmetic3A_7 : vector<16xi32>
    %add3A_9 = arith.constant 0 : i32
    %add3A_10 = vector.broadcast %add3A_9 : i32 to vector<16xi32>
    %add3A_11 = arith.addi %shift_right_arithmetic3A_8, %add3A_10 : vector<16xi32>
    %shift_right_arithmetic3A_12 = arith.constant 3 : i32
    %shift_right_arithmetic3A_13 = vector.broadcast %shift_right_arithmetic3A_12 : i32 to vector<16xi32>
    %shift_right_arithmetic3A_14 = arith.shrsi %iota3A, %shift_right_arithmetic3A_13 : vector<16xi32>
    %add3A_15 = arith.constant 2 : i32
    %add3A_16 = vector.broadcast %add3A_15 : i32 to vector<16xi32>
    %add3A_17 = arith.addi %shift_right_arithmetic3A_14, %add3A_16 : vector<16xi32>
    %shift_right_arithmetic3A_18 = arith.constant 3 : i32
    %shift_right_arithmetic3A_19 = vector.broadcast %shift_right_arithmetic3A_18 : i32 to vector<16xi32>
    %shift_right_arithmetic3A_20 = arith.shrsi %iota3A, %shift_right_arithmetic3A_19 : vector<16xi32>
    %add3A_21 = arith.constant 4 : i32
    %add3A_22 = vector.broadcast %add3A_21 : i32 to vector<16xi32>
    %add3A_23 = arith.addi %shift_right_arithmetic3A_20, %add3A_22 : vector<16xi32>
    %shift_right_arithmetic3A_24 = arith.constant 3 : i32
    %shift_right_arithmetic3A_25 = vector.broadcast %shift_right_arithmetic3A_24 : i32 to vector<16xi32>
    %shift_right_arithmetic3A_26 = arith.shrsi %iota3A, %shift_right_arithmetic3A_25 : vector<16xi32>
    %add3A_27 = arith.constant 6 : i32
    %add3A_28 = vector.broadcast %add3A_27 : i32 to vector<16xi32>
    %add3A_29 = arith.addi %shift_right_arithmetic3A_26, %add3A_28 : vector<16xi32>
    %dma_start3A = arith.constant 0 : i32
    %dma_start3A_30 = tpu.memref_slice %arg5[%dma_start3A] : memref<25600xi32, #tpu.memory_space<vmem>> -> memref<128xi32, #tpu.memory_space<vmem>>
    %dma_start3A_31 = arith.constant 0 : i32
    %dma_start3A_32 = arith.constant 0 : i32
    %dma_start3A_33 = tpu.memref_slice %arg2[%dma_start3A_31, %dma_start3A_32] : memref<1000000x64xf32, #tpu.memory_space<hbm>> -> memref<1000000x64xf32, #tpu.memory_space<hbm>>
    tpu.enqueue_indirect_dma source(%dma_start3A_33 : memref<1000000x64xf32, #tpu.memory_space<hbm>>) target(%arg6 : memref<128x64xf32, #tpu.memory_space<vmem>>) offsets(%dma_start3A_30 : memref<128xi32, #tpu.memory_space<vmem>>) semaphore(%arg12 : memref<!tpu.dma_semaphore, #tpu.memory_space<semaphore_mem>>)
    %dma_start3A_34 = arith.constant 128 : i32
    %dma_start3A_35 = tpu.memref_slice %arg5[%dma_start3A_34] : memref<25600xi32, #tpu.memory_space<vmem>> -> memref<128xi32, #tpu.memory_space<vmem>>
    %dma_start3A_36 = arith.constant 0 : i32
    %dma_start3A_37 = arith.constant 0 : i32
    %dma_start3A_38 = tpu.memref_slice %arg2[%dma_start3A_36, %dma_start3A_37] : memref<1000000x64xf32, #tpu.memory_space<hbm>> -> memref<1000000x64xf32, #tpu.memory_space<hbm>>
    tpu.enqueue_indirect_dma source(%dma_start3A_38 : memref<1000000x64xf32, #tpu.memory_space<hbm>>) target(%arg7 : memref<128x64xf32, #tpu.memory_space<vmem>>) offsets(%dma_start3A_35 : memref<128xi32, #tpu.memory_space<vmem>>) semaphore(%arg13 : memref<!tpu.dma_semaphore, #tpu.memory_space<semaphore_mem>>)
    %dma_start3A_39 = arith.constant 256 : i32
    %dma_start3A_40 = tpu.memref_slice %arg5[%dma_start3A_39] : memref<25600xi32, #tpu.memory_space<vmem>> -> memref<128xi32, #tpu.memory_space<vmem>>
    %dma_start3A_41 = arith.constant 0 : i32
    %dma_start3A_42 = arith.constant 0 : i32
    %dma_start3A_43 = tpu.memref_slice %arg2[%dma_start3A_41, %dma_start3A_42] : memref<1000000x64xf32, #tpu.memory_space<hbm>> -> memref<1000000x64xf32, #tpu.memory_space<hbm>>
    tpu.enqueue_indirect_dma source(%dma_start3A_43 : memref<1000000x64xf32, #tpu.memory_space<hbm>>) target(%arg8 : memref<128x64xf32, #tpu.memory_space<vmem>>) offsets(%dma_start3A_40 : memref<128xi32, #tpu.memory_space<vmem>>) semaphore(%arg14 : memref<!tpu.dma_semaphore, #tpu.memory_space<semaphore_mem>>)
    %dma_start3A_44 = arith.constant 384 : i32
    %dma_start3A_45 = tpu.memref_slice %arg5[%dma_start3A_44] : memref<25600xi32, #tpu.memory_space<vmem>> -> memref<128xi32, #tpu.memory_space<vmem>>
    %dma_start3A_46 = arith.constant 0 : i32
    %dma_start3A_47 = arith.constant 0 : i32
    %dma_start3A_48 = tpu.memref_slice %arg2[%dma_start3A_46, %dma_start3A_47] : memref<1000000x64xf32, #tpu.memory_space<hbm>> -> memref<1000000x64xf32, #tpu.memory_space<hbm>>
    tpu.enqueue_indirect_dma source(%dma_start3A_48 : memref<1000000x64xf32, #tpu.memory_space<hbm>>) target(%arg9 : memref<128x64xf32, #tpu.memory_space<vmem>>) offsets(%dma_start3A_45 : memref<128xi32, #tpu.memory_space<vmem>>) semaphore(%arg15 : memref<!tpu.dma_semaphore, #tpu.memory_space<semaphore_mem>>)
    %scan3A = arith.constant 0 : i32
    %scan3A_49 = arith.constant 0 : i32
    %scan3A_50 = arith.constant 50 : i32
    %scan3A_51 = arith.addi %scan3A_49, %scan3A_50 : i32
    %scan3A_52 = arith.constant 1 : i32
    scf.for %scan3A_93 = %scan3A_49 to %scan3A_51 step %scan3A_52  : i32 {
      %mul3A_94 = arith.constant 4 : i32
      %mul3A_95 = arith.muli %mul3A_94, %scan3A_93 : i32
      %add3A_96 = arith.constant 0 : i32
      %add3A_97 = arith.addi %mul3A_95, %add3A_96 : i32
      %add3A_98 = arith.addi %mul3A_2, %add3A_97 : i32
      %div3A = arith.constant 32 : i32
      %div3A_99 = arith.divsi %add3A_98, %div3A : i32
      %rem3A = arith.constant 32 : i32
      %rem3A_100 = arith.remsi %add3A_98, %rem3A : i32
      %dma_wait3A_101 = arith.constant 0 : i32
      %dma_wait3A_102 = tpu.memref_slice %arg5[%dma_wait3A_101] : memref<25600xi32, #tpu.memory_space<vmem>> -> memref<128xi32, #tpu.memory_space<vmem>>
      %dma_wait3A_103 = arith.constant 0 : i32
      %dma_wait3A_104 = arith.constant 0 : i32
      %dma_wait3A_105 = tpu.memref_slice %arg2[%dma_wait3A_103, %dma_wait3A_104] : memref<1000000x64xf32, #tpu.memory_space<hbm>> -> memref<1000000x64xf32, #tpu.memory_space<hbm>>
      tpu.wait_indirect_dma semaphore(%arg12 : memref<!tpu.dma_semaphore, #tpu.memory_space<semaphore_mem>>) src(%dma_wait3A_105 : memref<1000000x64xf32, #tpu.memory_space<hbm>>) dst(%arg6 : memref<128x64xf32, #tpu.memory_space<vmem>>)
      %gt3A = arith.constant 0 : i32
      %gt3A_106 = arith.cmpi sgt, %scan3A_93, %gt3A : i32
      %convert_element_type3A = arith.extui %gt3A_106 : i1 to i32
      %cond3A = arith.constant 0 : i32
      %cond3A_107 = arith.cmpi ne, %convert_element_type3A, %cond3A : i32
      scf.if %cond3A_107 {
        %dma_wait3A_333 = arith.constant 0 : i32
        %dma_wait3A_334 = arith.constant 0 : i32
        %dma_wait3A_335 = arith.constant 0 : i32
        %dma_wait3A_336 = arith.constant 0 : i32
        %dma_wait3A_337 = arith.constant 0 : i32
        %dma_wait3A_338 = tpu.memref_slice %arg10[%dma_wait3A_335, %dma_wait3A_336, %dma_wait3A_337] : memref<8x8x129xf32, #tpu.memory_space<vmem>> -> memref<8x8x128xf32, #tpu.memory_space<vmem>>
        %dma_wait3A_339 = arith.constant 0 : i32
        %dma_wait3A_340 = arith.constant 0 : i32
        %dma_wait3A_341 = arith.constant 0 : i32
        %dma_wait3A_342 = tpu.memref_slice %arg4[%dma_wait3A_333, %dma_wait3A_339, %dma_wait3A_334, %dma_wait3A_340, %dma_wait3A_341] : memref<200x8x32x8x128xf32, #tpu.memory_space<hbm>> -> memref<1x8x1x8x128xf32, #tpu.memory_space<hbm>>
        %dma_wait3A_343 = tpu.memref_squeeze %dma_wait3A_342 : memref<1x8x1x8x128xf32, #tpu.memory_space<hbm>> -> memref<8x8x128xf32, #tpu.memory_space<hbm>>
        %dma_wait3A_344 = arith.constant 0 : i32
        %dma_wait3A_345 = arith.constant 0 : i32
        %dma_wait3A_346 = arith.constant 0 : i32
        %dma_wait3A_347 = tpu.memref_slice %arg4[%dma_wait3A_333, %dma_wait3A_344, %dma_wait3A_334, %dma_wait3A_345, %dma_wait3A_346] : memref<200x8x32x8x128xf32, #tpu.memory_space<hbm>> -> memref<1x8x1x8x128xf32, #tpu.memory_space<hbm>>
        %dma_wait3A_348 = tpu.memref_squeeze %dma_wait3A_347 : memref<1x8x1x8x128xf32, #tpu.memory_space<hbm>> -> memref<8x8x128xf32, #tpu.memory_space<hbm>>
        %dma_wait3A_349 = arith.constant 0 : i32
        %dma_wait3A_350 = arith.constant 0 : i32
        %dma_wait3A_351 = arith.constant 0 : i32
        %dma_wait3A_352 = tpu.memref_slice %arg10[%dma_wait3A_349, %dma_wait3A_350, %dma_wait3A_351] : memref<8x8x129xf32, #tpu.memory_space<vmem>> -> memref<8x8x128xf32, #tpu.memory_space<vmem>>
        tpu.wait_dma2 semaphore(%arg16 : memref<!tpu.dma_semaphore, #tpu.memory_space<semaphore_mem>>) src(%dma_wait3A_352 : memref<8x8x128xf32, #tpu.memory_space<vmem>>) dst(%dma_wait3A_348 : memref<8x8x128xf32, #tpu.memory_space<hbm>>)
      } else {
      }
      %parallel_loop3A = arith.constant 0 : i32
      %parallel_loop3A_108 = arith.constant 128 : i32
      %parallel_loop3A_109 = arith.constant 1 : i32
      scf.for %parallel_loop3A_333 = %parallel_loop3A to %parallel_loop3A_108 step %parallel_loop3A_109  : i32 {
        %parallel_loop3A_334 = vector.broadcast %parallel_loop3A_333 : i32 to vector<16xi32>
        %parallel_loop3A_335 = arith.index_cast %parallel_loop3A_333 : i32 to index
        %parallel_loop3A_336 = arith.constant 0 : index
        %parallel_loop3A_337 = tpu.vector_load %arg6[%parallel_loop3A_335, %parallel_loop3A_336] {strides = array<i32>} : memref<128x64xf32, #tpu.memory_space<vmem>>, vector<16xf32>,
        tpu.vector_store_idx %arg10[%add3A_11, %and3A_6, %parallel_loop3A_334], %parallel_loop3A_337 : memref<8x8x129xf32, #tpu.memory_space<vmem>>[vector<16xi32>, vector<16xi32>, vector<16xi32>], vector<16xf32>,
      } {sc.loop_unroll_factor = 8 : i64, sc.parallel_access}
      %parallel_loop3A_110 = arith.constant 0 : i32
      %parallel_loop3A_111 = arith.constant 128 : i32
      %parallel_loop3A_112 = arith.constant 1 : i32
      scf.for %parallel_loop3A_333 = %parallel_loop3A_110 to %parallel_loop3A_111 step %parallel_loop3A_112  : i32 {
        %parallel_loop3A_334 = vector.broadcast %parallel_loop3A_333 : i32 to vector<16xi32>
        %parallel_loop3A_335 = arith.index_cast %parallel_loop3A_333 : i32 to index
        %parallel_loop3A_336 = arith.constant 16 : index
        %parallel_loop3A_337 = tpu.vector_load %arg6[%parallel_loop3A_335, %parallel_loop3A_336] {strides = array<i32>} : memref<128x64xf32, #tpu.memory_space<vmem>>, vector<16xf32>,
        tpu.vector_store_idx %arg10[%add3A_17, %and3A_6, %parallel_loop3A_334], %parallel_loop3A_337 : memref<8x8x129xf32, #tpu.memory_space<vmem>>[vector<16xi32>, vector<16xi32>, vector<16xi32>], vector<16xf32>,
      } {sc.loop_unroll_factor = 8 : i64, sc.parallel_access}
      %parallel_loop3A_113 = arith.constant 0 : i32
      %parallel_loop3A_114 = arith.constant 128 : i32
      %parallel_loop3A_115 = arith.constant 1 : i32
      scf.for %parallel_loop3A_333 = %parallel_loop3A_113 to %parallel_loop3A_114 step %parallel_loop3A_115  : i32 {
        %parallel_loop3A_334 = vector.broadcast %parallel_loop3A_333 : i32 to vector<16xi32>
        %parallel_loop3A_335 = arith.index_cast %parallel_loop3A_333 : i32 to index
        %parallel_loop3A_336 = arith.constant 32 : index
        %parallel_loop3A_337 = tpu.vector_load %arg6[%parallel_loop3A_335, %parallel_loop3A_336] {strides = array<i32>} : memref<128x64xf32, #tpu.memory_space<vmem>>, vector<16xf32>,
        tpu.vector_store_idx %arg10[%add3A_23, %and3A_6, %parallel_loop3A_334], %parallel_loop3A_337 : memref<8x8x129xf32, #tpu.memory_space<vmem>>[vector<16xi32>, vector<16xi32>, vector<16xi32>], vector<16xf32>,
      } {sc.loop_unroll_factor = 8 : i64, sc.parallel_access}
      %parallel_loop3A_116 = arith.constant 0 : i32
      %parallel_loop3A_117 = arith.constant 128 : i32
      %parallel_loop3A_118 = arith.constant 1 : i32
      scf.for %parallel_loop3A_333 = %parallel_loop3A_116 to %parallel_loop3A_117 step %parallel_loop3A_118  : i32 {
        %parallel_loop3A_334 = vector.broadcast %parallel_loop3A_333 : i32 to vector<16xi32>
        %parallel_loop3A_335 = arith.index_cast %parallel_loop3A_333 : i32 to index
        %parallel_loop3A_336 = arith.constant 48 : index
        %parallel_loop3A_337 = tpu.vector_load %arg6[%parallel_loop3A_335, %parallel_loop3A_336] {strides = array<i32>} : memref<128x64xf32, #tpu.memory_space<vmem>>, vector<16xf32>,
        tpu.vector_store_idx %arg10[%add3A_29, %and3A_6, %parallel_loop3A_334], %parallel_loop3A_337 : memref<8x8x129xf32, #tpu.memory_space<vmem>>[vector<16xi32>, vector<16xi32>, vector<16xi32>], vector<16xf32>,
      } {sc.loop_unroll_factor = 8 : i64, sc.parallel_access}
      %dma_start3A_119 = arith.constant 0 : i32
      %dma_start3A_120 = arith.constant 0 : i32
      %dma_start3A_121 = arith.constant 0 : i32
      %dma_start3A_122 = tpu.memref_slice %arg10[%dma_start3A_119, %dma_start3A_120, %dma_start3A_121] : memref<8x8x129xf32, #tpu.memory_space<vmem>> -> memref<8x8x128xf32, #tpu.memory_space<vmem>>
      %dma_start3A_123 = arith.constant 0 : i32
      %dma_start3A_124 = arith.constant 0 : i32
      %dma_start3A_125 = arith.constant 0 : i32
      %dma_start3A_126 = tpu.memref_slice %arg4[%div3A_99, %dma_start3A_123, %rem3A_100, %dma_start3A_124, %dma_start3A_125] : memref<200x8x32x8x128xf32, #tpu.memory_space<hbm>> -> memref<1x8x1x8x128xf32, #tpu.memory_space<hbm>>
      %dma_start3A_127 = tpu.memref_squeeze %dma_start3A_126 : memref<1x8x1x8x128xf32, #tpu.memory_space<hbm>> -> memref<8x8x128xf32, #tpu.memory_space<hbm>>
      %dma_start3A_128 = arith.constant 0 : i32
      %dma_start3A_129 = arith.constant 0 : i32
      %dma_start3A_130 = arith.constant 0 : i32
      %dma_start3A_131 = tpu.memref_slice %arg4[%div3A_99, %dma_start3A_128, %rem3A_100, %dma_start3A_129, %dma_start3A_130] : memref<200x8x32x8x128xf32, #tpu.memory_space<hbm>> -> memref<1x8x1x8x128xf32, #tpu.memory_space<hbm>>
      %dma_start3A_132 = tpu.memref_squeeze %dma_start3A_131 : memref<1x8x1x8x128xf32, #tpu.memory_space<hbm>> -> memref<8x8x128xf32, #tpu.memory_space<hbm>>
      %dma_start3A_133 = arith.constant 0 : i32
      %dma_start3A_134 = arith.constant 0 : i32
      %dma_start3A_135 = arith.constant 0 : i32
      %dma_start3A_136 = tpu.memref_slice %arg10[%dma_start3A_133, %dma_start3A_134, %dma_start3A_135] : memref<8x8x129xf32, #tpu.memory_space<vmem>> -> memref<8x8x128xf32, #tpu.memory_space<vmem>>
      tpu.enqueue_dma source(%dma_start3A_136 : memref<8x8x128xf32, #tpu.memory_space<vmem>>) target(%dma_start3A_132 : memref<8x8x128xf32, #tpu.memory_space<hbm>>) target_semaphore(%arg16 : memref<!tpu.dma_semaphore, #tpu.memory_space<semaphore_mem>>)
      %lt3A = arith.constant 49 : i32
      %lt3A_137 = arith.cmpi slt, %scan3A_93, %lt3A : i32
      %convert_element_type3A_138 = arith.extui %lt3A_137 : i1 to i32
      %cond3A_139 = arith.constant 0 : i32
      %cond3A_140 = arith.cmpi ne, %convert_element_type3A_138, %cond3A_139 : i32
      scf.if %cond3A_140 {
        %add3A_333 = arith.constant 4 : i32
        %add3A_334 = arith.addi %add3A_97, %add3A_333 : i32
        %mul3A_335 = arith.constant 128 : i32
        %mul3A_336 = arith.muli %add3A_334, %mul3A_335 : i32
        %dma_start3A_337 = tpu.memref_slice %arg5[%mul3A_336] : memref<25600xi32, #tpu.memory_space<vmem>> -> memref<128xi32, #tpu.memory_space<vmem>>
        %dma_start3A_338 = arith.constant 0 : i32
        %dma_start3A_339 = arith.constant 0 : i32
        %dma_start3A_340 = tpu.memref_slice %arg2[%dma_start3A_338, %dma_start3A_339] : memref<1000000x64xf32, #tpu.memory_space<hbm>> -> memref<1000000x64xf32, #tpu.memory_space<hbm>>
        tpu.enqueue_indirect_dma source(%dma_start3A_340 : memref<1000000x64xf32, #tpu.memory_space<hbm>>) target(%arg6 : memref<128x64xf32, #tpu.memory_space<vmem>>) offsets(%dma_start3A_337 : memref<128xi32, #tpu.memory_space<vmem>>) semaphore(%arg12 : memref<!tpu.dma_semaphore, #tpu.memory_space<semaphore_mem>>)
      } else {
      }
      %mul3A_141 = arith.constant 4 : i32
      %mul3A_142 = arith.muli %mul3A_141, %scan3A_93 : i32
      %add3A_143 = arith.constant 1 : i32
      %add3A_144 = arith.addi %mul3A_142, %add3A_143 : i32
      %add3A_145 = arith.addi %mul3A_2, %add3A_144 : i32
      %div3A_146 = arith.constant 32 : i32
      %div3A_147 = arith.divsi %add3A_145, %div3A_146 : i32
      %rem3A_148 = arith.constant 32 : i32
      %rem3A_149 = arith.remsi %add3A_145, %rem3A_148 : i32
      %dma_wait3A_150 = arith.constant 0 : i32
      %dma_wait3A_151 = tpu.memref_slice %arg5[%dma_wait3A_150] : memref<25600xi32, #tpu.memory_space<vmem>> -> memref<128xi32, #tpu.memory_space<vmem>>
      %dma_wait3A_152 = arith.constant 0 : i32
      %dma_wait3A_153 = arith.constant 0 : i32
      %dma_wait3A_154 = tpu.memref_slice %arg2[%dma_wait3A_152, %dma_wait3A_153] : memref<1000000x64xf32, #tpu.memory_space<hbm>> -> memref<1000000x64xf32, #tpu.memory_space<hbm>>
      tpu.wait_indirect_dma semaphore(%arg13 : memref<!tpu.dma_semaphore, #tpu.memory_space<semaphore_mem>>) src(%dma_wait3A_154 : memref<1000000x64xf32, #tpu.memory_space<hbm>>) dst(%arg7 : memref<128x64xf32, #tpu.memory_space<vmem>>)
      %gt3A_155 = arith.constant 0 : i32
      %gt3A_156 = arith.cmpi sgt, %scan3A_93, %gt3A_155 : i32
      %convert_element_type3A_157 = arith.extui %gt3A_156 : i1 to i32
      %cond3A_158 = arith.constant 0 : i32
      %cond3A_159 = arith.cmpi ne, %convert_element_type3A_157, %cond3A_158 : i32
      scf.if %cond3A_159 {
        %dma_wait3A_333 = arith.constant 0 : i32
        %dma_wait3A_334 = arith.constant 0 : i32
        %dma_wait3A_335 = arith.constant 0 : i32
        %dma_wait3A_336 = arith.constant 0 : i32
        %dma_wait3A_337 = arith.constant 0 : i32
        %dma_wait3A_338 = tpu.memref_slice %arg11[%dma_wait3A_335, %dma_wait3A_336, %dma_wait3A_337] : memref<8x8x129xf32, #tpu.memory_space<vmem>> -> memref<8x8x128xf32, #tpu.memory_space<vmem>>
        %dma_wait3A_339 = arith.constant 0 : i32
        %dma_wait3A_340 = arith.constant 0 : i32
        %dma_wait3A_341 = arith.constant 0 : i32
        %dma_wait3A_342 = tpu.memref_slice %arg4[%dma_wait3A_333, %dma_wait3A_339, %dma_wait3A_334, %dma_wait3A_340, %dma_wait3A_341] : memref<200x8x32x8x128xf32, #tpu.memory_space<hbm>> -> memref<1x8x1x8x128xf32, #tpu.memory_space<hbm>>
        %dma_wait3A_343 = tpu.memref_squeeze %dma_wait3A_342 : memref<1x8x1x8x128xf32, #tpu.memory_space<hbm>> -> memref<8x8x128xf32, #tpu.memory_space<hbm>>
        %dma_wait3A_344 = arith.constant 0 : i32
        %dma_wait3A_345 = arith.constant 0 : i32
        %dma_wait3A_346 = arith.constant 0 : i32
        %dma_wait3A_347 = tpu.memref_slice %arg4[%dma_wait3A_333, %dma_wait3A_344, %dma_wait3A_334, %dma_wait3A_345, %dma_wait3A_346] : memref<200x8x32x8x128xf32, #tpu.memory_space<hbm>> -> memref<1x8x1x8x128xf32, #tpu.memory_space<hbm>>
        %dma_wait3A_348 = tpu.memref_squeeze %dma_wait3A_347 : memref<1x8x1x8x128xf32, #tpu.memory_space<hbm>> -> memref<8x8x128xf32, #tpu.memory_space<hbm>>
        %dma_wait3A_349 = arith.constant 0 : i32
        %dma_wait3A_350 = arith.constant 0 : i32
        %dma_wait3A_351 = arith.constant 0 : i32
        %dma_wait3A_352 = tpu.memref_slice %arg11[%dma_wait3A_349, %dma_wait3A_350, %dma_wait3A_351] : memref<8x8x129xf32, #tpu.memory_space<vmem>> -> memref<8x8x128xf32, #tpu.memory_space<vmem>>
        tpu.wait_dma2 semaphore(%arg17 : memref<!tpu.dma_semaphore, #tpu.memory_space<semaphore_mem>>) src(%dma_wait3A_352 : memref<8x8x128xf32, #tpu.memory_space<vmem>>) dst(%dma_wait3A_348 : memref<8x8x128xf32, #tpu.memory_space<hbm>>)
      } else {
      }
      %parallel_loop3A_160 = arith.constant 0 : i32
      %parallel_loop3A_161 = arith.constant 128 : i32
      %parallel_loop3A_162 = arith.constant 1 : i32
      scf.for %parallel_loop3A_333 = %parallel_loop3A_160 to %parallel_loop3A_161 step %parallel_loop3A_162  : i32 {
        %parallel_loop3A_334 = vector.broadcast %parallel_loop3A_333 : i32 to vector<16xi32>
        %parallel_loop3A_335 = arith.index_cast %parallel_loop3A_333 : i32 to index
        %parallel_loop3A_336 = arith.constant 0 : index
        %parallel_loop3A_337 = tpu.vector_load %arg7[%parallel_loop3A_335, %parallel_loop3A_336] {strides = array<i32>} : memref<128x64xf32, #tpu.memory_space<vmem>>, vector<16xf32>,
        tpu.vector_store_idx %arg11[%add3A_11, %and3A_6, %parallel_loop3A_334], %parallel_loop3A_337 : memref<8x8x129xf32, #tpu.memory_space<vmem>>[vector<16xi32>, vector<16xi32>, vector<16xi32>], vector<16xf32>,
      } {sc.loop_unroll_factor = 8 : i64, sc.parallel_access}
      %parallel_loop3A_163 = arith.constant 0 : i32
      %parallel_loop3A_164 = arith.constant 128 : i32
      %parallel_loop3A_165 = arith.constant 1 : i32
      scf.for %parallel_loop3A_333 = %parallel_loop3A_163 to %parallel_loop3A_164 step %parallel_loop3A_165  : i32 {
        %parallel_loop3A_334 = vector.broadcast %parallel_loop3A_333 : i32 to vector<16xi32>
        %parallel_loop3A_335 = arith.index_cast %parallel_loop3A_333 : i32 to index
        %parallel_loop3A_336 = arith.constant 16 : index
        %parallel_loop3A_337 = tpu.vector_load %arg7[%parallel_loop3A_335, %parallel_loop3A_336] {strides = array<i32>} : memref<128x64xf32, #tpu.memory_space<vmem>>, vector<16xf32>,
        tpu.vector_store_idx %arg11[%add3A_17, %and3A_6, %parallel_loop3A_334], %parallel_loop3A_337 : memref<8x8x129xf32, #tpu.memory_space<vmem>>[vector<16xi32>, vector<16xi32>, vector<16xi32>], vector<16xf32>,
      } {sc.loop_unroll_factor = 8 : i64, sc.parallel_access}
      %parallel_loop3A_166 = arith.constant 0 : i32
      %parallel_loop3A_167 = arith.constant 128 : i32
      %parallel_loop3A_168 = arith.constant 1 : i32
      scf.for %parallel_loop3A_333 = %parallel_loop3A_166 to %parallel_loop3A_167 step %parallel_loop3A_168  : i32 {
        %parallel_loop3A_334 = vector.broadcast %parallel_loop3A_333 : i32 to vector<16xi32>
        %parallel_loop3A_335 = arith.index_cast %parallel_loop3A_333 : i32 to index
        %parallel_loop3A_336 = arith.constant 32 : index
        %parallel_loop3A_337 = tpu.vector_load %arg7[%parallel_loop3A_335, %parallel_loop3A_336] {strides = array<i32>} : memref<128x64xf32, #tpu.memory_space<vmem>>, vector<16xf32>,
        tpu.vector_store_idx %arg11[%add3A_23, %and3A_6, %parallel_loop3A_334], %parallel_loop3A_337 : memref<8x8x129xf32, #tpu.memory_space<vmem>>[vector<16xi32>, vector<16xi32>, vector<16xi32>], vector<16xf32>,
      } {sc.loop_unroll_factor = 8 : i64, sc.parallel_access}
      %parallel_loop3A_169 = arith.constant 0 : i32
      %parallel_loop3A_170 = arith.constant 128 : i32
      %parallel_loop3A_171 = arith.constant 1 : i32
      scf.for %parallel_loop3A_333 = %parallel_loop3A_169 to %parallel_loop3A_170 step %parallel_loop3A_171  : i32 {
        %parallel_loop3A_334 = vector.broadcast %parallel_loop3A_333 : i32 to vector<16xi32>
        %parallel_loop3A_335 = arith.index_cast %parallel_loop3A_333 : i32 to index
        %parallel_loop3A_336 = arith.constant 48 : index
        %parallel_loop3A_337 = tpu.vector_load %arg7[%parallel_loop3A_335, %parallel_loop3A_336] {strides = array<i32>} : memref<128x64xf32, #tpu.memory_space<vmem>>, vector<16xf32>,
        tpu.vector_store_idx %arg11[%add3A_29, %and3A_6, %parallel_loop3A_334], %parallel_loop3A_337 : memref<8x8x129xf32, #tpu.memory_space<vmem>>[vector<16xi32>, vector<16xi32>, vector<16xi32>], vector<16xf32>,
      } {sc.loop_unroll_factor = 8 : i64, sc.parallel_access}
      %dma_start3A_172 = arith.constant 0 : i32
      %dma_start3A_173 = arith.constant 0 : i32
      %dma_start3A_174 = arith.constant 0 : i32
      %dma_start3A_175 = tpu.memref_slice %arg11[%dma_start3A_172, %dma_start3A_173, %dma_start3A_174] : memref<8x8x129xf32, #tpu.memory_space<vmem>> -> memref<8x8x128xf32, #tpu.memory_space<vmem>>
      %dma_start3A_176 = arith.constant 0 : i32
      %dma_start3A_177 = arith.constant 0 : i32
      %dma_start3A_178 = arith.constant 0 : i32
      %dma_start3A_179 = tpu.memref_slice %arg4[%div3A_147, %dma_start3A_176, %rem3A_149, %dma_start3A_177, %dma_start3A_178] : memref<200x8x32x8x128xf32, #tpu.memory_space<hbm>> -> memref<1x8x1x8x128xf32, #tpu.memory_space<hbm>>
      %dma_start3A_180 = tpu.memref_squeeze %dma_start3A_179 : memref<1x8x1x8x128xf32, #tpu.memory_space<hbm>> -> memref<8x8x128xf32, #tpu.memory_space<hbm>>
      %dma_start3A_181 = arith.constant 0 : i32
      %dma_start3A_182 = arith.constant 0 : i32
      %dma_start3A_183 = arith.constant 0 : i32
      %dma_start3A_184 = tpu.memref_slice %arg4[%div3A_147, %dma_start3A_181, %rem3A_149, %dma_start3A_182, %dma_start3A_183] : memref<200x8x32x8x128xf32, #tpu.memory_space<hbm>> -> memref<1x8x1x8x128xf32, #tpu.memory_space<hbm>>
      %dma_start3A_185 = tpu.memref_squeeze %dma_start3A_184 : memref<1x8x1x8x128xf32, #tpu.memory_space<hbm>> -> memref<8x8x128xf32, #tpu.memory_space<hbm>>
      %dma_start3A_186 = arith.constant 0 : i32
      %dma_start3A_187 = arith.constant 0 : i32
      %dma_start3A_188 = arith.constant 0 : i32
      %dma_start3A_189 = tpu.memref_slice %arg11[%dma_start3A_186, %dma_start3A_187, %dma_start3A_188] : memref<8x8x129xf32, #tpu.memory_space<vmem>> -> memref<8x8x128xf32, #tpu.memory_space<vmem>>
      tpu.enqueue_dma source(%dma_start3A_189 : memref<8x8x128xf32, #tpu.memory_space<vmem>>) target(%dma_start3A_185 : memref<8x8x128xf32, #tpu.memory_space<hbm>>) target_semaphore(%arg17 : memref<!tpu.dma_semaphore, #tpu.memory_space<semaphore_mem>>)
      %lt3A_190 = arith.constant 49 : i32
      %lt3A_191 = arith.cmpi slt, %scan3A_93, %lt3A_190 : i32
      %convert_element_type3A_192 = arith.extui %lt3A_191 : i1 to i32
      %cond3A_193 = arith.constant 0 : i32
      %cond3A_194 = arith.cmpi ne, %convert_element_type3A_192, %cond3A_193 : i32
      scf.if %cond3A_194 {
        %add3A_333 = arith.constant 4 : i32
        %add3A_334 = arith.addi %add3A_144, %add3A_333 : i32
        %mul3A_335 = arith.constant 128 : i32
        %mul3A_336 = arith.muli %add3A_334, %mul3A_335 : i32
        %dma_start3A_337 = tpu.memref_slice %arg5[%mul3A_336] : memref<25600xi32, #tpu.memory_space<vmem>> -> memref<128xi32, #tpu.memory_space<vmem>>
        %dma_start3A_338 = arith.constant 0 : i32
        %dma_start3A_339 = arith.constant 0 : i32
        %dma_start3A_340 = tpu.memref_slice %arg2[%dma_start3A_338, %dma_start3A_339] : memref<1000000x64xf32, #tpu.memory_space<hbm>> -> memref<1000000x64xf32, #tpu.memory_space<hbm>>
        tpu.enqueue_indirect_dma source(%dma_start3A_340 : memref<1000000x64xf32, #tpu.memory_space<hbm>>) target(%arg7 : memref<128x64xf32, #tpu.memory_space<vmem>>) offsets(%dma_start3A_337 : memref<128xi32, #tpu.memory_space<vmem>>) semaphore(%arg13 : memref<!tpu.dma_semaphore, #tpu.memory_space<semaphore_mem>>)
      } else {
      }
      %mul3A_195 = arith.constant 4 : i32
      %mul3A_196 = arith.muli %mul3A_195, %scan3A_93 : i32
      %add3A_197 = arith.constant 2 : i32
      %add3A_198 = arith.addi %mul3A_196, %add3A_197 : i32
      %add3A_199 = arith.addi %mul3A_2, %add3A_198 : i32
      %div3A_200 = arith.constant 32 : i32
      %div3A_201 = arith.divsi %add3A_199, %div3A_200 : i32
      %rem3A_202 = arith.constant 32 : i32
      %rem3A_203 = arith.remsi %add3A_199, %rem3A_202 : i32
      %dma_wait3A_204 = arith.constant 0 : i32
      %dma_wait3A_205 = tpu.memref_slice %arg5[%dma_wait3A_204] : memref<25600xi32, #tpu.memory_space<vmem>> -> memref<128xi32, #tpu.memory_space<vmem>>
      %dma_wait3A_206 = arith.constant 0 : i32
      %dma_wait3A_207 = arith.constant 0 : i32
      %dma_wait3A_208 = tpu.memref_slice %arg2[%dma_wait3A_206, %dma_wait3A_207] : memref<1000000x64xf32, #tpu.memory_space<hbm>> -> memref<1000000x64xf32, #tpu.memory_space<hbm>>
      tpu.wait_indirect_dma semaphore(%arg14 : memref<!tpu.dma_semaphore, #tpu.memory_space<semaphore_mem>>) src(%dma_wait3A_208 : memref<1000000x64xf32, #tpu.memory_space<hbm>>) dst(%arg8 : memref<128x64xf32, #tpu.memory_space<vmem>>)
      %dma_wait3A_209 = arith.constant 0 : i32
      %dma_wait3A_210 = arith.constant 0 : i32
      %dma_wait3A_211 = arith.constant 0 : i32
      %dma_wait3A_212 = arith.constant 0 : i32
      %dma_wait3A_213 = arith.constant 0 : i32
      %dma_wait3A_214 = tpu.memref_slice %arg10[%dma_wait3A_211, %dma_wait3A_212, %dma_wait3A_213] : memref<8x8x129xf32, #tpu.memory_space<vmem>> -> memref<8x8x128xf32, #tpu.memory_space<vmem>>
      %dma_wait3A_215 = arith.constant 0 : i32
      %dma_wait3A_216 = arith.constant 0 : i32
      %dma_wait3A_217 = arith.constant 0 : i32
      %dma_wait3A_218 = tpu.memref_slice %arg4[%dma_wait3A_209, %dma_wait3A_215, %dma_wait3A_210, %dma_wait3A_216, %dma_wait3A_217] : memref<200x8x32x8x128xf32, #tpu.memory_space<hbm>> -> memref<1x8x1x8x128xf32, #tpu.memory_space<hbm>>
      %dma_wait3A_219 = tpu.memref_squeeze %dma_wait3A_218 : memref<1x8x1x8x128xf32, #tpu.memory_space<hbm>> -> memref<8x8x128xf32, #tpu.memory_space<hbm>>
      %dma_wait3A_220 = arith.constant 0 : i32
      %dma_wait3A_221 = arith.constant 0 : i32
      %dma_wait3A_222 = arith.constant 0 : i32
      %dma_wait3A_223 = tpu.memref_slice %arg4[%dma_wait3A_209, %dma_wait3A_220, %dma_wait3A_210, %dma_wait3A_221, %dma_wait3A_222] : memref<200x8x32x8x128xf32, #tpu.memory_space<hbm>> -> memref<1x8x1x8x128xf32, #tpu.memory_space<hbm>>
      %dma_wait3A_224 = tpu.memref_squeeze %dma_wait3A_223 : memref<1x8x1x8x128xf32, #tpu.memory_space<hbm>> -> memref<8x8x128xf32, #tpu.memory_space<hbm>>
      %dma_wait3A_225 = arith.constant 0 : i32
      %dma_wait3A_226 = arith.constant 0 : i32
      %dma_wait3A_227 = arith.constant 0 : i32
      %dma_wait3A_228 = tpu.memref_slice %arg10[%dma_wait3A_225, %dma_wait3A_226, %dma_wait3A_227] : memref<8x8x129xf32, #tpu.memory_space<vmem>> -> memref<8x8x128xf32, #tpu.memory_space<vmem>>
      tpu.wait_dma2 semaphore(%arg16 : memref<!tpu.dma_semaphore, #tpu.memory_space<semaphore_mem>>) src(%dma_wait3A_228 : memref<8x8x128xf32, #tpu.memory_space<vmem>>) dst(%dma_wait3A_224 : memref<8x8x128xf32, #tpu.memory_space<hbm>>)
      %parallel_loop3A_229 = arith.constant 0 : i32
      %parallel_loop3A_230 = arith.constant 128 : i32
      %parallel_loop3A_231 = arith.constant 1 : i32
      scf.for %parallel_loop3A_333 = %parallel_loop3A_229 to %parallel_loop3A_230 step %parallel_loop3A_231  : i32 {
        %parallel_loop3A_334 = vector.broadcast %parallel_loop3A_333 : i32 to vector<16xi32>
        %parallel_loop3A_335 = arith.index_cast %parallel_loop3A_333 : i32 to index
        %parallel_loop3A_336 = arith.constant 0 : index
        %parallel_loop3A_337 = tpu.vector_load %arg8[%parallel_loop3A_335, %parallel_loop3A_336] {strides = array<i32>} : memref<128x64xf32, #tpu.memory_space<vmem>>, vector<16xf32>,
        tpu.vector_store_idx %arg10[%add3A_11, %and3A_6, %parallel_loop3A_334], %parallel_loop3A_337 : memref<8x8x129xf32, #tpu.memory_space<vmem>>[vector<16xi32>, vector<16xi32>, vector<16xi32>], vector<16xf32>,
      } {sc.loop_unroll_factor = 8 : i64, sc.parallel_access}
      %parallel_loop3A_232 = arith.constant 0 : i32
      %parallel_loop3A_233 = arith.constant 128 : i32
      %parallel_loop3A_234 = arith.constant 1 : i32
      scf.for %parallel_loop3A_333 = %parallel_loop3A_232 to %parallel_loop3A_233 step %parallel_loop3A_234  : i32 {
        %parallel_loop3A_334 = vector.broadcast %parallel_loop3A_333 : i32 to vector<16xi32>
        %parallel_loop3A_335 = arith.index_cast %parallel_loop3A_333 : i32 to index
        %parallel_loop3A_336 = arith.constant 16 : index
        %parallel_loop3A_337 = tpu.vector_load %arg8[%parallel_loop3A_335, %parallel_loop3A_336] {strides = array<i32>} : memref<128x64xf32, #tpu.memory_space<vmem>>, vector<16xf32>,
        tpu.vector_store_idx %arg10[%add3A_17, %and3A_6, %parallel_loop3A_334], %parallel_loop3A_337 : memref<8x8x129xf32, #tpu.memory_space<vmem>>[vector<16xi32>, vector<16xi32>, vector<16xi32>], vector<16xf32>,
      } {sc.loop_unroll_factor = 8 : i64, sc.parallel_access}
      %parallel_loop3A_235 = arith.constant 0 : i32
      %parallel_loop3A_236 = arith.constant 128 : i32
      %parallel_loop3A_237 = arith.constant 1 : i32
      scf.for %parallel_loop3A_333 = %parallel_loop3A_235 to %parallel_loop3A_236 step %parallel_loop3A_237  : i32 {
        %parallel_loop3A_334 = vector.broadcast %parallel_loop3A_333 : i32 to vector<16xi32>
        %parallel_loop3A_335 = arith.index_cast %parallel_loop3A_333 : i32 to index
        %parallel_loop3A_336 = arith.constant 32 : index
        %parallel_loop3A_337 = tpu.vector_load %arg8[%parallel_loop3A_335, %parallel_loop3A_336] {strides = array<i32>} : memref<128x64xf32, #tpu.memory_space<vmem>>, vector<16xf32>,
        tpu.vector_store_idx %arg10[%add3A_23, %and3A_6, %parallel_loop3A_334], %parallel_loop3A_337 : memref<8x8x129xf32, #tpu.memory_space<vmem>>[vector<16xi32>, vector<16xi32>, vector<16xi32>], vector<16xf32>,
      } {sc.loop_unroll_factor = 8 : i64, sc.parallel_access}
      %parallel_loop3A_238 = arith.constant 0 : i32
      %parallel_loop3A_239 = arith.constant 128 : i32
      %parallel_loop3A_240 = arith.constant 1 : i32
      scf.for %parallel_loop3A_333 = %parallel_loop3A_238 to %parallel_loop3A_239 step %parallel_loop3A_240  : i32 {
        %parallel_loop3A_334 = vector.broadcast %parallel_loop3A_333 : i32 to vector<16xi32>
        %parallel_loop3A_335 = arith.index_cast %parallel_loop3A_333 : i32 to index
        %parallel_loop3A_336 = arith.constant 48 : index
        %parallel_loop3A_337 = tpu.vector_load %arg8[%parallel_loop3A_335, %parallel_loop3A_336] {strides = array<i32>} : memref<128x64xf32, #tpu.memory_space<vmem>>, vector<16xf32>,
        tpu.vector_store_idx %arg10[%add3A_29, %and3A_6, %parallel_loop3A_334], %parallel_loop3A_337 : memref<8x8x129xf32, #tpu.memory_space<vmem>>[vector<16xi32>, vector<16xi32>, vector<16xi32>], vector<16xf32>,
      } {sc.loop_unroll_factor = 8 : i64, sc.parallel_access}
      %dma_start3A_241 = arith.constant 0 : i32
      %dma_start3A_242 = arith.constant 0 : i32
      %dma_start3A_243 = arith.constant 0 : i32
      %dma_start3A_244 = tpu.memref_slice %arg10[%dma_start3A_241, %dma_start3A_242, %dma_start3A_243] : memref<8x8x129xf32, #tpu.memory_space<vmem>> -> memref<8x8x128xf32, #tpu.memory_space<vmem>>
      %dma_start3A_245 = arith.constant 0 : i32
      %dma_start3A_246 = arith.constant 0 : i32
      %dma_start3A_247 = arith.constant 0 : i32
      %dma_start3A_248 = tpu.memref_slice %arg4[%div3A_201, %dma_start3A_245, %rem3A_203, %dma_start3A_246, %dma_start3A_247] : memref<200x8x32x8x128xf32, #tpu.memory_space<hbm>> -> memref<1x8x1x8x128xf32, #tpu.memory_space<hbm>>
      %dma_start3A_249 = tpu.memref_squeeze %dma_start3A_248 : memref<1x8x1x8x128xf32, #tpu.memory_space<hbm>> -> memref<8x8x128xf32, #tpu.memory_space<hbm>>
      %dma_start3A_250 = arith.constant 0 : i32
      %dma_start3A_251 = arith.constant 0 : i32
      %dma_start3A_252 = arith.constant 0 : i32
      %dma_start3A_253 = tpu.memref_slice %arg4[%div3A_201, %dma_start3A_250, %rem3A_203, %dma_start3A_251, %dma_start3A_252] : memref<200x8x32x8x128xf32, #tpu.memory_space<hbm>> -> memref<1x8x1x8x128xf32, #tpu.memory_space<hbm>>
      %dma_start3A_254 = tpu.memref_squeeze %dma_start3A_253 : memref<1x8x1x8x128xf32, #tpu.memory_space<hbm>> -> memref<8x8x128xf32, #tpu.memory_space<hbm>>
      %dma_start3A_255 = arith.constant 0 : i32
      %dma_start3A_256 = arith.constant 0 : i32
      %dma_start3A_257 = arith.constant 0 : i32
      %dma_start3A_258 = tpu.memref_slice %arg10[%dma_start3A_255, %dma_start3A_256, %dma_start3A_257] : memref<8x8x129xf32, #tpu.memory_space<vmem>> -> memref<8x8x128xf32, #tpu.memory_space<vmem>>
      tpu.enqueue_dma source(%dma_start3A_258 : memref<8x8x128xf32, #tpu.memory_space<vmem>>) target(%dma_start3A_254 : memref<8x8x128xf32, #tpu.memory_space<hbm>>) target_semaphore(%arg16 : memref<!tpu.dma_semaphore, #tpu.memory_space<semaphore_mem>>)
      %lt3A_259 = arith.constant 49 : i32
      %lt3A_260 = arith.cmpi slt, %scan3A_93, %lt3A_259 : i32
      %convert_element_type3A_261 = arith.extui %lt3A_260 : i1 to i32
      %cond3A_262 = arith.constant 0 : i32
      %cond3A_263 = arith.cmpi ne, %convert_element_type3A_261, %cond3A_262 : i32
      scf.if %cond3A_263 {
        %add3A_333 = arith.constant 4 : i32
        %add3A_334 = arith.addi %add3A_198, %add3A_333 : i32
        %mul3A_335 = arith.constant 128 : i32
        %mul3A_336 = arith.muli %add3A_334, %mul3A_335 : i32
        %dma_start3A_337 = tpu.memref_slice %arg5[%mul3A_336] : memref<25600xi32, #tpu.memory_space<vmem>> -> memref<128xi32, #tpu.memory_space<vmem>>
        %dma_start3A_338 = arith.constant 0 : i32
        %dma_start3A_339 = arith.constant 0 : i32
        %dma_start3A_340 = tpu.memref_slice %arg2[%dma_start3A_338, %dma_start3A_339] : memref<1000000x64xf32, #tpu.memory_space<hbm>> -> memref<1000000x64xf32, #tpu.memory_space<hbm>>
        tpu.enqueue_indirect_dma source(%dma_start3A_340 : memref<1000000x64xf32, #tpu.memory_space<hbm>>) target(%arg8 : memref<128x64xf32, #tpu.memory_space<vmem>>) offsets(%dma_start3A_337 : memref<128xi32, #tpu.memory_space<vmem>>) semaphore(%arg14 : memref<!tpu.dma_semaphore, #tpu.memory_space<semaphore_mem>>)
      } else {
      }
      %mul3A_264 = arith.constant 4 : i32
      %mul3A_265 = arith.muli %mul3A_264, %scan3A_93 : i32
      %add3A_266 = arith.constant 3 : i32
      %add3A_267 = arith.addi %mul3A_265, %add3A_266 : i32
      %add3A_268 = arith.addi %mul3A_2, %add3A_267 : i32
      %div3A_269 = arith.constant 32 : i32
      %div3A_270 = arith.divsi %add3A_268, %div3A_269 : i32
      %rem3A_271 = arith.constant 32 : i32
      %rem3A_272 = arith.remsi %add3A_268, %rem3A_271 : i32
      %dma_wait3A_273 = arith.constant 0 : i32
      %dma_wait3A_274 = tpu.memref_slice %arg5[%dma_wait3A_273] : memref<25600xi32, #tpu.memory_space<vmem>> -> memref<128xi32, #tpu.memory_space<vmem>>
      %dma_wait3A_275 = arith.constant 0 : i32
      %dma_wait3A_276 = arith.constant 0 : i32
      %dma_wait3A_277 = tpu.memref_slice %arg2[%dma_wait3A_275, %dma_wait3A_276] : memref<1000000x64xf32, #tpu.memory_space<hbm>> -> memref<1000000x64xf32, #tpu.memory_space<hbm>>
      tpu.wait_indirect_dma semaphore(%arg15 : memref<!tpu.dma_semaphore, #tpu.memory_space<semaphore_mem>>) src(%dma_wait3A_277 : memref<1000000x64xf32, #tpu.memory_space<hbm>>) dst(%arg9 : memref<128x64xf32, #tpu.memory_space<vmem>>)
      %dma_wait3A_278 = arith.constant 0 : i32
      %dma_wait3A_279 = arith.constant 0 : i32
      %dma_wait3A_280 = arith.constant 0 : i32
      %dma_wait3A_281 = arith.constant 0 : i32
      %dma_wait3A_282 = arith.constant 0 : i32
      %dma_wait3A_283 = tpu.memref_slice %arg11[%dma_wait3A_280, %dma_wait3A_281, %dma_wait3A_282] : memref<8x8x129xf32, #tpu.memory_space<vmem>> -> memref<8x8x128xf32, #tpu.memory_space<vmem>>
      %dma_wait3A_284 = arith.constant 0 : i32
      %dma_wait3A_285 = arith.constant 0 : i32
      %dma_wait3A_286 = arith.constant 0 : i32
      %dma_wait3A_287 = tpu.memref_slice %arg4[%dma_wait3A_278, %dma_wait3A_284, %dma_wait3A_279, %dma_wait3A_285, %dma_wait3A_286] : memref<200x8x32x8x128xf32, #tpu.memory_space<hbm>> -> memref<1x8x1x8x128xf32, #tpu.memory_space<hbm>>
      %dma_wait3A_288 = tpu.memref_squeeze %dma_wait3A_287 : memref<1x8x1x8x128xf32, #tpu.memory_space<hbm>> -> memref<8x8x128xf32, #tpu.memory_space<hbm>>
      %dma_wait3A_289 = arith.constant 0 : i32
      %dma_wait3A_290 = arith.constant 0 : i32
      %dma_wait3A_291 = arith.constant 0 : i32
      %dma_wait3A_292 = tpu.memref_slice %arg4[%dma_wait3A_278, %dma_wait3A_289, %dma_wait3A_279, %dma_wait3A_290, %dma_wait3A_291] : memref<200x8x32x8x128xf32, #tpu.memory_space<hbm>> -> memref<1x8x1x8x128xf32, #tpu.memory_space<hbm>>
      %dma_wait3A_293 = tpu.memref_squeeze %dma_wait3A_292 : memref<1x8x1x8x128xf32, #tpu.memory_space<hbm>> -> memref<8x8x128xf32, #tpu.memory_space<hbm>>
      %dma_wait3A_294 = arith.constant 0 : i32
      %dma_wait3A_295 = arith.constant 0 : i32
      %dma_wait3A_296 = arith.constant 0 : i32
      %dma_wait3A_297 = tpu.memref_slice %arg11[%dma_wait3A_294, %dma_wait3A_295, %dma_wait3A_296] : memref<8x8x129xf32, #tpu.memory_space<vmem>> -> memref<8x8x128xf32, #tpu.memory_space<vmem>>
      tpu.wait_dma2 semaphore(%arg17 : memref<!tpu.dma_semaphore, #tpu.memory_space<semaphore_mem>>) src(%dma_wait3A_297 : memref<8x8x128xf32, #tpu.memory_space<vmem>>) dst(%dma_wait3A_293 : memref<8x8x128xf32, #tpu.memory_space<hbm>>)
      %parallel_loop3A_298 = arith.constant 0 : i32
      %parallel_loop3A_299 = arith.constant 128 : i32
      %parallel_loop3A_300 = arith.constant 1 : i32
      scf.for %parallel_loop3A_333 = %parallel_loop3A_298 to %parallel_loop3A_299 step %parallel_loop3A_300  : i32 {
        %parallel_loop3A_334 = vector.broadcast %parallel_loop3A_333 : i32 to vector<16xi32>
        %parallel_loop3A_335 = arith.index_cast %parallel_loop3A_333 : i32 to index
        %parallel_loop3A_336 = arith.constant 0 : index
        %parallel_loop3A_337 = tpu.vector_load %arg9[%parallel_loop3A_335, %parallel_loop3A_336] {strides = array<i32>} : memref<128x64xf32, #tpu.memory_space<vmem>>, vector<16xf32>,
        tpu.vector_store_idx %arg11[%add3A_11, %and3A_6, %parallel_loop3A_334], %parallel_loop3A_337 : memref<8x8x129xf32, #tpu.memory_space<vmem>>[vector<16xi32>, vector<16xi32>, vector<16xi32>], vector<16xf32>,
      } {sc.loop_unroll_factor = 8 : i64, sc.parallel_access}
      %parallel_loop3A_301 = arith.constant 0 : i32
      %parallel_loop3A_302 = arith.constant 128 : i32
      %parallel_loop3A_303 = arith.constant 1 : i32
      scf.for %parallel_loop3A_333 = %parallel_loop3A_301 to %parallel_loop3A_302 step %parallel_loop3A_303  : i32 {
        %parallel_loop3A_334 = vector.broadcast %parallel_loop3A_333 : i32 to vector<16xi32>
        %parallel_loop3A_335 = arith.index_cast %parallel_loop3A_333 : i32 to index
        %parallel_loop3A_336 = arith.constant 16 : index
        %parallel_loop3A_337 = tpu.vector_load %arg9[%parallel_loop3A_335, %parallel_loop3A_336] {strides = array<i32>} : memref<128x64xf32, #tpu.memory_space<vmem>>, vector<16xf32>,
        tpu.vector_store_idx %arg11[%add3A_17, %and3A_6, %parallel_loop3A_334], %parallel_loop3A_337 : memref<8x8x129xf32, #tpu.memory_space<vmem>>[vector<16xi32>, vector<16xi32>, vector<16xi32>], vector<16xf32>,
      } {sc.loop_unroll_factor = 8 : i64, sc.parallel_access}
      %parallel_loop3A_304 = arith.constant 0 : i32
      %parallel_loop3A_305 = arith.constant 128 : i32
      %parallel_loop3A_306 = arith.constant 1 : i32
      scf.for %parallel_loop3A_333 = %parallel_loop3A_304 to %parallel_loop3A_305 step %parallel_loop3A_306  : i32 {
        %parallel_loop3A_334 = vector.broadcast %parallel_loop3A_333 : i32 to vector<16xi32>
        %parallel_loop3A_335 = arith.index_cast %parallel_loop3A_333 : i32 to index
        %parallel_loop3A_336 = arith.constant 32 : index
        %parallel_loop3A_337 = tpu.vector_load %arg9[%parallel_loop3A_335, %parallel_loop3A_336] {strides = array<i32>} : memref<128x64xf32, #tpu.memory_space<vmem>>, vector<16xf32>,
        tpu.vector_store_idx %arg11[%add3A_23, %and3A_6, %parallel_loop3A_334], %parallel_loop3A_337 : memref<8x8x129xf32, #tpu.memory_space<vmem>>[vector<16xi32>, vector<16xi32>, vector<16xi32>], vector<16xf32>,
      } {sc.loop_unroll_factor = 8 : i64, sc.parallel_access}
      %parallel_loop3A_307 = arith.constant 0 : i32
      %parallel_loop3A_308 = arith.constant 128 : i32
      %parallel_loop3A_309 = arith.constant 1 : i32
      scf.for %parallel_loop3A_333 = %parallel_loop3A_307 to %parallel_loop3A_308 step %parallel_loop3A_309  : i32 {
        %parallel_loop3A_334 = vector.broadcast %parallel_loop3A_333 : i32 to vector<16xi32>
        %parallel_loop3A_335 = arith.index_cast %parallel_loop3A_333 : i32 to index
        %parallel_loop3A_336 = arith.constant 48 : index
        %parallel_loop3A_337 = tpu.vector_load %arg9[%parallel_loop3A_335, %parallel_loop3A_336] {strides = array<i32>} : memref<128x64xf32, #tpu.memory_space<vmem>>, vector<16xf32>,
        tpu.vector_store_idx %arg11[%add3A_29, %and3A_6, %parallel_loop3A_334], %parallel_loop3A_337 : memref<8x8x129xf32, #tpu.memory_space<vmem>>[vector<16xi32>, vector<16xi32>, vector<16xi32>], vector<16xf32>,
      } {sc.loop_unroll_factor = 8 : i64, sc.parallel_access}
      %dma_start3A_310 = arith.constant 0 : i32
      %dma_start3A_311 = arith.constant 0 : i32
      %dma_start3A_312 = arith.constant 0 : i32
      %dma_start3A_313 = tpu.memref_slice %arg11[%dma_start3A_310, %dma_start3A_311, %dma_start3A_312] : memref<8x8x129xf32, #tpu.memory_space<vmem>> -> memref<8x8x128xf32, #tpu.memory_space<vmem>>
      %dma_start3A_314 = arith.constant 0 : i32
      %dma_start3A_315 = arith.constant 0 : i32
      %dma_start3A_316 = arith.constant 0 : i32
      %dma_start3A_317 = tpu.memref_slice %arg4[%div3A_270, %dma_start3A_314, %rem3A_272, %dma_start3A_315, %dma_start3A_316] : memref<200x8x32x8x128xf32, #tpu.memory_space<hbm>> -> memref<1x8x1x8x128xf32, #tpu.memory_space<hbm>>
      %dma_start3A_318 = tpu.memref_squeeze %dma_start3A_317 : memref<1x8x1x8x128xf32, #tpu.memory_space<hbm>> -> memref<8x8x128xf32, #tpu.memory_space<hbm>>
      %dma_start3A_319 = arith.constant 0 : i32
      %dma_start3A_320 = arith.constant 0 : i32
      %dma_start3A_321 = arith.constant 0 : i32
      %dma_start3A_322 = tpu.memref_slice %arg4[%div3A_270, %dma_start3A_319, %rem3A_272, %dma_start3A_320, %dma_start3A_321] : memref<200x8x32x8x128xf32, #tpu.memory_space<hbm>> -> memref<1x8x1x8x128xf32, #tpu.memory_space<hbm>>
      %dma_start3A_323 = tpu.memref_squeeze %dma_start3A_322 : memref<1x8x1x8x128xf32, #tpu.memory_space<hbm>> -> memref<8x8x128xf32, #tpu.memory_space<hbm>>
      %dma_start3A_324 = arith.constant 0 : i32
      %dma_start3A_325 = arith.constant 0 : i32
      %dma_start3A_326 = arith.constant 0 : i32
      %dma_start3A_327 = tpu.memref_slice %arg11[%dma_start3A_324, %dma_start3A_325, %dma_start3A_326] : memref<8x8x129xf32, #tpu.memory_space<vmem>> -> memref<8x8x128xf32, #tpu.memory_space<vmem>>
      tpu.enqueue_dma source(%dma_start3A_327 : memref<8x8x128xf32, #tpu.memory_space<vmem>>) target(%dma_start3A_323 : memref<8x8x128xf32, #tpu.memory_space<hbm>>) target_semaphore(%arg17 : memref<!tpu.dma_semaphore, #tpu.memory_space<semaphore_mem>>)
      %lt3A_328 = arith.constant 49 : i32
      %lt3A_329 = arith.cmpi slt, %scan3A_93, %lt3A_328 : i32
      %convert_element_type3A_330 = arith.extui %lt3A_329 : i1 to i32
      %cond3A_331 = arith.constant 0 : i32
      %cond3A_332 = arith.cmpi ne, %convert_element_type3A_330, %cond3A_331 : i32
      scf.if %cond3A_332 {
        %add3A_333 = arith.constant 4 : i32
        %add3A_334 = arith.addi %add3A_267, %add3A_333 : i32
        %mul3A_335 = arith.constant 128 : i32
        %mul3A_336 = arith.muli %add3A_334, %mul3A_335 : i32
        %dma_start3A_337 = tpu.memref_slice %arg5[%mul3A_336] : memref<25600xi32, #tpu.memory_space<vmem>> -> memref<128xi32, #tpu.memory_space<vmem>>
        %dma_start3A_338 = arith.constant 0 : i32
        %dma_start3A_339 = arith.constant 0 : i32
        %dma_start3A_340 = tpu.memref_slice %arg2[%dma_start3A_338, %dma_start3A_339] : memref<1000000x64xf32, #tpu.memory_space<hbm>> -> memref<1000000x64xf32, #tpu.memory_space<hbm>>
        tpu.enqueue_indirect_dma source(%dma_start3A_340 : memref<1000000x64xf32, #tpu.memory_space<hbm>>) target(%arg9 : memref<128x64xf32, #tpu.memory_space<vmem>>) offsets(%dma_start3A_337 : memref<128xi32, #tpu.memory_space<vmem>>) semaphore(%arg15 : memref<!tpu.dma_semaphore, #tpu.memory_space<semaphore_mem>>)
      } else {
      }
    }
    %scan3A_53 = arith.constant 50 : i32
    %dma_wait3A = arith.constant 0 : i32
    %dma_wait3A_54 = arith.constant 0 : i32
    %dma_wait3A_55 = arith.constant 0 : i32
    %dma_wait3A_56 = arith.constant 0 : i32
    %dma_wait3A_57 = arith.constant 0 : i32
    %dma_wait3A_58 = tpu.memref_slice %arg10[%dma_wait3A_55, %dma_wait3A_56, %dma_wait3A_57] : memref<8x8x129xf32, #tpu.memory_space<vmem>> -> memref<8x8x128xf32, #tpu.memory_space<vmem>>
    %dma_wait3A_59 = arith.constant 0 : i32
    %dma_wait3A_60 = arith.constant 0 : i32
    %dma_wait3A_61 = arith.constant 0 : i32
    %dma_wait3A_62 = tpu.memref_slice %arg4[%dma_wait3A, %dma_wait3A_59, %dma_wait3A_54, %dma_wait3A_60, %dma_wait3A_61] : memref<200x8x32x8x128xf32, #tpu.memory_space<hbm>> -> memref<1x8x1x8x128xf32, #tpu.memory_space<hbm>>
    %dma_wait3A_63 = tpu.memref_squeeze %dma_wait3A_62 : memref<1x8x1x8x128xf32, #tpu.memory_space<hbm>> -> memref<8x8x128xf32, #tpu.memory_space<hbm>>
    %dma_wait3A_64 = arith.constant 0 : i32
    %dma_wait3A_65 = arith.constant 0 : i32
    %dma_wait3A_66 = arith.constant 0 : i32
    %dma_wait3A_67 = tpu.memref_slice %arg4[%dma_wait3A, %dma_wait3A_64, %dma_wait3A_54, %dma_wait3A_65, %dma_wait3A_66] : memref<200x8x32x8x128xf32, #tpu.memory_space<hbm>> -> memref<1x8x1x8x128xf32, #tpu.memory_space<hbm>>
    %dma_wait3A_68 = tpu.memref_squeeze %dma_wait3A_67 : memref<1x8x1x8x128xf32, #tpu.memory_space<hbm>> -> memref<8x8x128xf32, #tpu.memory_space<hbm>>
    %dma_wait3A_69 = arith.constant 0 : i32
    %dma_wait3A_70 = arith.constant 0 : i32
    %dma_wait3A_71 = arith.constant 0 : i32
    %dma_wait3A_72 = tpu.memref_slice %arg10[%dma_wait3A_69, %dma_wait3A_70, %dma_wait3A_71] : memref<8x8x129xf32, #tpu.memory_space<vmem>> -> memref<8x8x128xf32, #tpu.memory_space<vmem>>
    tpu.wait_dma2 semaphore(%arg16 : memref<!tpu.dma_semaphore, #tpu.memory_space<semaphore_mem>>) src(%dma_wait3A_72 : memref<8x8x128xf32, #tpu.memory_space<vmem>>) dst(%dma_wait3A_68 : memref<8x8x128xf32, #tpu.memory_space<hbm>>)
    %dma_wait3A_73 = arith.constant 0 : i32
    %dma_wait3A_74 = arith.constant 0 : i32
    %dma_wait3A_75 = arith.constant 0 : i32
    %dma_wait3A_76 = arith.constant 0 : i32
    %dma_wait3A_77 = arith.constant 0 : i32
    %dma_wait3A_78 = tpu.memref_slice %arg11[%dma_wait3A_75, %dma_wait3A_76, %dma_wait3A_77] : memref<8x8x129xf32, #tpu.memory_space<vmem>> -> memref<8x8x128xf32, #tpu.memory_space<vmem>>
    %dma_wait3A_79 = arith.constant 0 : i32
    %dma_wait3A_80 = arith.constant 0 : i32
    %dma_wait3A_81 = arith.constant 0 : i32
    %dma_wait3A_82 = tpu.memref_slice %arg4[%dma_wait3A_73, %dma_wait3A_79, %dma_wait3A_74, %dma_wait3A_80, %dma_wait3A_81] : memref<200x8x32x8x128xf32, #tpu.memory_space<hbm>> -> memref<1x8x1x8x128xf32, #tpu.memory_space<hbm>>
    %dma_wait3A_83 = tpu.memref_squeeze %dma_wait3A_82 : memref<1x8x1x8x128xf32, #tpu.memory_space<hbm>> -> memref<8x8x128xf32, #tpu.memory_space<hbm>>
    %dma_wait3A_84 = arith.constant 0 : i32
    %dma_wait3A_85 = arith.constant 0 : i32
    %dma_wait3A_86 = arith.constant 0 : i32
    %dma_wait3A_87 = tpu.memref_slice %arg4[%dma_wait3A_73, %dma_wait3A_84, %dma_wait3A_74, %dma_wait3A_85, %dma_wait3A_86] : memref<200x8x32x8x128xf32, #tpu.memory_space<hbm>> -> memref<1x8x1x8x128xf32, #tpu.memory_space<hbm>>
    %dma_wait3A_88 = tpu.memref_squeeze %dma_wait3A_87 : memref<1x8x1x8x128xf32, #tpu.memory_space<hbm>> -> memref<8x8x128xf32, #tpu.memory_space<hbm>>
    %dma_wait3A_89 = arith.constant 0 : i32
    %dma_wait3A_90 = arith.constant 0 : i32
    %dma_wait3A_91 = arith.constant 0 : i32
    %dma_wait3A_92 = tpu.memref_slice %arg11[%dma_wait3A_89, %dma_wait3A_90, %dma_wait3A_91] : memref<8x8x129xf32, #tpu.memory_space<vmem>> -> memref<8x8x128xf32, #tpu.memory_space<vmem>>
    tpu.wait_dma2 semaphore(%arg17 : memref<!tpu.dma_semaphore, #tpu.memory_space<semaphore_mem>>) src(%dma_wait3A_92 : memref<8x8x128xf32, #tpu.memory_space<vmem>>) dst(%dma_wait3A_88 : memref<8x8x128xf32, #tpu.memory_space<hbm>>)
    return
  }
}

</mosaic_0001>

<sc_bundles>
// kernel: kernel.3.cloned.1.call-start
scs
__scs_entry_jumppad:
0x0: {  	(pc) =	sbr.rel $0x88, $3  }
0x1: {  	(tag) =	ssettag $0x0;
	lr =	simm.s32 $0x1  }
0x2: {  	[smem:$0x3F9F] =	sst lr;
	_ =	strace $0xD0000000  }
0x3: {  	_ = 	snop  }
0x4: {  	_ = 	snop  }
0x5: {  	_ = 	snop  }
0x6: {  	_ = 	snop  }
0x7: {  	_ = 	snop  }
__scs_overlays_trampoline_lowered:
0x8: {  	[smem:$0x3FAE] =	sst s0  }
0x9: {  	[smem:$0x3FAF] =	sst s1  }
0xa: {  	[smem:$0x3FB0] =	sst s2  }
0xb: {  	[smem:$0x3FB1] =	sst s3  }
0xc: {  	[smem:$0x3FB2] =	sst s4  }
0xd: {  	[smem:$0x3FB3] =	sst s5  }
0xe: {  	[smem:$0x3FB4] =	sst s6  }
0xf: {  	[smem:$0x3FB5] =	sst s7  }
0x10: {  	[smem:$0x3FB6] =	sst s8  }
0x11: {  	[smem:$0x3FB7] =	sst s9;
	s0 =	simm.s32 @!p0 $0x0  }
0x12: {  	s1 =	sld [smem:$0x3F9D];
	s0 =	simm.s32 @p0 $0x1  }
0x13: {  	[smem:$0x3FB8] =	sst s0;
	s0 =	simm.s32 @!p1 $0x0  }
0x14: {  	s2 =	sld [smem:$0x3F9C];
	s0 =	simm.s32 @p1 $0x1  }
0x15: {  	[smem:$0x3FB9] =	sst s0;
	s0 =	simm.s32 @!p2 $0x0  }
0x16: {  	s3 =	sld [smem:$0x3FDB];
	s0 =	simm.s32 @p2 $0x1  }
0x17: {  	s4 =	simm.s32 $0x1BF5;
	[smem:$0x3FBB] =	sst s0  }
0x18: {  	s0 =	sld [smem:$0x3F9E];
	_ =	swait.ge [sflag:s4], $0x0  }
0x19: {  	s7 =	sld [smem:$0x3F9F]  }
0x1a: {  	s8 =	sadd.s32 $0xFFFFE003, lr  }
0x1b: {  	s9 =	sadd.s32 $0xFFFFFEF7, lr;
	s5 =	simm.s32 $0xFFFFFFFF;
	p2 =	slt.u32 s8, $0xFFFFF086  }
0x1c: {  	p1 =	slt.u32 s9, $0xF7A;
	s5 =	simm.s32 @!p2 $0x0  }
0x1d: {  	s5 =	simm.s32 @p1 $0x1;
	p0 =	seq.s32 s7, s2  }
0x1e: {  	s7 =	smul.u32 @!p0 $0xF7A, s2;
	p2 =	seq.s32 @!p0 s5, $0x0  }
0x1f: {  	s9 =	smul.u32 $0xF7A, s1;
	s8 =	simm.s32 @!p0 $0x1BF5;
	p2 =	por !p2, p0  }
0x20: {  	[sflag:s8] =	ssyncset.s32 @!p0 $0xFFFFF086;
	s6 =	sadd.s32 @!p0 s3, s7;
	s7 =	simm.s32 @!p0 $0x108  }
0x21: {  	s3 =	sadd.s32 s3, s9;
	s6 =	sadd.s32 @!p0 $0x88, s6;
	s7 =	simm.s32 @p2 $0x1082  }
0x22: {  	[simem:s7], [sflag:s8] =	dma.local @!p0 [hbm:s6], $0xF7A  }
0x23: {  	s9 =	sor.u32 $0xD0000000, s2;
	s6 =	simm.s32 $0x108;
	_ =	swait.ge @!p0 [sflag:s8], $0x0  }
0x24: {  	s3 =	sadd.s32 $0x88, s3;
	s6 =	simm.s32 @!p1 $0x1082;
	[sflag:s4] =	ssyncset.s32 $0xFFFFF086  }
0x25: {  	[simem:s6], [sflag:s4] =	dma.local [hbm:s3], $0xF7A  }
0x26: {  	[smem:$0x3F9F] =	sst s1;
	(tag) =	ssettag s2;
	_ =	strace s9  }
0x27: {  	s1 =	sld [smem:$0x3FAF]  }
0x28: {  	s2 =	sld [smem:$0x3FB0]  }
0x29: {  	s4 =	sld [smem:$0x3FB2]  }
0x2a: {  	p0 =	seq.s32 s5, $0x0;
	s5 =	sld [smem:$0x3FB3]  }
0x2b: {  	s6 =	sld [smem:$0x3FB4]  }
0x2c: {  	s7 =	sld [smem:$0x3FB5]  }
0x2d: {  	s3 =	simm.s32 $0x108;
	s8 =	sld [smem:$0x3FB6]  }
0x2e: {  	s3 =	simm.s32 @!p0 $0x1082;
	s9 =	sld [smem:$0x3FB7]  }
0x2f: {  	lr =	sadd.s32 s0, s3;
	s0 =	sld [smem:$0x3FAE]  }
0x30: {  	s3 =	sld [smem:$0x3FB1]  }
0x31: {  	[smem:$0x3FBA] =	sst s10  }
0x32: {  	s10 =	sld [smem:$0x3FB8];
	_ =	sdelay $0x3  }
0x33: {  	p0 =	seq.s32 s10, $0x1;
	s10 =	sld [smem:$0x3FBA];
	_ =	sdelay $0x3  }
0x34: {  	[smem:$0x3FBA] =	sst s10  }
0x35: {  	s10 =	sld [smem:$0x3FB9];
	_ =	sdelay $0x3  }
0x36: {  	p1 =	seq.s32 s10, $0x1;
	s10 =	sld [smem:$0x3FBA];
	_ =	sdelay $0x3  }
0x37: {  	[smem:$0x3FBA] =	sst s10  }
0x38: {  	s10 =	sld [smem:$0x3FBB]  }
0x39: {  	_ = 	snop;
	(pc) =	sbr.ind lr, $3  }
0x3a: {  	_ = 	snop  }
0x3b: {  	_ = 	snop  }
0x3c: {  	p2 =	seq.s32 s10, $0x1;
	s10 =	sld [smem:$0x3FBA]  }
0x3d: {  	_ =	shalt  }
0x3e: {  	_ =	shalt  }
0x3f: {  	_ =	shalt  }
0x40: {  	_ =	shalt  }
0x41: {  	_ =	shalt  }
0x42: {  	_ =	shalt  }
0x43: {  	_ =	shalt  }
0x44: {  	_ =	shalt  }
0x45: {  	_ =	shalt  }
0x46: {  	_ =	shalt  }
0x47: {  	_ =	shalt  }
0x48: {  	_ =	shalt  }
0x49: {  	_ =	shalt  }
0x4a: {  	_ =	shalt  }
0x4b: {  	_ =	shalt  }
0x4c: {  	_ =	shalt  }
0x4d: {  	_ =	shalt  }
0x4e: {  	_ =	shalt  }
0x4f: {  	_ =	shalt  }
0x50: {  	_ =	shalt  }
0x51: {  	_ =	shalt  }
0x52: {  	_ =	shalt  }
0x53: {  	_ =	shalt  }
0x54: {  	_ =	shalt  }
0x55: {  	_ =	shalt  }
0x56: {  	_ =	shalt  }
0x57: {  	_ =	shalt  }
0x58: {  	_ =	shalt  }
0x59: {  	_ =	shalt  }
0x5a: {  	_ =	shalt  }
0x5b: {  	_ =	shalt  }
0x5c: {  	_ =	shalt  }
0x5d: {  	_ =	shalt  }
0x5e: {  	_ =	shalt  }
0x5f: {  	_ =	shalt  }
0x60: {  	_ =	shalt  }
0x61: {  	_ =	shalt  }
0x62: {  	_ =	shalt  }
0x63: {  	_ =	shalt  }
0x64: {  	_ =	shalt  }
0x65: {  	_ =	shalt  }
0x66: {  	_ =	shalt  }
0x67: {  	_ =	shalt  }
0x68: {  	_ =	shalt  }
0x69: {  	_ =	shalt  }
0x6a: {  	_ =	shalt  }
0x6b: {  	_ =	shalt  }
0x6c: {  	_ =	shalt  }
0x6d: {  	_ =	shalt  }
0x6e: {  	_ =	shalt  }
0x6f: {  	_ =	shalt  }
0x70: {  	_ =	shalt  }
0x71: {  	_ =	shalt  }
0x72: {  	_ =	shalt  }
0x73: {  	_ =	shalt  }
0x74: {  	_ =	shalt  }
0x75: {  	_ =	shalt  }
0x76: {  	_ =	shalt  }
0x77: {  	_ =	shalt  }
0x78: {  	_ =	shalt  }
0x79: {  	_ =	shalt  }
0x7a: {  	_ =	shalt  }
0x7b: {  	_ =	shalt  }
0x7c: {  	_ =	shalt  }
0x7d: {  	_ =	shalt  }
0x7e: {  	_ =	shalt  }
0x7f: {  	_ =	shalt  }
0x80: {  	_ =	shalt  }
0x81: {  	_ =	shalt  }
0x82: {  	_ =	shalt  }
0x83: {  	_ =	shalt  }
0x84: {  	_ =	shalt  }
0x85: {  	_ =	shalt  }
0x86: {  	_ =	shalt  }
0x87: {  	_ =	shalt  }
.Lfunc_end0:
.L_simem_size_0:
called_computation_lowered:
.L_overlay_start_0:
0x88: {  	s2 =	sld [smem:$0x3FD9]  }
0x89: {  	s3 =	sld [smem:$0x3FFE];
	_ =	sdelay $0x1  }
0x8a: {  	s1 =	srdreg.scid  }
0x8b: {  	s0 =	sand.u32 $0x1, s1  }
0x8c: {  	s17 =	sshll.u32 s0, $0xA;
	s2 =	sadd.s32 s3, s2  }
0x8d: {  	s2 =	sadd.s32 s2, s17  }
0x8e: {  	[smem:$0x3FC6] =	sst s2  }
0x8f: {  	_ = 	snop  }
0x90: {  	s2 =	sld [smem:$0x3FD0];
	(tm) =	ssettm $0x1  }
0x91: {  	s18 =	sld [smem:$0x3FFB];
	_ =	sdelay $0x3  }
0x92: {  	_ =	strace s18  }
0x93: {  	s3 =	sld [smem:$0x3FFC];
	_ =	sdelay $0x3  }
0x94: {  	_ =	strace s3  }
0x95: {  	s3 =	sld [smem:$0x3FFD];
	_ =	sdelay $0x3  }
0x96: {  	_ =	strace s3  }
0x97: {  	_ =	strace $0x8FFFFFFF  }
0x98: {  	s19 =	sld [smem:$0x3FDB];
	_ =	sdelay $0x1  }
0x99: {  	s4 =	simm.s32 $_scs_section_size  }
0x9a: {  	s5 =	simm.s32 $_size__tile_overlayer_lowered;
	s6 =	simm.s32 $_tile_overlayer_lowered  }
0x9b: {  	s22 =	simm.s32 $0x1BFF;
	s21 =	sshll.u32 s6, $0x1;
	s3 =	sadd.s32 s4, s19  }
0x9c: {  	s7 =	simm.s32 $0x0;
	s20 =	sshll.u32 s5, $0x1;
	s5 =	sadd.s32 s21, s3  }
0x9d: {  	[timem:s7], [sflag:s22] =	dma.local [hbm:s5], s20  }
0x9e: {  	_ =	swait.ge [sflag:s22], s20  }
0x9f: {  	s4 =	ssub.s32 $0x0, s20;
	[sflag:s22] =	ssyncset.done $0x0  }
0xa0: {  	[sflag:s22] =	ssyncadd.s32 s4;
	_ =	sdelay $0x1  }
0xa1: {  	s23 =	simm.s32 $0x1B8B  }
0xa2: {  	_ =	swait.ge [sflag:s23], $0x1  }
0xa3: {  	[sflag:s23] =	ssyncset.done $0x0  }
0xa4: {  	s25 =	simm.s32 $0x1B8E;
	s24 =	sld [smem:$0x3FFE];
	[sflag:s23] =	ssyncadd.s32 $0xFFFFFFFF  }
0xa5: {  	s26 =	simm.s32 $execute0_lowered;
	[smem:$0x3FD2] =	sst s25  }
0xa6: {  	s5 =	sshll.u32 s26, $0x1;
	_ =	strace $0x80000046;
	[dreg:$0x1] =	wrdreg $0xFFFFFFFF  }
0xa7: {  	s28 =	simm.s32 $_size_execute0_lowered;
	s3 =	sadd.s32 s3, s5;
	[dreg:$0x0] =	wrdreg $0x0  }
0xa8: {  	s5 =	sshll.u32 s28, $0x1;
	[dreg:$0x2] =	wrdreg s3  }
0xa9: {  	[dreg:$0x3] =	wrdreg s5  }
0xaa: {  	[dreg:$0x4] =	wrdreg $0xC0  }
0xab: {  	_ =	task [dreg:s7], $0x5FFFF  }
0xac: {  	[dreg:$0x1] =	wrdreg $0xFFFFFFFF  }
0xad: {  	[dreg:$0x0] =	wrdreg $0x60  }
0xae: {  	[dreg:$0x2] =	wrdreg s24  }
0xaf: {  	[dreg:$0x3] =	wrdreg s2  }
0xb0: {  	[dreg:$0x4] =	wrdreg $0x9  }
0xb1: {  	_ =	task.clear_ibuf [dreg:s7], $0x5FFFF;
	_ =	strace $0x90000046  }
0xb2: {  	s29 =	simm.s32 $0x9;
	_ =	strace $0x80000048  }
0xb3: {  	_ =	swait.ge [sflag:s29], $0x1  }
0xb4: {  	[sflag:s29] =	ssyncadd.s32 $0xFFFFFFFF  }
0xb5: {  	_ =	strace $0x90000048  }
0xb6: {  	_ =	sfence  }
0xb7: {  	s30 =	sld [smem:$0x0];
	_ =	sdelay $0x2  }
0xb8: {  	s31 =	sshll.u32 s1, $0xD;
	s1 =	sshrl.u32 s1, $0x2  }
0xb9: {  	s3 =	sand.u32 $0x4000, s31;
	s1 =	sadd.s32 s1, s30  }
0xba: {  	s0 =	sor.u32 s3, s0;
	s1 =	sshll.u32 s1, $0x11  }
0xbb: {  	s0 =	sor.u32 s1, s0  }
0xbc: {  	s0 =	sadd.s32 $0x8F2B, s0  }
0xbd: {  	[sflag:s0] =	ssyncadd.remote.s32 $0x1  }
0xbe: {  	_ =	sfence.sel $0xFFFF  }
0xbf: {  	[dreg:$0x0] =	wrdreg $0xFFFFFFFF;
	(pc) =	sbr.abs _section_cstart, $3  }
0xc0: {  	[dreg:$0x1] =	wrdreg $0xFFFFFFFF  }
0xc1: {  	_ =	task.clear_ibuf [dreg:s7], $0x2FFFF;
	_ =	strace $0x9FFFFFFF  }
0xc2: {  	(tm) =	ssettm $0x7FFFFFFF  }
0xc3: {  	_ =	shalt  }
tec
execute0_lowered:
.L_overlay_start_1:
0x0: {  	(tag) =	ssettag $0x1  }
0x1: {  	v0 =	vlaneseq.u32  }
0x2: {  	v0 =	vmul.u32 $0x88, v0  }
0x3: {  	s0 =	rddreg [dreg:$0x0];
	s1 =	srdreg.scid;
	v1 =	vimm.s32 $0x0;
	vm0 =	vcmask $0x300  }
0x4: {  	s3 =	stileid.u32;
	s2 =	rddreg [dreg:$0x1];
	v1 =	vsel vm0, $0x3, v1;
	v2 =	vor.u32 $0x1, v0  }
0x5: {  	s8 =	simm.s32 $0x7;
	s9 =	simm.s32 $0x80;
	s15 =	simm.s32 $0xC400;
	v3 =	vor.u32 $0x2, v0;
	v4 =	vor.u32 $0x3, v0;
	v5 =	vor.u32 $0x4, v0  }
0x6: {  	s16 =	simm.s32 $0x1;
	s17 =	simm.s32 $0xE400;
	s18 =	simm.s32 $0x2;
	v6 =	vor.u32 $0x5, v0;
	v7 =	vor.u32 $0x6, v0;
	v8 =	vor.u32 $0x7, v0  }
0x7: {  	s19 =	simm.s32 $0x10600;
	s1 =	sand.u32 $0x1, s1;
	s4 =	sshll.u32 s3, $0x1;
	v9 =	vadd.s32 $0x880, v0;
	v10 =	vadd.s32 $0x881, v0;
	v11 =	vadd.s32 $0x882, v0  }
0x8: {  	s20 =	simm.s32 $0x3;
	s21 =	simm.s32 $0x5;
	s5 =	sor.u32 s1, s4;
	v12 =	vadd.s32 $0x883, v0;
	v13 =	vadd.s32 $0x884, v0;
	v14 =	vadd.s32 $0x885, v0  }
0x9: {  	s22 =	simm.s32 $0x4;
	s1 =	ssub.s32 $0x2, s1;
	s6 =	smul.u32 $0xC80, s5;
	v15 =	vadd.s32 $0x886, v0;
	v16 =	vadd.s32 $0x887, v0;
	v17 =	vadd.s32 $0x1100, v0  }
.Ltmp0:
0xa: {  	s3 =	simm.s32 $0x0;
	s30 =	sshrl.u32 s1, $0x1;
	v18 =	vadd.s32 $0x1101, v0;
	v19 =	vadd.s32 $0x1102, v0;
	v20 =	vadd.s32 $0x1103, v0;
	(pc) =	sbr.rel .LBB2_1-.Ltmp0, $4  }
0xb: {  	s23 =	simm.s32 $0x6;
	[smem:$0x7FF] =	sst s3;
	v21 =	vadd.s32 $0x1104, v0;
	v22 =	vadd.s32 $0x1105, v0;
	v23 =	vadd.s32 $0x1106, v0;
	s1 =	ssub.s32 s1, s30  }
0xc: {  	s4 =	sadd.s32 $0xF42A00, s0;
	v24 =	vadd.s32 $0x1107, v0;
	v25 =	vadd.s32 $0x1980, v0;
	v26 =	vadd.s32 $0x1981, v0;
	s0 =	sadd.s32 s6, s0;
	s31 =	smax.u32 s1, $0x1  }
0xd: {  	_ =	strace $0x80000047;
	v27 =	vadd.s32 $0x1982, v0;
	v28 =	vadd.s32 $0x1983, v0;
	v29 =	vadd.s32 $0x1984, v0;
	s0 =	sadd.s32 $0x600, s0;
	[dreg:$0x4] =	wrdreg s31  }
0xe: {  	s24 =	simm.s32 $0x0;
	s5 =	smul.u32 $0xC8, s5;
	v30 =	vadd.s32 $0x1985, v0;
	v31 =	vadd.s32 $0x1986, v0;
	v32 =	vadd.s32 $0x1987, v0;
	[dreg:$0x3] =	wrdreg s0  }
.LBB2_64:
0xf: {  	_ =	swait.ge [sflag:s21], $0x2000  }
0x10: {  	[sflag:s21] =	ssyncset.done $0x0  }
0x11: {  	[sflag:s21] =	ssyncadd.s32 $0xFFFFE000  }
0x12: {  	_ =	swait.ge [sflag:s23], $0x2000  }
0x13: {  	s24 =	sadd.s32 $0x1, s24;
	s0 =	rddreg [dreg:$0x4]  }
0x14: {  	p0 =	sne.s32 s24, s0  }
.Ltmp1:
0x15: {  	_ = 	snop;
	(pc) =	sbr.rel @!p0 .LBB2_65-.Ltmp1, $3  }
0x16: {  	_ =	sdelay $0x1  }
0x17: {  	[sflag:s23] =	ssyncset.done $0x0  }
0x18: {  	[sflag:s23] =	ssyncadd.s32 $0xFFFFE000  }
.LBB2_1:
0x19: {  	s0 =	rddreg [dreg:$0x3]  }
0x1a: {  	[tilespmem:s3], [sflag:$0x7] =	stream.linear.gather [hbm4b:s0+s3], $0x6400, $0x38;
	[tilespmem:$0x12800] =	vst v63  }
0x1b: {  	_ =	swait.ge [sflag:s8], $0x6400  }
0x1c: {  	[sflag:s8] =	ssyncset.done $0x0  }
0x1d: {  	s28 =	simm.s32 $0x6400;
	[sflag:s8] =	ssyncadd.s32 $0xFFFF9C00  }
0x1e: {  	[tilespmem:s28], [sflag:$0x1] =	stream.indirect.gather [hbm4b:s4+s9], $0x40, s3, s9, $0xb8;
	[tilespmem:$0x12800] =	vst v63  }
0x1f: {  	s29 =	simm.s32 $0x8400  }
0x20: {  	[tilespmem:s29], [sflag:$0x2] =	stream.indirect.gather [hbm4b:s4+s9], $0x40, s9, s9, $0xb8;
	[tilespmem:$0x12800] =	vst v63  }
0x21: {  	s30 =	simm.s32 $0x100;
	s1 =	simm.s32 $0xA400  }
0x22: {  	[tilespmem:s1], [sflag:$0x3] =	stream.indirect.gather [hbm4b:s4+s9], $0x40, s30, s9, $0xb8;
	[tilespmem:$0x12800] =	vst v63  }
0x23: {  	s31 =	simm.s32 $0x180;
	s25 =	simm.s32 $0x0  }
0x24: {  	[tilespmem:s15], [sflag:$0x4] =	stream.indirect.gather [hbm4b:s4+s9], $0x40, s31, s9, $0xb8;
	[tilespmem:$0x12800] =	vst v63  }
.LBB2_2:
0x25: {  	s0 =	simm.s32 $0x0;
	s12 =	simm.s32 $0x1;
	s1 =	simm.s32 $0x2  }
0x26: {  	s6 =	simm.s32 $0x3;
	s13 =	simm.s32 $0x4;
	s10 =	simm.s32 $0x5;
	v33 =	vmov s0;
	v34 =	vmov s12;
	v35 =	vmov s1  }
0x27: {  	_ =	swait.ge [sflag:s16], $0x2000;
	s14 =	simm.s32 $0x7;
	s26 =	simm.s32 $0x6;
	v36 =	vmov s6;
	v37 =	vmov s13;
	v38 =	vmov s10  }
0x28: {  	p1 =	seq.s32 s25, $0x0;
	[sflag:s16] =	ssyncset.done $0x0;
	v39 =	vmov s14;
	v40 =	vmov s26;
	v33 =	vshrl.u32 v33, $0x3  }
0x29: {  	s1 =	simm.s32 @!p1 $0x5;
	[sflag:s16] =	ssyncadd.s32 $0xFFFFE000;
	v56 =	vshrl.u32 v39, $0x3;
	v57 =	vshrl.u32 v34, $0x3;
	v42 =	vshrl.u32 v35, $0x3  }
0x2a: {  	v43 =	vshrl.u32 v36, $0x3;
	v41 =	vshll.u32 v33, v1;
	_ =	swait.ge @!p1 [sflag:s1], $0x2000;
	v33 =	vshll.u32 v56, v1  }
0x2b: {  	v44 =	vshrl.u32 v37, $0x3;
	v38 =	vshrl.u32 v38, $0x3;
	[sflag:s1] =	ssyncset.done @!p1 $0x0;
	v33 =	vbroadcast v33, $0x0  }
0x2c: {  	s30 =	simm.s32 $0x6500;
	v62 =	vshrl.u32 v40, $0x3;
	v58 =	vshll.u32 v57, v1;
	v34 =	vbroadcast v41, $0x0;
	[sflag:s1] =	ssyncadd.s32 @!p1 $0xFFFFE000  }
0x2d: {  	v59 =	vshll.u32 v42, v1;
	v35 =	vbroadcast v58, $0x0;
	v60 =	vld [tilespmem:s30+$0xC0];
	v45 =	vadd.s32 v8, v33  }
0x2e: {  	v61 =	vshll.u32 v43, v1;
	v36 =	vbroadcast v59, $0x0;
	v46 =	vld [tilespmem:s30+$0xFFFFFF00];
	v47 =	vadd.s32 v0, v34  }
0x2f: {  	v63 =	vshll.u32 v44, v1;
	v37 =	vbroadcast v61, $0x0;
	v48 =	vld [tilespmem:s30+$0xFFFFFF40];
	v49 =	vadd.s32 v2, v35  }
0x30: {  	v38 =	vshll.u32 v38, v1;
	v40 =	vbroadcast v63, $0x0;
	v55 =	vld [tilespmem:s30+$0xFFFFFF80];
	v56 =	vadd.s32 v3, v36  }
0x31: {  	v39 =	vshll.u32 v62, v1;
	v38 =	vbroadcast v38, $0x0;
	v42 =	vld [tilespmem:s30+$0xFFFFFFC0];
	v44 =	vadd.s32 v4, v37  }
0x32: {  	s31 =	simm.s32 $0x8;
	s29 =	simm.s32 $0xC;
	v39 =	vbroadcast v39, $0x0;
	v43 =	vld [tilespmem:s30+$0x0];
	[tilespmem:v45+s17+$0x0] =	vst.idx.msk $0xffff, v60;
	v45 =	vadd.s32 v5, v40  }
0x33: {  	s11 =	simm.s32 $0x10;
	s26 =	sshll.u32 s25, $0x2;
	s0 =	simm.s32 $0xA;
	v52 =	vmov s29;
	[tilespmem:v47+s17+$0x0] =	vst.idx.msk $0xffff, v46;
	v46 =	vld [tilespmem:s30+$0x40];
	v47 =	vadd.s32 v6, v38  }
0x34: {  	s10 =	simm.s32 $0xB;
	s6 =	simm.s32 $0xD;
	v53 =	vmov s0;
	v41 =	vmov s31;
	s1 =	simm.s32 $0x9;
	[tilespmem:v49+s17+$0x0] =	vst.idx.msk $0xffff, v48;
	v48 =	vld [tilespmem:s30+$0x80];
	v49 =	vadd.s32 v7, v39  }
0x35: {  	s12 =	simm.s32 $0xE;
	s13 =	simm.s32 $0xF;
	s28 =	sadd.s32 s5, s26;
	v54 =	vmov s10;
	v50 =	vshrl.u32 v41, $0x3;
	v51 =	vmov s1;
	[tilespmem:v56+s17+$0x0] =	vst.idx.msk $0xffff, v55  }
.LBB2_3:
0x36: {  	p0 =	slt.u32 s11, $0x78;
	v55 =	vmov s6;
	v56 =	vmov s12;
	v57 =	vmov s13;
	[tilespmem:v44+s17+$0x0] =	vst.idx.msk $0xffff, v42  }
0x37: {  	v42 =	vshll.u32 v50, v1;
	v44 =	vshrl.u32 v51, $0x3;
	v50 =	vshrl.u32 v57, $0x3;
	[tilespmem:v45+s17+$0x0] =	vst.idx.msk $0xffff, v43  }
0x38: {  	v43 =	vshrl.u32 v53, $0x3;
	v45 =	vshrl.u32 v54, $0x3;
	v50 =	vshll.u32 v50, v1;
	[tilespmem:v47+s17+$0x0] =	vst.idx.msk $0xffff, v46  }
0x39: {  	v46 =	vshrl.u32 v52, $0x3;
	v47 =	vshrl.u32 v55, $0x3;
	v50 =	vbroadcast v50, $0x0;
	[tilespmem:v49+s17+$0x0] =	vst.idx.msk $0xffff, v48  }
0x3a: {  	s30 =	sadd.s32 $0x200, s30;
	v42 =	vbroadcast v42, $0x0;
	v44 =	vshll.u32 v44, v1;
	v48 =	vshrl.u32 v56, $0x3  }
0x3b: {  	v44 =	vbroadcast v44, $0x0;
	v43 =	vshll.u32 v43, v1;
	v49 =	vld [tilespmem:s30+$0xC0];
	v50 =	vadd.s32 v8, v50  }
0x3c: {  	v52 =	vadd.s32 v0, v42;
	v42 =	vbroadcast v43, $0x0;
	v43 =	vshll.u32 v45, v1;
	v51 =	vld [tilespmem:s30+$0xFFFFFF00]  }
0x3d: {  	v54 =	vadd.s32 v2, v44;
	v43 =	vbroadcast v43, $0x0;
	v44 =	vshll.u32 v46, v1;
	v53 =	vld [tilespmem:s30+$0xFFFFFF40]  }
0x3e: {  	v46 =	vshll.u32 v47, v1;
	v56 =	vadd.s32 v3, v42;
	v45 =	vbroadcast v44, $0x0;
	v55 =	vld [tilespmem:s30+$0xFFFFFF80]  }
.Ltmp2:
0x3f: {  	v47 =	vbroadcast v46, $0x0;
	v46 =	vshll.u32 v48, v1;
	v44 =	vadd.s32 v4, v43;
	v42 =	vld [tilespmem:s30+$0xFFFFFFC0];
	(pc) =	sbr.rel @p0 .LBB2_3-.Ltmp2, $4  }
0x40: {  	v57 =	vbroadcast v46, $0x0;
	v45 =	vadd.s32 v5, v45;
	v43 =	vld [tilespmem:s30+$0x0];
	[tilespmem:v50+s17+$0x0] =	vst.idx.msk $0xffff, v49  }
0x41: {  	s6 =	sadd.s32 $0x1, s11;
	s12 =	sadd.s32 $0x2, s11;
	v48 =	vmov s11;
	v47 =	vadd.s32 v6, v47;
	[tilespmem:v52+s17+$0x0] =	vst.idx.msk $0xffff, v51;
	v46 =	vld [tilespmem:s30+$0x40]  }
0x42: {  	s13 =	sadd.s32 $0x3, s11;
	s14 =	sadd.s32 $0x4, s11;
	v50 =	vshrl.u32 v48, $0x3;
	v49 =	vadd.s32 v7, v57;
	v51 =	vmov s6;
	s6 =	sadd.s32 $0x5, s11;
	[tilespmem:v54+s17+$0x0] =	vst.idx.msk $0xffff, v53;
	v48 =	vld [tilespmem:s30+$0x80]  }
0x43: {  	v52 =	vmov s14;
	v53 =	vmov s12;
	v54 =	vmov s13;
	s12 =	sadd.s32 $0x6, s11;
	s13 =	sadd.s32 $0x7, s11;
	s11 =	sadd.s32 $0x8, s11;
	[tilespmem:v56+s17+$0x0] =	vst.idx.msk $0xffff, v55  }
0x44: {  	v55 =	vmov s6;
	v56 =	vmov s12;
	v57 =	vmov s13  }
0x45: {  	v50 =	vshll.u32 v50, v1;
	v51 =	vshrl.u32 v51, $0x3;
	v53 =	vshrl.u32 v53, $0x3  }
0x46: {  	v54 =	vshrl.u32 v54, $0x3;
	v52 =	vshrl.u32 v52, $0x3;
	v57 =	vshrl.u32 v57, $0x3  }
0x47: {  	v55 =	vshrl.u32 v55, $0x3;
	v50 =	vbroadcast v50, $0x0;
	v57 =	vshll.u32 v57, v1  }
0x48: {  	s31 =	sadd.s32 $0x200, s30;
	v51 =	vshll.u32 v51, v1;
	v56 =	vshrl.u32 v56, $0x3;
	v57 =	vbroadcast v57, $0x0  }
0x49: {  	[tilespmem:v44+s17+$0x0] =	vst.idx.msk $0xffff, v42;
	v53 =	vshll.u32 v53, v1;
	v42 =	vld [tilespmem:s31+$0xFFFFFF00];
	v51 =	vbroadcast v51, $0x0;
	v44 =	vadd.s32 v0, v50  }
0x4a: {  	v58 =	vld [tilespmem:s31+$0xC0];
	v62 =	vshll.u32 v54, v1;
	v61 =	vbroadcast v53, $0x0;
	v57 =	vadd.s32 v8, v57  }
0x4b: {  	[tilespmem:v45+s17+$0x0] =	vst.idx.msk $0xffff, v43;
	v43 =	vld [tilespmem:s31+$0xFFFFFF40];
	v52 =	vshll.u32 v52, v1;
	v63 =	vbroadcast v62, $0x0;
	v45 =	vadd.s32 v2, v51  }
0x4c: {  	[tilespmem:v47+s17+$0x0] =	vst.idx.msk $0xffff, v46;
	v46 =	vld [tilespmem:s31+$0xFFFFFF80];
	v59 =	vshll.u32 v55, v1;
	v50 =	vbroadcast v52, $0x0;
	v47 =	vadd.s32 v3, v61  }
0x4d: {  	v62 =	vshll.u32 v56, v1;
	[tilespmem:v49+s17+$0x0] =	vst.idx.msk $0xffff, v48;
	v48 =	vld [tilespmem:s31+$0xFFFFFFC0];
	v60 =	vadd.s32 v4, v63;
	v61 =	vbroadcast v59, $0x0  }
0x4e: {  	v52 =	vbroadcast v62, $0x0;
	v63 =	vld [tilespmem:s31+$0x0];
	v50 =	vadd.s32 v5, v50;
	[tilespmem:v44+s17+$0x0] =	vst.idx.msk $0xffff, v42  }
0x4f: {  	v56 =	vld [tilespmem:s31+$0x40];
	[tilespmem:v57+s17+$0x0] =	vst.idx.msk $0xffff, v58;
	v57 =	vadd.s32 v6, v61  }
0x50: {  	v59 =	vadd.s32 v7, v52;
	[tilespmem:v45+s17+$0x0] =	vst.idx.msk $0xffff, v43;
	v58 =	vld [tilespmem:s31+$0x80]  }
0x51: {  	[tilespmem:v47+s17+$0x0] =	vst.idx.msk $0xffff, v46  }
0x52: {  	[tilespmem:v60+s17+$0x0] =	vst.idx.msk $0xffff, v48  }
0x53: {  	[tilespmem:v50+s17+$0x0] =	vst.idx.msk $0xffff, v63  }
0x54: {  	[tilespmem:v57+s17+$0x0] =	vst.idx.msk $0xffff, v56  }
0x55: {  	s30 =	simm.s32 $0x6510;
	[tilespmem:v59+s17+$0x0] =	vst.idx.msk $0xffff, v58  }
0x56: {  	v60 =	vadd.s32 v16, v33;
	v42 =	vld [tilespmem:s30+$0xC0]  }
0x57: {  	v61 =	vadd.s32 v9, v34;
	v44 =	vld [tilespmem:s30+$0xFFFFFF00]  }
0x58: {  	v62 =	vadd.s32 v10, v35;
	v46 =	vld [tilespmem:s30+$0xFFFFFF40]  }
0x59: {  	v63 =	vadd.s32 v11, v36;
	v48 =	vld [tilespmem:s30+$0xFFFFFF80]  }
0x5a: {  	v37 =	vadd.s32 v12, v37;
	v34 =	vld [tilespmem:s30+$0xFFFFFFC0]  }
0x5b: {  	v35 =	vadd.s32 v13, v40;
	v33 =	vld [tilespmem:s30+$0x0];
	[tilespmem:v60+s17+$0x0] =	vst.idx.msk $0xffff, v42  }
0x5c: {  	v38 =	vadd.s32 v14, v38;
	v36 =	vld [tilespmem:s30+$0x40];
	[tilespmem:v61+s17+$0x0] =	vst.idx.msk $0xffff, v44  }
0x5d: {  	v41 =	vshrl.u32 v41, $0x3;
	v39 =	vadd.s32 v15, v39;
	s6 =	simm.s32 $0xE;
	v45 =	vmov s10;
	v40 =	vld [tilespmem:s30+$0x80];
	[tilespmem:v62+s17+$0x0] =	vst.idx.msk $0xffff, v46  }
0x5e: {  	v43 =	vmov s29;
	s10 =	simm.s32 $0xF;
	v42 =	vmov s1;
	s1 =	simm.s32 $0xD;
	v44 =	vmov s0;
	s0 =	simm.s32 $0x10;
	[tilespmem:v63+s17+$0x0] =	vst.idx.msk $0xffff, v48  }
.LBB2_5:
0x5f: {  	p0 =	slt.u32 s0, $0x78;
	v46 =	vmov s1;
	v47 =	vmov s6;
	v48 =	vmov s10;
	[tilespmem:v37+s17+$0x0] =	vst.idx.msk $0xffff, v34  }
0x60: {  	v34 =	vshll.u32 v41, v1;
	v37 =	vshrl.u32 v42, $0x3;
	v41 =	vshrl.u32 v48, $0x3;
	[tilespmem:v35+s17+$0x0] =	vst.idx.msk $0xffff, v33  }
0x61: {  	v33 =	vshrl.u32 v44, $0x3;
	v35 =	vshrl.u32 v45, $0x3;
	v41 =	vshll.u32 v41, v1;
	[tilespmem:v38+s17+$0x0] =	vst.idx.msk $0xffff, v36  }
0x62: {  	v36 =	vshrl.u32 v43, $0x3;
	v38 =	vshrl.u32 v46, $0x3;
	v41 =	vbroadcast v41, $0x0;
	[tilespmem:v39+s17+$0x0] =	vst.idx.msk $0xffff, v40  }
0x63: {  	s30 =	sadd.s32 $0x200, s30;
	v34 =	vbroadcast v34, $0x0;
	v37 =	vshll.u32 v37, v1;
	v39 =	vshrl.u32 v47, $0x3  }
0x64: {  	v37 =	vbroadcast v37, $0x0;
	v33 =	vshll.u32 v33, v1;
	v40 =	vld [tilespmem:s30+$0xC0];
	v41 =	vadd.s32 v16, v41  }
0x65: {  	v43 =	vadd.s32 v9, v34;
	v33 =	vbroadcast v33, $0x0;
	v34 =	vshll.u32 v35, v1;
	v42 =	vld [tilespmem:s30+$0xFFFFFF00]  }
0x66: {  	v45 =	vadd.s32 v10, v37;
	v35 =	vbroadcast v34, $0x0;
	v34 =	vshll.u32 v36, v1;
	v44 =	vld [tilespmem:s30+$0xFFFFFF40]  }
0x67: {  	v47 =	vadd.s32 v11, v33;
	v36 =	vbroadcast v34, $0x0;
	v33 =	vshll.u32 v38, v1;
	v46 =	vld [tilespmem:s30+$0xFFFFFF80]  }
.Ltmp3:
0x68: {  	v39 =	vshll.u32 v39, v1;
	v37 =	vadd.s32 v12, v35;
	v38 =	vbroadcast v33, $0x0;
	v34 =	vld [tilespmem:s30+$0xFFFFFFC0];
	(pc) =	sbr.rel @p0 .LBB2_5-.Ltmp3, $4  }
0x69: {  	v39 =	vbroadcast v39, $0x0;
	v35 =	vadd.s32 v13, v36;
	v33 =	vld [tilespmem:s30+$0x0];
	[tilespmem:v41+s17+$0x0] =	vst.idx.msk $0xffff, v40  }
0x6a: {  	s1 =	sadd.s32 $0x1, s0;
	s6 =	sadd.s32 $0x2, s0;
	v38 =	vadd.s32 v14, v38;
	v40 =	vmov s0;
	[tilespmem:v43+s17+$0x0] =	vst.idx.msk $0xffff, v42;
	v36 =	vld [tilespmem:s30+$0x40]  }
0x6b: {  	s10 =	sadd.s32 $0x3, s0;
	s11 =	sadd.s32 $0x4, s0;
	v39 =	vadd.s32 v15, v39;
	v41 =	vshrl.u32 v40, $0x3;
	v42 =	vmov s1;
	s1 =	sadd.s32 $0x5, s0;
	[tilespmem:v45+s17+$0x0] =	vst.idx.msk $0xffff, v44;
	v40 =	vld [tilespmem:s30+$0x80]  }
0x6c: {  	v43 =	vmov s11;
	v44 =	vmov s6;
	v45 =	vmov s10;
	s6 =	sadd.s32 $0x6, s0;
	s10 =	sadd.s32 $0x7, s0;
	s0 =	sadd.s32 $0x8, s0;
	[tilespmem:v47+s17+$0x0] =	vst.idx.msk $0xffff, v46  }
0x6d: {  	v46 =	vmov s1;
	v47 =	vmov s6;
	v48 =	vmov s10  }
0x6e: {  	v41 =	vshll.u32 v41, v1;
	v42 =	vshrl.u32 v42, $0x3;
	v44 =	vshrl.u32 v44, $0x3  }
0x6f: {  	v45 =	vshrl.u32 v45, $0x3;
	v43 =	vshrl.u32 v43, $0x3;
	v48 =	vshrl.u32 v48, $0x3  }
0x70: {  	v46 =	vshrl.u32 v46, $0x3;
	v41 =	vbroadcast v41, $0x0;
	v42 =	vshll.u32 v42, v1  }
0x71: {  	s10 =	sadd.s32 $0x200, s30;
	v47 =	vshrl.u32 v47, $0x3;
	v44 =	vshll.u32 v44, v1;
	v42 =	vbroadcast v42, $0x0  }
0x72: {  	[tilespmem:v37+s17+$0x0] =	vst.idx.msk $0xffff, v34;
	v34 =	vld [tilespmem:s10+$0xFFFFFF00];
	v62 =	vshll.u32 v45, v1;
	v61 =	vbroadcast v44, $0x0;
	v37 =	vadd.s32 v9, v41  }
0x73: {  	v63 =	vld [tilespmem:s10+$0xFFFFFF40];
	v43 =	vshll.u32 v43, v1;
	v51 =	vbroadcast v62, $0x0;
	v50 =	vadd.s32 v10, v42  }
0x74: {  	[tilespmem:v35+s17+$0x0] =	vst.idx.msk $0xffff, v33;
	v52 =	vld [tilespmem:s10+$0xFFFFFF80];
	v48 =	vshll.u32 v48, v1;
	v54 =	vbroadcast v43, $0x0;
	v53 =	vadd.s32 v11, v61  }
0x75: {  	v56 =	vld [tilespmem:s10+$0xFFFFFFC0];
	[tilespmem:v38+s17+$0x0] =	vst.idx.msk $0xffff, v36;
	v55 =	vshll.u32 v46, v1;
	v48 =	vbroadcast v48, $0x0;
	v57 =	vadd.s32 v12, v51  }
0x76: {  	v60 =	vld [tilespmem:s10+$0x0];
	v59 =	vshll.u32 v47, v1;
	[tilespmem:v39+s17+$0x0] =	vst.idx.msk $0xffff, v40;
	v58 =	vbroadcast v55, $0x0;
	v41 =	vadd.s32 v13, v54  }
0x77: {  	v49 =	vld [tilespmem:s10+$0xC0];
	v43 =	vbroadcast v59, $0x0;
	v48 =	vadd.s32 v16, v48;
	[tilespmem:v37+s17+$0x0] =	vst.idx.msk $0xffff, v34  }
0x78: {  	v61 =	vld [tilespmem:s10+$0x40];
	v42 =	vadd.s32 v14, v58;
	[tilespmem:v50+s17+$0x0] =	vst.idx.msk $0xffff, v63  }
0x79: {  	s11 =	simm.s32 $0x0;
	s0 =	simm.s32 $0x6520;
	p2 =	por $0x1, $0x1;
	v62 =	vld [tilespmem:s10+$0x80];
	v43 =	vadd.s32 v15, v43;
	[tilespmem:v53+s17+$0x0] =	vst.idx.msk $0xffff, v52  }
.Ltmp4:
0x7a: {  	s12 =	simm.s32 $0x1;
	s13 =	simm.s32 $0x2;
	[tilespmem:v57+s17+$0x0] =	vst.idx.msk $0xffff, v56;
	(pc) =	sbr.rel @!p2 .LBB2_10-.Ltmp4, $4  }
0x7b: {  	s14 =	simm.s32 $0x3;
	s29 =	simm.s32 $0x5;
	s31 =	simm.s32 $0x6;
	[tilespmem:v41+s17+$0x0] =	vst.idx.msk $0xffff, v60  }
0x7c: {  	s1 =	simm.s32 $0x7;
	s30 =	simm.s32 $0x8;
	v33 =	vmov s12;
	v36 =	vmov s13;
	v63 =	vmov s11;
	s11 =	simm.s32 $0x4;
	[tilespmem:v48+s17+$0x0] =	vst.idx.msk $0xffff, v49  }
0x7d: {  	p0 =	por $0x0, $0x0;
	p3 =	por $0x0, $0x0;
	s12 =	simm.s32 $0x5;
	v37 =	vmov s14;
	v34 =	vshrl.u32 v63, $0x3;
	[tilespmem:v42+s17+$0x0] =	vst.idx.msk $0xffff, v61;
	v35 =	vmov s11  }
0x7e: {  	s13 =	simm.s32 $0x6;
	v47 =	vmovc v33;
	s10 =	simm.s32 $0x6520;
	s14 =	simm.s32 $0x7;
	v50 =	vmovc v37;
	[tilespmem:v43+s17+$0x0] =	vst.idx.msk $0xffff, v62;
	v48 =	vmov v36;
	v46 =	vmov v34;
	v49 =	vmov v35  }
0x7f: {  	v38 =	vmov s29;
	v39 =	vmov s1;
	v40 =	vmov s31  }
0x80: {  	v41 =	vshll.u32 v34, v1;
	v42 =	vshrl.u32 v33, $0x3;
	v43 =	vshrl.u32 v36, $0x3  }
0x81: {  	v44 =	vshrl.u32 v37, $0x3;
	v45 =	vshrl.u32 v35, $0x3;
	v39 =	vshrl.u32 v39, $0x3  }
0x82: {  	v38 =	vshrl.u32 v38, $0x3;
	v41 =	vbroadcast v41, $0x0;
	v42 =	vshll.u32 v42, v1  }
0x83: {  	v43 =	vshll.u32 v43, v1;
	v57 =	vshll.u32 v44, v1;
	v42 =	vbroadcast v42, $0x0  }
0x84: {  	v48 =	vld [tilespmem:s0+$0xFFFFFF00];
	v39 =	vshll.u32 v39, v1;
	v56 =	vbroadcast v43, $0x0;
	v49 =	vadd.s32 v17, v41  }
0x85: {  	v58 =	vld [tilespmem:s0+$0xFFFFFF40];
	v59 =	vshll.u32 v45, v1;
	v39 =	vbroadcast v39, $0x0;
	v50 =	vadd.s32 v18, v42  }
0x86: {  	v51 =	vld [tilespmem:s0+$0xFFFFFF80];
	v40 =	vshrl.u32 v40, $0x3;
	v41 =	vbroadcast v57, $0x0;
	v52 =	vadd.s32 v19, v56  }
0x87: {  	v46 =	vld [tilespmem:s0+$0xC0];
	p4 =	por $0x1, $0x1;
	v60 =	vshll.u32 v38, v1;
	v42 =	vbroadcast v59, $0x0;
	v47 =	vadd.s32 v24, v39  }
.Ltmp5:
0x88: {  	v62 =	vshll.u32 v40, v1;
	v61 =	vbroadcast v60, $0x0;
	v38 =	vadd.s32 v20, v41;
	v39 =	vld [tilespmem:s0+$0xFFFFFFC0];
	(pc) =	sbr.rel @!p4 .LBB2_8-.Ltmp5, $4  }
0x89: {  	s6 =	simm.s32 $0x9;
	v45 =	vbroadcast v62, $0x0;
	v41 =	vld [tilespmem:s0+$0x0];
	v40 =	vadd.s32 v21, v42;
	[tilespmem:v49+s17+$0x0] =	vst.idx.msk $0xffff, v48  }
0x8a: {  	v63 =	vmov s30;
	s10 =	simm.s32 $0xA;
	s11 =	simm.s32 $0xB;
	s7 =	simm.s32 $0xC;
	v43 =	vld [tilespmem:s0+$0x40];
	v42 =	vadd.s32 v22, v61;
	[tilespmem:v50+s17+$0x0] =	vst.idx.msk $0xffff, v58  }
0x8b: {  	s12 =	simm.s32 $0xD;
	s13 =	simm.s32 $0xE;
	s14 =	simm.s32 $0xF;
	v44 =	vld [tilespmem:s0+$0x80];
	v45 =	vadd.s32 v23, v45;
	v48 =	vmov s10;
	v49 =	vmov s7;
	[tilespmem:v52+s17+$0x0] =	vst.idx.msk $0xffff, v51  }
0x8c: {  	p3 =	por $0x1, $0x1;
	s10 =	simm.s32 $0x6520;
	v50 =	vmov s11;
	s11 =	simm.s32 $0x10;
	[tilespmem:v47+s17+$0x0] =	vst.idx.msk $0xffff, v46;
	v46 =	vshrl.u32 v63, $0x3;
	v47 =	vmov s6  }
.LBB2_9:
0x8d: {  	p4 =	slt.u32 s11, $0x78;
	v51 =	vmov s12;
	v52 =	vmov s13;
	v53 =	vmov s14;
	[tilespmem:v38+s17+$0x0] =	vst.idx.msk $0xffff, v39  }
0x8e: {  	v38 =	vshll.u32 v46, v1;
	v39 =	vshrl.u32 v47, $0x3;
	v46 =	vshrl.u32 v53, $0x3;
	[tilespmem:v40+s17+$0x0] =	vst.idx.msk $0xffff, v41  }
0x8f: {  	v40 =	vshrl.u32 v48, $0x3;
	v41 =	vshrl.u32 v50, $0x3;
	v46 =	vshll.u32 v46, v1;
	[tilespmem:v42+s17+$0x0] =	vst.idx.msk $0xffff, v43  }
0x90: {  	v42 =	vshrl.u32 v49, $0x3;
	v43 =	vshrl.u32 v51, $0x3;
	v46 =	vbroadcast v46, $0x0;
	[tilespmem:v45+s17+$0x0] =	vst.idx.msk $0xffff, v44  }
0x91: {  	s10 =	sadd.s32 $0x200, s10;
	v38 =	vbroadcast v38, $0x0;
	v39 =	vshll.u32 v39, v1;
	v44 =	vshrl.u32 v52, $0x3  }
0x92: {  	v39 =	vbroadcast v39, $0x0;
	v40 =	vshll.u32 v40, v1;
	v45 =	vld [tilespmem:s10+$0xC0];
	v46 =	vadd.s32 v24, v46  }
0x93: {  	v48 =	vadd.s32 v17, v38;
	v38 =	vbroadcast v40, $0x0;
	v40 =	vshll.u32 v41, v1;
	v47 =	vld [tilespmem:s10+$0xFFFFFF00]  }
0x94: {  	v50 =	vadd.s32 v18, v39;
	v40 =	vbroadcast v40, $0x0;
	v39 =	vshll.u32 v42, v1;
	v49 =	vld [tilespmem:s10+$0xFFFFFF40]  }
0x95: {  	v41 =	vshll.u32 v43, v1;
	v52 =	vadd.s32 v19, v38;
	v42 =	vbroadcast v39, $0x0;
	v51 =	vld [tilespmem:s10+$0xFFFFFF80]  }
.Ltmp6:
0x96: {  	v53 =	vbroadcast v41, $0x0;
	v43 =	vshll.u32 v44, v1;
	v38 =	vadd.s32 v20, v40;
	v39 =	vld [tilespmem:s10+$0xFFFFFFC0];
	(pc) =	sbr.rel @p4 .LBB2_9-.Ltmp6, $4  }
0x97: {  	v54 =	vbroadcast v43, $0x0;
	v40 =	vadd.s32 v21, v42;
	v41 =	vld [tilespmem:s10+$0x0];
	[tilespmem:v46+s17+$0x0] =	vst.idx.msk $0xffff, v45  }
0x98: {  	s6 =	sadd.s32 $0x1, s11;
	s7 =	sadd.s32 $0x2, s11;
	v44 =	vmov s11;
	v42 =	vadd.s32 v22, v53;
	[tilespmem:v48+s17+$0x0] =	vst.idx.msk $0xffff, v47;
	v43 =	vld [tilespmem:s10+$0x40]  }
0x99: {  	s13 =	sadd.s32 $0x4, s11;
	s12 =	sadd.s32 $0x5, s11;
	v46 =	vshrl.u32 v44, $0x3;
	v45 =	vadd.s32 v23, v54;
	v47 =	vmov s6;
	s6 =	sadd.s32 $0x3, s11;
	[tilespmem:v50+s17+$0x0] =	vst.idx.msk $0xffff, v49;
	v44 =	vld [tilespmem:s10+$0x80]  }
0x9a: {  	s14 =	sadd.s32 $0x7, s11;
	v48 =	vmov s7;
	v50 =	vmov s6;
	v49 =	vmov s13;
	s13 =	sadd.s32 $0x6, s11;
	s11 =	sadd.s32 $0x8, s11;
	[tilespmem:v52+s17+$0x0] =	vst.idx.msk $0xffff, v51  }
.LBB2_10:
0x9b: {  	v51 =	vmov s12;
	v52 =	vmov s13;
	v53 =	vmov s14  }
0x9c: {  	v46 =	vshll.u32 v46, v1;
	v47 =	vshrl.u32 v47, $0x3;
	v48 =	vshrl.u32 v48, $0x3  }
0x9d: {  	v50 =	vshrl.u32 v50, $0x3;
	v49 =	vshrl.u32 v49, $0x3;
	v53 =	vshrl.u32 v53, $0x3  }
0x9e: {  	s6 =	sadd.s32 @p3 $0x200, s10;
	v51 =	vshrl.u32 v51, $0x3;
	v46 =	vbroadcast v46, $0x0;
	v47 =	vshll.u32 v47, v1  }
0x9f: {  	v52 =	vshrl.u32 v52, $0x3;
	s0 =	smov.u32 @p3 s6;
	v48 =	vshll.u32 v48, v1;
	v47 =	vbroadcast v47, $0x0  }
0xa0: {  	[tilespmem:v38+s17+$0x0] =	vst.idx.msk @p3 $0xffff, v39;
	v59 =	vshll.u32 v50, v1;
	v38 =	vld [tilespmem:s0+$0xFFFFFF00];
	v58 =	vbroadcast v48, $0x0;
	v39 =	vadd.s32 v17, v46  }
0xa1: {  	[tilespmem:v40+s17+$0x0] =	vst.idx.msk @p3 $0xffff, v41;
	v61 =	vshll.u32 v49, v1;
	v40 =	vld [tilespmem:s0+$0xFFFFFF40];
	v60 =	vbroadcast v59, $0x0;
	v41 =	vadd.s32 v18, v47  }
0xa2: {  	v53 =	vshll.u32 v53, v1;
	[tilespmem:v42+s17+$0x0] =	vst.idx.msk @p3 $0xffff, v43;
	v42 =	vld [tilespmem:s0+$0xFFFFFF80];
	v62 =	vbroadcast v61, $0x0;
	v43 =	vadd.s32 v19, v58  }
0xa3: {  	v63 =	vshll.u32 v51, v1;
	v55 =	vld [tilespmem:s0+$0xFFFFFFC0];
	v53 =	vbroadcast v53, $0x0;
	v56 =	vadd.s32 v20, v60  }
0xa4: {  	v59 =	vld [tilespmem:s0+$0x0];
	[tilespmem:v45+s17+$0x0] =	vst.idx.msk @p3 $0xffff, v44;
	v57 =	vbroadcast v63, $0x0;
	v58 =	vshll.u32 v52, v1;
	v46 =	vadd.s32 v21, v62  }
0xa5: {  	v54 =	vld [tilespmem:s0+$0xC0];
	v53 =	vadd.s32 v24, v53;
	v48 =	vbroadcast v58, $0x0;
	[tilespmem:v39+s17+$0x0] =	vst.idx.msk $0xffff, v38  }
0xa6: {  	v60 =	vld [tilespmem:s0+$0x40];
	v61 =	vadd.s32 v22, v57;
	[tilespmem:v41+s17+$0x0] =	vst.idx.msk $0xffff, v40  }
0xa7: {  	v62 =	vld [tilespmem:s0+$0x80];
	v63 =	vadd.s32 v23, v48;
	[tilespmem:v43+s17+$0x0] =	vst.idx.msk $0xffff, v42  }
.Ltmp7:
0xa8: {  	[tilespmem:v56+s17+$0x0] =	vst.idx.msk $0xffff, v55;
	(pc) =	sbr.rel @!p2 .LBB2_11-.Ltmp7, $4  }
0xa9: {  	[tilespmem:v46+s17+$0x0] =	vst.idx.msk $0xffff, v59  }
0xaa: {  	[tilespmem:v53+s17+$0x0] =	vst.idx.msk $0xffff, v54  }
0xab: {  	[tilespmem:v61+s17+$0x0] =	vst.idx.msk $0xffff, v60  }
0xac: {  	s0 =	simm.s32 $0x6530;
	[tilespmem:v63+s17+$0x0] =	vst.idx.msk $0xffff, v62  }
0xad: {  	v38 =	vmov s29;
	v39 =	vmov s1;
	v40 =	vmov s31  }
0xae: {  	v34 =	vshll.u32 v34, v1;
	v33 =	vshrl.u32 v33, $0x3;
	v39 =	vshrl.u32 v39, $0x3  }
0xaf: {  	v36 =	vshrl.u32 v36, $0x3;
	v37 =	vshrl.u32 v37, $0x3;
	v39 =	vshll.u32 v39, v1  }
0xb0: {  	v35 =	vshrl.u32 v35, $0x3;
	v38 =	vshrl.u32 v38, $0x3;
	v39 =	vbroadcast v39, $0x0  }
0xb1: {  	v34 =	vbroadcast v34, $0x0;
	v33 =	vshll.u32 v33, v1;
	v36 =	vshll.u32 v36, v1  }
0xb2: {  	v41 =	vld [tilespmem:s0+$0xC0];
	v37 =	vshll.u32 v37, v1;
	v33 =	vbroadcast v33, $0x0;
	v42 =	vadd.s32 v32, v39  }
0xb3: {  	v43 =	vld [tilespmem:s0+$0xFFFFFF00];
	v35 =	vshll.u32 v35, v1;
	v36 =	vbroadcast v36, $0x0;
	v34 =	vadd.s32 v25, v34  }
0xb4: {  	v44 =	vld [tilespmem:s0+$0xFFFFFF40];
	v59 =	vshrl.u32 v40, $0x3;
	v57 =	vbroadcast v37, $0x0;
	v45 =	vadd.s32 v26, v33  }
0xb5: {  	v46 =	vld [tilespmem:s0+$0xFFFFFF80];
	p2 =	por $0x1, $0x1;
	v35 =	vbroadcast v35, $0x0;
	v58 =	vshll.u32 v38, v1;
	v47 =	vadd.s32 v27, v36  }
.Ltmp8:
0xb6: {  	v61 =	vshll.u32 v59, v1;
	v60 =	vbroadcast v58, $0x0;
	v38 =	vadd.s32 v28, v57;
	v39 =	vld [tilespmem:s0+$0xFFFFFFC0];
	(pc) =	sbr.rel @!p2 .LBB2_13-.Ltmp8, $4  }
0xb7: {  	s14 =	simm.s32 $0x9;
	v62 =	vbroadcast v61, $0x0;
	v40 =	vadd.s32 v29, v35;
	[tilespmem:v42+s17+$0x0] =	vst.idx.msk $0xffff, v41;
	v41 =	vld [tilespmem:s0+$0x0]  }
0xb8: {  	v63 =	vmov s30;
	s6 =	simm.s32 $0xA;
	s7 =	simm.s32 $0xB;
	s10 =	simm.s32 $0xC;
	[tilespmem:v34+s17+$0x0] =	vst.idx.msk $0xffff, v43;
	v43 =	vld [tilespmem:s0+$0x40];
	v42 =	vadd.s32 v30, v60  }
0xb9: {  	s29 =	simm.s32 $0xD;
	s31 =	simm.s32 $0xE;
	s1 =	simm.s32 $0xF;
	v37 =	vmov s7;
	v33 =	vmov s14;
	[tilespmem:v45+s17+$0x0] =	vst.idx.msk $0xffff, v44;
	v44 =	vld [tilespmem:s0+$0x80];
	v45 =	vadd.s32 v31, v62  }
0xba: {  	s11 =	simm.s32 $0x10;
	p0 =	por $0x1, $0x1;
	v36 =	vmov s6;
	v35 =	vmov s10;
	s10 =	simm.s32 $0x6530;
	v34 =	vshrl.u32 v63, $0x3;
	[tilespmem:v47+s17+$0x0] =	vst.idx.msk $0xffff, v46  }
.LBB2_14:
0xbb: {  	p2 =	slt.u32 s11, $0x78;
	v46 =	vmov s29;
	v47 =	vmov s31;
	v48 =	vmov s1;
	[tilespmem:v38+s17+$0x0] =	vst.idx.msk $0xffff, v39  }
0xbc: {  	v34 =	vshll.u32 v34, v1;
	v33 =	vshrl.u32 v33, $0x3;
	v38 =	vshrl.u32 v48, $0x3;
	[tilespmem:v40+s17+$0x0] =	vst.idx.msk $0xffff, v41  }
0xbd: {  	v36 =	vshrl.u32 v36, $0x3;
	v37 =	vshrl.u32 v37, $0x3;
	v38 =	vshll.u32 v38, v1;
	[tilespmem:v42+s17+$0x0] =	vst.idx.msk $0xffff, v43  }
0xbe: {  	v35 =	vshrl.u32 v35, $0x3;
	v39 =	vshrl.u32 v46, $0x3;
	v38 =	vbroadcast v38, $0x0;
	[tilespmem:v45+s17+$0x0] =	vst.idx.msk $0xffff, v44  }
0xbf: {  	s10 =	sadd.s32 $0x200, s10;
	v34 =	vbroadcast v34, $0x0;
	v33 =	vshll.u32 v33, v1;
	v40 =	vshrl.u32 v47, $0x3  }
0xc0: {  	v36 =	vshll.u32 v36, v1;
	v33 =	vbroadcast v33, $0x0;
	v42 =	vld [tilespmem:s10+$0xC0];
	v43 =	vadd.s32 v32, v38  }
0xc1: {  	v37 =	vshll.u32 v37, v1;
	v36 =	vbroadcast v36, $0x0;
	v34 =	vadd.s32 v25, v34;
	v44 =	vld [tilespmem:s10+$0xFFFFFF00]  }
0xc2: {  	v35 =	vshll.u32 v35, v1;
	v46 =	vadd.s32 v26, v33;
	v33 =	vbroadcast v37, $0x0;
	v45 =	vld [tilespmem:s10+$0xFFFFFF40]  }
0xc3: {  	v35 =	vbroadcast v35, $0x0;
	v48 =	vadd.s32 v27, v36;
	v36 =	vshll.u32 v39, v1;
	v47 =	vld [tilespmem:s10+$0xFFFFFF80]  }
.Ltmp9:
0xc4: {  	v38 =	vadd.s32 v28, v33;
	v33 =	vbroadcast v36, $0x0;
	v36 =	vshll.u32 v40, v1;
	v39 =	vld [tilespmem:s10+$0xFFFFFFC0];
	(pc) =	sbr.rel @p2 .LBB2_14-.Ltmp9, $4  }
0xc5: {  	v40 =	vadd.s32 v29, v35;
	v35 =	vbroadcast v36, $0x0;
	v41 =	vld [tilespmem:s10+$0x0];
	[tilespmem:v43+s17+$0x0] =	vst.idx.msk $0xffff, v42  }
0xc6: {  	s1 =	sadd.s32 $0x1, s11;
	s6 =	sadd.s32 $0x2, s11;
	v36 =	vmov s11;
	v42 =	vadd.s32 v30, v33;
	[tilespmem:v34+s17+$0x0] =	vst.idx.msk $0xffff, v44;
	v43 =	vld [tilespmem:s10+$0x40]  }
0xc7: {  	s7 =	sadd.s32 $0x4, s11;
	s29 =	sadd.s32 $0x5, s11;
	v33 =	vmov s1;
	s1 =	sadd.s32 $0x3, s11;
	v34 =	vshrl.u32 v36, $0x3;
	[tilespmem:v46+s17+$0x0] =	vst.idx.msk $0xffff, v45;
	v44 =	vld [tilespmem:s10+$0x80];
	v45 =	vadd.s32 v31, v35  }
0xc8: {  	s31 =	sadd.s32 $0x6, s11;
	v36 =	vmov s6;
	v37 =	vmov s1;
	s1 =	sadd.s32 $0x7, s11;
	s11 =	sadd.s32 $0x8, s11;
	v35 =	vmov s7;
	[tilespmem:v48+s17+$0x0] =	vst.idx.msk $0xffff, v47  }
.LBB2_15:
0xc9: {  	v46 =	vmov s29;
	v47 =	vmov s31;
	v48 =	vmov s1  }
0xca: {  	v34 =	vshll.u32 v34, v1;
	v33 =	vshrl.u32 v33, $0x3;
	v36 =	vshrl.u32 v36, $0x3  }
0xcb: {  	v37 =	vshrl.u32 v37, $0x3;
	v35 =	vshrl.u32 v35, $0x3;
	v48 =	vshrl.u32 v48, $0x3  }
0xcc: {  	s1 =	sadd.s32 @p0 $0x200, s10;
	v46 =	vshrl.u32 v46, $0x3;
	v34 =	vbroadcast v34, $0x0;
	v33 =	vshll.u32 v33, v1  }
0xcd: {  	v47 =	vshrl.u32 v47, $0x3;
	s0 =	smov.u32 @p0 s1;
	v36 =	vshll.u32 v36, v1;
	v33 =	vbroadcast v33, $0x0  }
0xce: {  	v37 =	vshll.u32 v37, v1;
	v53 =	vld [tilespmem:s0+$0xFFFFFF00];
	v36 =	vbroadcast v36, $0x0;
	v34 =	vadd.s32 v25, v34  }
0xcf: {  	[tilespmem:v38+s17+$0x0] =	vst.idx.msk @p0 $0xffff, v39;
	v35 =	vshll.u32 v35, v1;
	v54 =	vld [tilespmem:s0+$0xFFFFFF40];
	v37 =	vbroadcast v37, $0x0;
	v33 =	vadd.s32 v26, v33  }
0xd0: {  	[tilespmem:v40+s17+$0x0] =	vst.idx.msk @p0 $0xffff, v41;
	v48 =	vshll.u32 v48, v1;
	v55 =	vld [tilespmem:s0+$0xFFFFFF80];
	v35 =	vbroadcast v35, $0x0;
	v36 =	vadd.s32 v27, v36  }
0xd1: {  	[tilespmem:v42+s17+$0x0] =	vst.idx.msk @p0 $0xffff, v43;
	v56 =	vshll.u32 v46, v1;
	v57 =	vld [tilespmem:s0+$0xFFFFFFC0];
	v48 =	vbroadcast v48, $0x0;
	v37 =	vadd.s32 v28, v37  }
0xd2: {  	v58 =	vshll.u32 v47, v1;
	v59 =	vld [tilespmem:s0+$0x0];
	[tilespmem:v45+s17+$0x0] =	vst.idx.msk @p0 $0xffff, v44;
	v41 =	vbroadcast v56, $0x0;
	v35 =	vadd.s32 v29, v35  }
0xd3: {  	v49 =	vld [tilespmem:s0+$0xC0];
	v43 =	vbroadcast v58, $0x0;
	v48 =	vadd.s32 v32, v48;
	[tilespmem:v34+s17+$0x0] =	vst.idx.msk $0xffff, v53  }
0xd4: {  	v60 =	vld [tilespmem:s0+$0x40];
	v61 =	vadd.s32 v30, v41;
	[tilespmem:v33+s17+$0x0] =	vst.idx.msk $0xffff, v54  }
0xd5: {  	v62 =	vld [tilespmem:s0+$0x80];
	v63 =	vadd.s32 v31, v43;
	[tilespmem:v36+s17+$0x0] =	vst.idx.msk $0xffff, v55  }
0xd6: {  	[tilespmem:v37+s17+$0x0] =	vst.idx.msk $0xffff, v57  }
0xd7: {  	s14 =	sshll.u32 s28, $0x7;
	[tilespmem:v35+s17+$0x0] =	vst.idx.msk $0xffff, v59  }
0xd8: {  	s29 =	sshll.u32 s28, $0xA;
	s0 =	sand.u32 $0xE00, s14;
	[tilespmem:v48+s17+$0x0] =	vst.idx.msk $0xffff, v49  }
0xd9: {  	s1 =	sand.u32 $0xFFF8000, s29;
	s0 =	sadd.s32 s2, s0;
	[tilespmem:v61+s17+$0x0] =	vst.idx.msk $0xffff, v60  }
0xda: {  	s30 =	simm.s32 $0xE400;
	s1 =	sadd.s32 s1, s0;
	[tilespmem:v63+s17+$0x0] =	vst.idx.msk $0xffff, v62  }
0xdb: {  	[hbm4b:s1+s3] =	stream.linear.scatter [tilespmem:s30], [sflag:$0x5], $0x80, $0x38;
	[tilespmem:$0x12800] =	vst v63  }
0xdc: {  	s31 =	simm.s32 $0xE488;
	s6 =	sadd.s32 $0x10, s1  }
0xdd: {  	[hbm4b:s6+s3] =	stream.linear.scatter [tilespmem:s31], [sflag:$0x5], $0x80, $0x38;
	[tilespmem:$0x12800] =	vst v63  }
0xde: {  	s7 =	simm.s32 $0xE510;
	s11 =	simm.s32 $0xE598;
	s10 =	sadd.s32 $0x20, s1  }
0xdf: {  	[hbm4b:s10+s3] =	stream.linear.scatter [tilespmem:s7], [sflag:$0x5], $0x80, $0x38;
	[tilespmem:$0x12800] =	vst v63  }
0xe0: {  	s13 =	simm.s32 $0xE620;
	s28 =	simm.s32 $0xE6A8;
	s12 =	sadd.s32 $0x30, s1  }
0xe1: {  	[hbm4b:s12+s3] =	stream.linear.scatter [tilespmem:s11], [sflag:$0x5], $0x80, $0x38;
	[tilespmem:$0x12800] =	vst v63  }
0xe2: {  	s0 =	simm.s32 $0x440;
	s14 =	sadd.s32 $0x40, s1;
	s29 =	sadd.s32 $0x50, s1  }
0xe3: {  	[hbm4b:s14+s3] =	stream.linear.scatter [tilespmem:s13], [sflag:$0x5], $0x80, $0x38;
	[tilespmem:$0x12800] =	vst v63  }
0xe4: {  	s30 =	simm.s32 $0xE730;
	s31 =	sadd.s32 $0x60, s1;
	s6 =	simm.s32 $0x2200  }
0xe5: {  	[hbm4b:s29+s3] =	stream.linear.scatter [tilespmem:s28], [sflag:$0x5], $0x80, $0x38;
	[tilespmem:$0x12800] =	vst v63  }
0xe6: {  	s10 =	simm.s32 $0xE7B8;
	s11 =	sadd.s32 $0x70, s1;
	s1 =	sadd.s32 $0x1000, s1  }
0xe7: {  	[hbm4b:s31+s3] =	stream.linear.scatter [tilespmem:s30], [sflag:$0x5], $0x80, $0x38;
	[tilespmem:$0x12800] =	vst v63  }
.LBB2_16:
0xe8: {  	[hbm4b:s11+s3] =	stream.linear.scatter [tilespmem:s10], [sflag:$0x5], $0x80, $0x38;
	[tilespmem:$0x12800] =	vst v63  }
0xe9: {  	s7 =	smov.u32 s0;
	s0 =	smov.u32 s6  }
0xea: {  	s12 =	sadd.s32 $0x1100, s6;
	s0 =	sshra.s32 s0, $0x2;
	s10 =	sadd.s32 $0xE400, s7  }
0xeb: {  	[hbm4b:s1+s3] =	stream.linear.scatter [tilespmem:s10], [sflag:$0x5], $0x80, $0x38;
	[tilespmem:$0x12800] =	vst v63  }
0xec: {  	p0 =	sne.s32 s6, $0x7700;
	s6 =	sadd.s32 $0xE488, s7;
	s10 =	sadd.s32 $0x10, s1  }
0xed: {  	[hbm4b:s10+s3] =	stream.linear.scatter [tilespmem:s6], [sflag:$0x5], $0x80, $0x38;
	[tilespmem:$0x12800] =	vst v63  }
0xee: {  	s6 =	sadd.s32 $0xE510, s7;
	s10 =	sadd.s32 $0x20, s1  }
0xef: {  	[hbm4b:s10+s3] =	stream.linear.scatter [tilespmem:s6], [sflag:$0x5], $0x80, $0x38;
	[tilespmem:$0x12800] =	vst v63  }
0xf0: {  	s6 =	sadd.s32 $0xE598, s7;
	s10 =	sadd.s32 $0x30, s1  }
0xf1: {  	[hbm4b:s10+s3] =	stream.linear.scatter [tilespmem:s6], [sflag:$0x5], $0x80, $0x38;
	[tilespmem:$0x12800] =	vst v63  }
0xf2: {  	s6 =	sadd.s32 $0xE620, s7;
	s10 =	sadd.s32 $0x40, s1  }
0xf3: {  	[hbm4b:s10+s3] =	stream.linear.scatter [tilespmem:s6], [sflag:$0x5], $0x80, $0x38;
	[tilespmem:$0x12800] =	vst v63  }
.Ltmp10:
0xf4: {  	s6 =	sadd.s32 $0xE6A8, s7;
	s10 =	sadd.s32 $0x50, s1;
	(pc) =	sbr.rel @p0 .LBB2_16-.Ltmp10, $4  }
0xf5: {  	[hbm4b:s10+s3] =	stream.linear.scatter [tilespmem:s6], [sflag:$0x5], $0x80, $0x38;
	[tilespmem:$0x12800] =	vst v63  }
0xf6: {  	s11 =	sadd.s32 $0x70, s1;
	s6 =	sadd.s32 $0xE730, s7;
	s10 =	sadd.s32 $0x60, s1  }
0xf7: {  	[hbm4b:s10+s3] =	stream.linear.scatter [tilespmem:s6], [sflag:$0x5], $0x80, $0x38;
	[tilespmem:$0x12800] =	vst v63  }
0xf8: {  	s1 =	sadd.s32 $0x1000, s1;
	s10 =	sadd.s32 $0xE7B8, s7;
	s6 =	smov.u32 s12  }
0xf9: {  	[hbm4b:s11+s3] =	stream.linear.scatter [tilespmem:s10], [sflag:$0x5], $0x80, $0x38;
	[tilespmem:$0x12800] =	vst v63  }
0xfa: {  	s6 =	sadd.s32 $0xE400, s0  }
0xfb: {  	[hbm4b:s1+s3] =	stream.linear.scatter [tilespmem:s6], [sflag:$0x5], $0x80, $0x38;
	[tilespmem:$0x12800] =	vst v63  }
0xfc: {  	s12 =	sadd.s32 $0xE488, s0;
	s7 =	sadd.s32 $0x10, s1  }
0xfd: {  	[hbm4b:s7+s3] =	stream.linear.scatter [tilespmem:s12], [sflag:$0x5], $0x80, $0x38;
	[tilespmem:$0x12800] =	vst v63  }
0xfe: {  	s13 =	sadd.s32 $0xE510, s0;
	s14 =	sadd.s32 $0x20, s1;
	s10 =	sadd.s32 $0x30, s1  }
0xff: {  	[hbm4b:s14+s3] =	stream.linear.scatter [tilespmem:s13], [sflag:$0x5], $0x80, $0x38;
	[tilespmem:$0x12800] =	vst v63  }
0x100: {  	s11 =	sadd.s32 $0xE620, s0;
	p0 =	seq.s32 s25, $0x31;
	s7 =	sadd.s32 $0xE598, s0  }
0x101: {  	[hbm4b:s10+s3] =	stream.linear.scatter [tilespmem:s7], [sflag:$0x5], $0x80, $0x38;
	[tilespmem:$0x12800] =	vst v63  }
0x102: {  	s12 =	sadd.s32 $0x40, s1;
	s13 =	sadd.s32 $0xE6A8, s0;
	s14 =	sadd.s32 $0x50, s1  }
0x103: {  	[hbm4b:s12+s3] =	stream.linear.scatter [tilespmem:s11], [sflag:$0x5], $0x80, $0x38;
	[tilespmem:$0x12800] =	vst v63  }
0x104: {  	s10 =	sadd.s32 $0xE730, s0;
	s12 =	sadd.s32 $0xE7B8, s0;
	s0 =	sshll.u32 @!p0 s25, $0x9  }
0x105: {  	[hbm4b:s14+s3] =	stream.linear.scatter [tilespmem:s13], [sflag:$0x5], $0x80, $0x38;
	[tilespmem:$0x12800] =	vst v63  }
0x106: {  	s6 =	simm.s32 @!p0 $0x6400;
	s11 =	sadd.s32 $0x60, s1;
	s28 =	sand.u32 @!p0 $0x3FFFFE00, s0  }
0x107: {  	[hbm4b:s11+s3] =	stream.linear.scatter [tilespmem:s10], [sflag:$0x5], $0x80, $0x38;
	[tilespmem:$0x12800] =	vst v63  }
0x108: {  	s7 =	simm.s32 $0x3;
	s13 =	sadd.s32 $0x70, s1;
	s0 =	sadd.s32 @!p0 $0x200, s28  }
0x109: {  	[hbm4b:s13+s3] =	stream.linear.scatter [tilespmem:s12], [sflag:$0x5], $0x80, $0x38;
	[tilespmem:$0x12800] =	vst v63  }
0x10a: {  	v36 =	vmov s7;
	s1 =	simm.s32 @!p0 $0x80;
	s14 =	simm.s32 $0x0;
	s10 =	simm.s32 $0x4  }
0x10b: {  	v43 =	vshrl.u32 v36, $0x3;
	v33 =	vmov s14;
	[tilespmem:s6], [sflag:$0x1] =	stream.indirect.gather @!p0 [hbm4b:s4+s1], $0x40, s0, s1, $0xb8;
	[tilespmem:$0x12800] =	vst v63  }
0x10c: {  	v61 =	vshll.u32 v43, v1;
	v33 =	vshrl.u32 v33, $0x3;
	s11 =	simm.s32 $0x5;
	v37 =	vmov s10;
	s12 =	simm.s32 $0x7;
	_ =	swait.ge [sflag:s18], $0x2000  }
0x10d: {  	v38 =	vmov s11;
	v41 =	vshll.u32 v33, v1;
	v39 =	vmov s12;
	s1 =	simm.s32 $0x1;
	[sflag:s18] =	ssyncset.done $0x0  }
0x10e: {  	v44 =	vshrl.u32 v37, $0x3;
	v56 =	vshrl.u32 v39, $0x3;
	v34 =	vmov s1;
	s1 =	simm.s32 @!p1 $0x6;
	[sflag:s18] =	ssyncadd.s32 $0xFFFFE000  }
0x10f: {  	v38 =	vshrl.u32 v38, $0x3;
	v37 =	vbroadcast v61, $0x0;
	s6 =	simm.s32 $0x2;
	v33 =	vshll.u32 v56, v1;
	_ =	swait.ge @!p1 [sflag:s1], $0x2000  }
0x110: {  	v35 =	vmov s6;
	v57 =	vshrl.u32 v34, $0x3;
	v33 =	vbroadcast v33, $0x0;
	[sflag:s1] =	ssyncset.done @!p1 $0x0  }
0x111: {  	s31 =	simm.s32 $0x8500;
	v42 =	vshrl.u32 v35, $0x3;
	v34 =	vbroadcast v41, $0x0;
	v58 =	vshll.u32 v57, v1;
	[sflag:s1] =	ssyncadd.s32 @!p1 $0xFFFFE000  }
0x112: {  	s13 =	simm.s32 $0x6;
	v59 =	vshll.u32 v42, v1;
	v35 =	vbroadcast v58, $0x0;
	v45 =	vadd.s32 v8, v33;
	v60 =	vld [tilespmem:s31+$0xC0]  }
0x113: {  	v40 =	vmov s13;
	v47 =	vadd.s32 v0, v34;
	v36 =	vbroadcast v59, $0x0;
	v46 =	vld [tilespmem:s31+$0xFFFFFF00]  }
0x114: {  	v63 =	vshll.u32 v44, v1;
	v38 =	vshll.u32 v38, v1;
	v49 =	vadd.s32 v2, v35;
	v48 =	vld [tilespmem:s31+$0xFFFFFF40]  }
0x115: {  	v62 =	vshrl.u32 v40, $0x3;
	v40 =	vbroadcast v63, $0x0;
	v56 =	vadd.s32 v3, v36;
	v55 =	vld [tilespmem:s31+$0xFFFFFF80]  }
0x116: {  	v38 =	vbroadcast v38, $0x0;
	v44 =	vadd.s32 v4, v37;
	v39 =	vshll.u32 v62, v1;
	v42 =	vld [tilespmem:s31+$0xFFFFFFC0]  }
0x117: {  	s26 =	sadd.s32 s26, s5;
	s30 =	simm.s32 $0xC;
	v39 =	vbroadcast v39, $0x0;
	v43 =	vld [tilespmem:s31+$0x0];
	[tilespmem:v45+s19+$0x0] =	vst.idx.msk $0xffff, v60;
	v45 =	vadd.s32 v5, v40  }
0x118: {  	s29 =	sadd.s32 $0x1, s26;
	v52 =	vmov s30;
	s14 =	simm.s32 $0x8;
	s10 =	simm.s32 $0xB;
	[tilespmem:v47+s19+$0x0] =	vst.idx.msk $0xffff, v46;
	v46 =	vld [tilespmem:s31+$0x40];
	v47 =	vadd.s32 v6, v38  }
0x119: {  	s11 =	simm.s32 $0x10;
	v54 =	vmov s10;
	s0 =	simm.s32 $0xA;
	v41 =	vmov s14;
	s1 =	simm.s32 $0x9;
	[tilespmem:v49+s19+$0x0] =	vst.idx.msk $0xffff, v48;
	v48 =	vld [tilespmem:s31+$0x80];
	v49 =	vadd.s32 v7, v39  }
0x11a: {  	s12 =	simm.s32 $0xE;
	s13 =	simm.s32 $0xF;
	s6 =	simm.s32 $0xD;
	v53 =	vmov s0;
	v50 =	vshrl.u32 v41, $0x3;
	v51 =	vmov s1;
	[tilespmem:v56+s19+$0x0] =	vst.idx.msk $0xffff, v55  }
.LBB2_18:
0x11b: {  	p1 =	slt.u32 s11, $0x78;
	v55 =	vmov s6;
	v56 =	vmov s12;
	v57 =	vmov s13;
	[tilespmem:v44+s19+$0x0] =	vst.idx.msk $0xffff, v42  }
0x11c: {  	v42 =	vshll.u32 v50, v1;
	v44 =	vshrl.u32 v51, $0x3;
	v50 =	vshrl.u32 v57, $0x3;
	[tilespmem:v45+s19+$0x0] =	vst.idx.msk $0xffff, v43  }
0x11d: {  	v43 =	vshrl.u32 v53, $0x3;
	v45 =	vshrl.u32 v54, $0x3;
	v50 =	vshll.u32 v50, v1;
	[tilespmem:v47+s19+$0x0] =	vst.idx.msk $0xffff, v46  }
0x11e: {  	v46 =	vshrl.u32 v52, $0x3;
	v47 =	vshrl.u32 v55, $0x3;
	v50 =	vbroadcast v50, $0x0;
	[tilespmem:v49+s19+$0x0] =	vst.idx.msk $0xffff, v48  }
0x11f: {  	s31 =	sadd.s32 $0x200, s31;
	v42 =	vbroadcast v42, $0x0;
	v44 =	vshll.u32 v44, v1;
	v48 =	vshrl.u32 v56, $0x3  }
0x120: {  	v44 =	vbroadcast v44, $0x0;
	v43 =	vshll.u32 v43, v1;
	v49 =	vld [tilespmem:s31+$0xC0];
	v50 =	vadd.s32 v8, v50  }
0x121: {  	v52 =	vadd.s32 v0, v42;
	v42 =	vbroadcast v43, $0x0;
	v43 =	vshll.u32 v45, v1;
	v51 =	vld [tilespmem:s31+$0xFFFFFF00]  }
0x122: {  	v54 =	vadd.s32 v2, v44;
	v43 =	vbroadcast v43, $0x0;
	v44 =	vshll.u32 v46, v1;
	v53 =	vld [tilespmem:s31+$0xFFFFFF40]  }
0x123: {  	v46 =	vshll.u32 v47, v1;
	v56 =	vadd.s32 v3, v42;
	v45 =	vbroadcast v44, $0x0;
	v55 =	vld [tilespmem:s31+$0xFFFFFF80]  }
.Ltmp11:
0x124: {  	v47 =	vbroadcast v46, $0x0;
	v46 =	vshll.u32 v48, v1;
	v44 =	vadd.s32 v4, v43;
	v42 =	vld [tilespmem:s31+$0xFFFFFFC0];
	(pc) =	sbr.rel @p1 .LBB2_18-.Ltmp11, $4  }
0x125: {  	v57 =	vbroadcast v46, $0x0;
	v45 =	vadd.s32 v5, v45;
	v43 =	vld [tilespmem:s31+$0x0];
	[tilespmem:v50+s19+$0x0] =	vst.idx.msk $0xffff, v49  }
0x126: {  	s6 =	sadd.s32 $0x1, s11;
	s7 =	sadd.s32 $0x2, s11;
	v48 =	vmov s11;
	v47 =	vadd.s32 v6, v47;
	[tilespmem:v52+s19+$0x0] =	vst.idx.msk $0xffff, v51;
	v46 =	vld [tilespmem:s31+$0x40]  }
0x127: {  	s12 =	sadd.s32 $0x3, s11;
	s13 =	sadd.s32 $0x4, s11;
	v50 =	vshrl.u32 v48, $0x3;
	v49 =	vadd.s32 v7, v57;
	v51 =	vmov s6;
	s6 =	sadd.s32 $0x5, s11;
	[tilespmem:v54+s19+$0x0] =	vst.idx.msk $0xffff, v53;
	v48 =	vld [tilespmem:s31+$0x80]  }
0x128: {  	v52 =	vmov s13;
	s13 =	sadd.s32 $0x7, s11;
	v53 =	vmov s7;
	v54 =	vmov s12;
	s12 =	sadd.s32 $0x6, s11;
	s11 =	sadd.s32 $0x8, s11;
	[tilespmem:v56+s19+$0x0] =	vst.idx.msk $0xffff, v55  }
0x129: {  	v55 =	vmov s6;
	v56 =	vmov s12;
	v57 =	vmov s13  }
0x12a: {  	v50 =	vshll.u32 v50, v1;
	v51 =	vshrl.u32 v51, $0x3;
	v53 =	vshrl.u32 v53, $0x3  }
0x12b: {  	v54 =	vshrl.u32 v54, $0x3;
	v52 =	vshrl.u32 v52, $0x3;
	v57 =	vshrl.u32 v57, $0x3  }
0x12c: {  	v55 =	vshrl.u32 v55, $0x3;
	v50 =	vbroadcast v50, $0x0;
	v57 =	vshll.u32 v57, v1  }
0x12d: {  	s14 =	sadd.s32 $0x200, s31;
	v51 =	vshll.u32 v51, v1;
	v56 =	vshrl.u32 v56, $0x3;
	v57 =	vbroadcast v57, $0x0  }
0x12e: {  	[tilespmem:v44+s19+$0x0] =	vst.idx.msk $0xffff, v42;
	v53 =	vshll.u32 v53, v1;
	v42 =	vld [tilespmem:s14+$0xFFFFFF00];
	v51 =	vbroadcast v51, $0x0;
	v44 =	vadd.s32 v0, v50  }
0x12f: {  	v58 =	vld [tilespmem:s14+$0xC0];
	v62 =	vshll.u32 v54, v1;
	v61 =	vbroadcast v53, $0x0;
	v57 =	vadd.s32 v8, v57  }
0x130: {  	[tilespmem:v45+s19+$0x0] =	vst.idx.msk $0xffff, v43;
	v43 =	vld [tilespmem:s14+$0xFFFFFF40];
	v52 =	vshll.u32 v52, v1;
	v63 =	vbroadcast v62, $0x0;
	v45 =	vadd.s32 v2, v51  }
0x131: {  	[tilespmem:v47+s19+$0x0] =	vst.idx.msk $0xffff, v46;
	v46 =	vld [tilespmem:s14+$0xFFFFFF80];
	v59 =	vshll.u32 v55, v1;
	v50 =	vbroadcast v52, $0x0;
	v47 =	vadd.s32 v3, v61  }
0x132: {  	v62 =	vshll.u32 v56, v1;
	[tilespmem:v49+s19+$0x0] =	vst.idx.msk $0xffff, v48;
	v48 =	vld [tilespmem:s14+$0xFFFFFFC0];
	v60 =	vadd.s32 v4, v63;
	v61 =	vbroadcast v59, $0x0  }
0x133: {  	v52 =	vbroadcast v62, $0x0;
	v63 =	vld [tilespmem:s14+$0x0];
	v50 =	vadd.s32 v5, v50;
	[tilespmem:v44+s19+$0x0] =	vst.idx.msk $0xffff, v42  }
0x134: {  	v56 =	vld [tilespmem:s14+$0x40];
	[tilespmem:v57+s19+$0x0] =	vst.idx.msk $0xffff, v58;
	v57 =	vadd.s32 v6, v61  }
0x135: {  	v59 =	vadd.s32 v7, v52;
	[tilespmem:v45+s19+$0x0] =	vst.idx.msk $0xffff, v43;
	v58 =	vld [tilespmem:s14+$0x80]  }
0x136: {  	[tilespmem:v47+s19+$0x0] =	vst.idx.msk $0xffff, v46  }
0x137: {  	[tilespmem:v60+s19+$0x0] =	vst.idx.msk $0xffff, v48  }
0x138: {  	[tilespmem:v50+s19+$0x0] =	vst.idx.msk $0xffff, v63  }
0x139: {  	[tilespmem:v57+s19+$0x0] =	vst.idx.msk $0xffff, v56  }
0x13a: {  	s31 =	simm.s32 $0x8510;
	[tilespmem:v59+s19+$0x0] =	vst.idx.msk $0xffff, v58  }
0x13b: {  	v60 =	vadd.s32 v16, v33;
	v42 =	vld [tilespmem:s31+$0xC0]  }
0x13c: {  	v61 =	vadd.s32 v9, v34;
	v44 =	vld [tilespmem:s31+$0xFFFFFF00]  }
0x13d: {  	v62 =	vadd.s32 v10, v35;
	v46 =	vld [tilespmem:s31+$0xFFFFFF40]  }
0x13e: {  	v63 =	vadd.s32 v11, v36;
	v48 =	vld [tilespmem:s31+$0xFFFFFF80]  }
0x13f: {  	v37 =	vadd.s32 v12, v37;
	v34 =	vld [tilespmem:s31+$0xFFFFFFC0]  }
0x140: {  	v35 =	vadd.s32 v13, v40;
	v33 =	vld [tilespmem:s31+$0x0];
	[tilespmem:v60+s19+$0x0] =	vst.idx.msk $0xffff, v42  }
0x141: {  	v38 =	vadd.s32 v14, v38;
	v36 =	vld [tilespmem:s31+$0x40];
	[tilespmem:v61+s19+$0x0] =	vst.idx.msk $0xffff, v44  }
0x142: {  	v41 =	vshrl.u32 v41, $0x3;
	v39 =	vadd.s32 v15, v39;
	s6 =	simm.s32 $0xE;
	v45 =	vmov s10;
	v40 =	vld [tilespmem:s31+$0x80];
	[tilespmem:v62+s19+$0x0] =	vst.idx.msk $0xffff, v46  }
0x143: {  	v43 =	vmov s30;
	s10 =	simm.s32 $0xF;
	v42 =	vmov s1;
	s1 =	simm.s32 $0xD;
	v44 =	vmov s0;
	s0 =	simm.s32 $0x10;
	[tilespmem:v63+s19+$0x0] =	vst.idx.msk $0xffff, v48  }
.LBB2_20:
0x144: {  	p1 =	slt.u32 s0, $0x78;
	v46 =	vmov s1;
	v47 =	vmov s6;
	v48 =	vmov s10;
	[tilespmem:v37+s19+$0x0] =	vst.idx.msk $0xffff, v34  }
0x145: {  	v34 =	vshll.u32 v41, v1;
	v37 =	vshrl.u32 v42, $0x3;
	v41 =	vshrl.u32 v48, $0x3;
	[tilespmem:v35+s19+$0x0] =	vst.idx.msk $0xffff, v33  }
0x146: {  	v33 =	vshrl.u32 v44, $0x3;
	v35 =	vshrl.u32 v45, $0x3;
	v41 =	vshll.u32 v41, v1;
	[tilespmem:v38+s19+$0x0] =	vst.idx.msk $0xffff, v36  }
0x147: {  	v36 =	vshrl.u32 v43, $0x3;
	v38 =	vshrl.u32 v46, $0x3;
	v41 =	vbroadcast v41, $0x0;
	[tilespmem:v39+s19+$0x0] =	vst.idx.msk $0xffff, v40  }
0x148: {  	s31 =	sadd.s32 $0x200, s31;
	v34 =	vbroadcast v34, $0x0;
	v37 =	vshll.u32 v37, v1;
	v39 =	vshrl.u32 v47, $0x3  }
0x149: {  	v37 =	vbroadcast v37, $0x0;
	v33 =	vshll.u32 v33, v1;
	v40 =	vld [tilespmem:s31+$0xC0];
	v41 =	vadd.s32 v16, v41  }
0x14a: {  	v43 =	vadd.s32 v9, v34;
	v33 =	vbroadcast v33, $0x0;
	v34 =	vshll.u32 v35, v1;
	v42 =	vld [tilespmem:s31+$0xFFFFFF00]  }
0x14b: {  	v45 =	vadd.s32 v10, v37;
	v35 =	vbroadcast v34, $0x0;
	v34 =	vshll.u32 v36, v1;
	v44 =	vld [tilespmem:s31+$0xFFFFFF40]  }
0x14c: {  	v47 =	vadd.s32 v11, v33;
	v36 =	vbroadcast v34, $0x0;
	v33 =	vshll.u32 v38, v1;
	v46 =	vld [tilespmem:s31+$0xFFFFFF80]  }
.Ltmp12:
0x14d: {  	v39 =	vshll.u32 v39, v1;
	v37 =	vadd.s32 v12, v35;
	v38 =	vbroadcast v33, $0x0;
	v34 =	vld [tilespmem:s31+$0xFFFFFFC0];
	(pc) =	sbr.rel @p1 .LBB2_20-.Ltmp12, $4  }
0x14e: {  	v39 =	vbroadcast v39, $0x0;
	v35 =	vadd.s32 v13, v36;
	v33 =	vld [tilespmem:s31+$0x0];
	[tilespmem:v41+s19+$0x0] =	vst.idx.msk $0xffff, v40  }
0x14f: {  	s1 =	sadd.s32 $0x1, s0;
	s6 =	sadd.s32 $0x2, s0;
	v38 =	vadd.s32 v14, v38;
	v40 =	vmov s0;
	[tilespmem:v43+s19+$0x0] =	vst.idx.msk $0xffff, v42;
	v36 =	vld [tilespmem:s31+$0x40]  }
0x150: {  	s7 =	sadd.s32 $0x3, s0;
	s10 =	sadd.s32 $0x4, s0;
	v39 =	vadd.s32 v15, v39;
	v41 =	vshrl.u32 v40, $0x3;
	v42 =	vmov s1;
	s1 =	sadd.s32 $0x5, s0;
	[tilespmem:v45+s19+$0x0] =	vst.idx.msk $0xffff, v44;
	v40 =	vld [tilespmem:s31+$0x80]  }
0x151: {  	v43 =	vmov s10;
	s10 =	sadd.s32 $0x7, s0;
	v44 =	vmov s6;
	v45 =	vmov s7;
	s6 =	sadd.s32 $0x6, s0;
	s0 =	sadd.s32 $0x8, s0;
	[tilespmem:v47+s19+$0x0] =	vst.idx.msk $0xffff, v46  }
0x152: {  	v46 =	vmov s1;
	v47 =	vmov s6;
	v48 =	vmov s10  }
0x153: {  	v41 =	vshll.u32 v41, v1;
	v42 =	vshrl.u32 v42, $0x3;
	v44 =	vshrl.u32 v44, $0x3  }
0x154: {  	v45 =	vshrl.u32 v45, $0x3;
	v43 =	vshrl.u32 v43, $0x3;
	v48 =	vshrl.u32 v48, $0x3  }
0x155: {  	v46 =	vshrl.u32 v46, $0x3;
	v41 =	vbroadcast v41, $0x0;
	v42 =	vshll.u32 v42, v1  }
0x156: {  	s0 =	sadd.s32 $0x200, s31;
	v47 =	vshrl.u32 v47, $0x3;
	v44 =	vshll.u32 v44, v1;
	v42 =	vbroadcast v42, $0x0  }
0x157: {  	[tilespmem:v37+s19+$0x0] =	vst.idx.msk $0xffff, v34;
	v34 =	vld [tilespmem:s0+$0xFFFFFF00];
	v62 =	vshll.u32 v45, v1;
	v61 =	vbroadcast v44, $0x0;
	v37 =	vadd.s32 v9, v41  }
0x158: {  	v63 =	vld [tilespmem:s0+$0xFFFFFF40];
	v43 =	vshll.u32 v43, v1;
	v51 =	vbroadcast v62, $0x0;
	v50 =	vadd.s32 v10, v42  }
0x159: {  	[tilespmem:v35+s19+$0x0] =	vst.idx.msk $0xffff, v33;
	v52 =	vld [tilespmem:s0+$0xFFFFFF80];
	v48 =	vshll.u32 v48, v1;
	v54 =	vbroadcast v43, $0x0;
	v53 =	vadd.s32 v11, v61  }
0x15a: {  	v56 =	vld [tilespmem:s0+$0xFFFFFFC0];
	[tilespmem:v38+s19+$0x0] =	vst.idx.msk $0xffff, v36;
	v55 =	vshll.u32 v46, v1;
	v48 =	vbroadcast v48, $0x0;
	v57 =	vadd.s32 v12, v51  }
0x15b: {  	v60 =	vld [tilespmem:s0+$0x0];
	v59 =	vshll.u32 v47, v1;
	[tilespmem:v39+s19+$0x0] =	vst.idx.msk $0xffff, v40;
	v58 =	vbroadcast v55, $0x0;
	v41 =	vadd.s32 v13, v54  }
0x15c: {  	v49 =	vld [tilespmem:s0+$0xC0];
	v43 =	vbroadcast v59, $0x0;
	v48 =	vadd.s32 v16, v48;
	[tilespmem:v37+s19+$0x0] =	vst.idx.msk $0xffff, v34  }
0x15d: {  	v61 =	vld [tilespmem:s0+$0x40];
	v42 =	vadd.s32 v14, v58;
	[tilespmem:v50+s19+$0x0] =	vst.idx.msk $0xffff, v63  }
0x15e: {  	s12 =	simm.s32 $0x0;
	s10 =	simm.s32 $0x8520;
	p2 =	por $0x1, $0x1;
	v62 =	vld [tilespmem:s0+$0x80];
	v43 =	vadd.s32 v15, v43;
	[tilespmem:v53+s19+$0x0] =	vst.idx.msk $0xffff, v52  }
.Ltmp13:
0x15f: {  	s13 =	simm.s32 $0x1;
	s14 =	simm.s32 $0x2;
	[tilespmem:v57+s19+$0x0] =	vst.idx.msk $0xffff, v56;
	(pc) =	sbr.rel @!p2 .LBB2_25-.Ltmp13, $4  }
0x160: {  	s7 =	simm.s32 $0x3;
	s11 =	simm.s32 $0x4;
	s30 =	simm.s32 $0x5;
	[tilespmem:v41+s19+$0x0] =	vst.idx.msk $0xffff, v60  }
0x161: {  	s1 =	simm.s32 $0x6;
	s31 =	simm.s32 $0x8;
	p1 =	por $0x0, $0x0;
	v33 =	vmov s13;
	v35 =	vmov s11;
	v63 =	vmov s12;
	[tilespmem:v48+s19+$0x0] =	vst.idx.msk $0xffff, v49  }
0x162: {  	s6 =	simm.s32 $0x7;
	p3 =	por $0x0, $0x0;
	s13 =	simm.s32 $0x5;
	v36 =	vmov s14;
	v37 =	vmov s7;
	v34 =	vshrl.u32 v63, $0x3;
	[tilespmem:v42+s19+$0x0] =	vst.idx.msk $0xffff, v61  }
0x163: {  	s11 =	simm.s32 $0x8520;
	s14 =	simm.s32 $0x6;
	s0 =	simm.s32 $0x7;
	v47 =	vmovc v33;
	v50 =	vmovc v37;
	[tilespmem:v43+s19+$0x0] =	vst.idx.msk $0xffff, v62;
	v48 =	vmov v36;
	v49 =	vmov v35;
	v46 =	vmov v34  }
0x164: {  	v38 =	vmov s30;
	v39 =	vmov s0;
	v40 =	vmov s1  }
0x165: {  	v41 =	vshll.u32 v34, v1;
	v42 =	vshrl.u32 v33, $0x3;
	v43 =	vshrl.u32 v36, $0x3  }
0x166: {  	v44 =	vshrl.u32 v37, $0x3;
	v45 =	vshrl.u32 v35, $0x3;
	v39 =	vshrl.u32 v39, $0x3  }
0x167: {  	v38 =	vshrl.u32 v38, $0x3;
	v41 =	vbroadcast v41, $0x0;
	v42 =	vshll.u32 v42, v1  }
0x168: {  	v43 =	vshll.u32 v43, v1;
	v57 =	vshll.u32 v44, v1;
	v42 =	vbroadcast v42, $0x0  }
0x169: {  	v48 =	vld [tilespmem:s10+$0xFFFFFF00];
	v39 =	vshll.u32 v39, v1;
	v56 =	vbroadcast v43, $0x0;
	v49 =	vadd.s32 v17, v41  }
0x16a: {  	v58 =	vld [tilespmem:s10+$0xFFFFFF40];
	v59 =	vshll.u32 v45, v1;
	v39 =	vbroadcast v39, $0x0;
	v50 =	vadd.s32 v18, v42  }
0x16b: {  	v51 =	vld [tilespmem:s10+$0xFFFFFF80];
	v40 =	vshrl.u32 v40, $0x3;
	v41 =	vbroadcast v57, $0x0;
	v52 =	vadd.s32 v19, v56  }
0x16c: {  	v46 =	vld [tilespmem:s10+$0xC0];
	p4 =	por $0x1, $0x1;
	v60 =	vshll.u32 v38, v1;
	v42 =	vbroadcast v59, $0x0;
	v47 =	vadd.s32 v24, v39  }
.Ltmp14:
0x16d: {  	v62 =	vshll.u32 v40, v1;
	v61 =	vbroadcast v60, $0x0;
	v38 =	vadd.s32 v20, v41;
	v39 =	vld [tilespmem:s10+$0xFFFFFFC0];
	(pc) =	sbr.rel @!p4 .LBB2_23-.Ltmp14, $4  }
0x16e: {  	s6 =	simm.s32 $0x9;
	v45 =	vbroadcast v62, $0x0;
	v41 =	vld [tilespmem:s10+$0x0];
	v40 =	vadd.s32 v21, v42;
	[tilespmem:v49+s19+$0x0] =	vst.idx.msk $0xffff, v48  }
0x16f: {  	v63 =	vmov s31;
	s7 =	simm.s32 $0xA;
	s11 =	simm.s32 $0xB;
	s12 =	simm.s32 $0xC;
	v43 =	vld [tilespmem:s10+$0x40];
	v42 =	vadd.s32 v22, v61;
	[tilespmem:v50+s19+$0x0] =	vst.idx.msk $0xffff, v58  }
0x170: {  	s13 =	simm.s32 $0xD;
	s14 =	simm.s32 $0xE;
	p3 =	por $0x1, $0x1;
	v44 =	vld [tilespmem:s10+$0x80];
	v45 =	vadd.s32 v23, v45;
	v48 =	vmov s7;
	v49 =	vmov s12;
	[tilespmem:v52+s19+$0x0] =	vst.idx.msk $0xffff, v51  }
0x171: {  	s12 =	simm.s32 $0x10;
	v50 =	vmov s11;
	s11 =	simm.s32 $0x8520;
	[tilespmem:v47+s19+$0x0] =	vst.idx.msk $0xffff, v46;
	v46 =	vshrl.u32 v63, $0x3;
	v47 =	vmov s6;
	s6 =	simm.s32 $0xF  }
.LBB2_24:
0x172: {  	p4 =	slt.u32 s12, $0x78;
	v51 =	vmov s13;
	v52 =	vmov s14;
	v53 =	vmov s6;
	[tilespmem:v38+s19+$0x0] =	vst.idx.msk $0xffff, v39  }
0x173: {  	v38 =	vshll.u32 v46, v1;
	v39 =	vshrl.u32 v47, $0x3;
	v46 =	vshrl.u32 v53, $0x3;
	[tilespmem:v40+s19+$0x0] =	vst.idx.msk $0xffff, v41  }
0x174: {  	v40 =	vshrl.u32 v48, $0x3;
	v41 =	vshrl.u32 v50, $0x3;
	v46 =	vshll.u32 v46, v1;
	[tilespmem:v42+s19+$0x0] =	vst.idx.msk $0xffff, v43  }
0x175: {  	v42 =	vshrl.u32 v49, $0x3;
	v43 =	vshrl.u32 v51, $0x3;
	v46 =	vbroadcast v46, $0x0;
	[tilespmem:v45+s19+$0x0] =	vst.idx.msk $0xffff, v44  }
0x176: {  	s11 =	sadd.s32 $0x200, s11;
	v38 =	vbroadcast v38, $0x0;
	v39 =	vshll.u32 v39, v1;
	v44 =	vshrl.u32 v52, $0x3  }
0x177: {  	v39 =	vbroadcast v39, $0x0;
	v40 =	vshll.u32 v40, v1;
	v45 =	vld [tilespmem:s11+$0xC0];
	v46 =	vadd.s32 v24, v46  }
0x178: {  	v48 =	vadd.s32 v17, v38;
	v38 =	vbroadcast v40, $0x0;
	v40 =	vshll.u32 v41, v1;
	v47 =	vld [tilespmem:s11+$0xFFFFFF00]  }
0x179: {  	v50 =	vadd.s32 v18, v39;
	v40 =	vbroadcast v40, $0x0;
	v39 =	vshll.u32 v42, v1;
	v49 =	vld [tilespmem:s11+$0xFFFFFF40]  }
0x17a: {  	v41 =	vshll.u32 v43, v1;
	v52 =	vadd.s32 v19, v38;
	v42 =	vbroadcast v39, $0x0;
	v51 =	vld [tilespmem:s11+$0xFFFFFF80]  }
.Ltmp15:
0x17b: {  	v53 =	vbroadcast v41, $0x0;
	v43 =	vshll.u32 v44, v1;
	v38 =	vadd.s32 v20, v40;
	v39 =	vld [tilespmem:s11+$0xFFFFFFC0];
	(pc) =	sbr.rel @p4 .LBB2_24-.Ltmp15, $4  }
0x17c: {  	v54 =	vbroadcast v43, $0x0;
	v40 =	vadd.s32 v21, v42;
	v41 =	vld [tilespmem:s11+$0x0];
	[tilespmem:v46+s19+$0x0] =	vst.idx.msk $0xffff, v45  }
0x17d: {  	s6 =	sadd.s32 $0x1, s12;
	s7 =	sadd.s32 $0x2, s12;
	v44 =	vmov s12;
	v42 =	vadd.s32 v22, v53;
	[tilespmem:v48+s19+$0x0] =	vst.idx.msk $0xffff, v47;
	v43 =	vld [tilespmem:s11+$0x40]  }
0x17e: {  	s14 =	sadd.s32 $0x4, s12;
	s13 =	sadd.s32 $0x5, s12;
	v46 =	vshrl.u32 v44, $0x3;
	v45 =	vadd.s32 v23, v54;
	v47 =	vmov s6;
	s6 =	sadd.s32 $0x3, s12;
	[tilespmem:v50+s19+$0x0] =	vst.idx.msk $0xffff, v49;
	v44 =	vld [tilespmem:s11+$0x80]  }
0x17f: {  	v48 =	vmov s7;
	v50 =	vmov s6;
	v49 =	vmov s14;
	s14 =	sadd.s32 $0x6, s12;
	s6 =	sadd.s32 $0x7, s12;
	s12 =	sadd.s32 $0x8, s12;
	[tilespmem:v52+s19+$0x0] =	vst.idx.msk $0xffff, v51  }
.LBB2_25:
0x180: {  	v51 =	vmov s13;
	v52 =	vmov s14;
	v53 =	vmov s6  }
0x181: {  	v46 =	vshll.u32 v46, v1;
	v47 =	vshrl.u32 v47, $0x3;
	v48 =	vshrl.u32 v48, $0x3  }
0x182: {  	v50 =	vshrl.u32 v50, $0x3;
	v49 =	vshrl.u32 v49, $0x3;
	v53 =	vshrl.u32 v53, $0x3  }
0x183: {  	s6 =	sadd.s32 @p3 $0x200, s11;
	v51 =	vshrl.u32 v51, $0x3;
	v46 =	vbroadcast v46, $0x0;
	v47 =	vshll.u32 v47, v1  }
0x184: {  	v52 =	vshrl.u32 v52, $0x3;
	s10 =	smov.u32 @p3 s6;
	v48 =	vshll.u32 v48, v1;
	v47 =	vbroadcast v47, $0x0  }
0x185: {  	[tilespmem:v38+s19+$0x0] =	vst.idx.msk @p3 $0xffff, v39;
	v59 =	vshll.u32 v50, v1;
	v38 =	vld [tilespmem:s10+$0xFFFFFF00];
	v58 =	vbroadcast v48, $0x0;
	v39 =	vadd.s32 v17, v46  }
0x186: {  	[tilespmem:v40+s19+$0x0] =	vst.idx.msk @p3 $0xffff, v41;
	v61 =	vshll.u32 v49, v1;
	v40 =	vld [tilespmem:s10+$0xFFFFFF40];
	v60 =	vbroadcast v59, $0x0;
	v41 =	vadd.s32 v18, v47  }
0x187: {  	v53 =	vshll.u32 v53, v1;
	[tilespmem:v42+s19+$0x0] =	vst.idx.msk @p3 $0xffff, v43;
	v42 =	vld [tilespmem:s10+$0xFFFFFF80];
	v62 =	vbroadcast v61, $0x0;
	v43 =	vadd.s32 v19, v58  }
0x188: {  	v63 =	vshll.u32 v51, v1;
	v55 =	vld [tilespmem:s10+$0xFFFFFFC0];
	v53 =	vbroadcast v53, $0x0;
	v56 =	vadd.s32 v20, v60  }
0x189: {  	v59 =	vld [tilespmem:s10+$0x0];
	[tilespmem:v45+s19+$0x0] =	vst.idx.msk @p3 $0xffff, v44;
	v57 =	vbroadcast v63, $0x0;
	v58 =	vshll.u32 v52, v1;
	v46 =	vadd.s32 v21, v62  }
0x18a: {  	v54 =	vld [tilespmem:s10+$0xC0];
	v53 =	vadd.s32 v24, v53;
	v48 =	vbroadcast v58, $0x0;
	[tilespmem:v39+s19+$0x0] =	vst.idx.msk $0xffff, v38  }
0x18b: {  	v60 =	vld [tilespmem:s10+$0x40];
	v61 =	vadd.s32 v22, v57;
	[tilespmem:v41+s19+$0x0] =	vst.idx.msk $0xffff, v40  }
0x18c: {  	v62 =	vld [tilespmem:s10+$0x80];
	v63 =	vadd.s32 v23, v48;
	[tilespmem:v43+s19+$0x0] =	vst.idx.msk $0xffff, v42  }
.Ltmp16:
0x18d: {  	[tilespmem:v56+s19+$0x0] =	vst.idx.msk $0xffff, v55;
	(pc) =	sbr.rel @!p2 .LBB2_26-.Ltmp16, $4  }
0x18e: {  	[tilespmem:v46+s19+$0x0] =	vst.idx.msk $0xffff, v59  }
0x18f: {  	[tilespmem:v53+s19+$0x0] =	vst.idx.msk $0xffff, v54  }
0x190: {  	[tilespmem:v61+s19+$0x0] =	vst.idx.msk $0xffff, v60  }
0x191: {  	s10 =	simm.s32 $0x8530;
	[tilespmem:v63+s19+$0x0] =	vst.idx.msk $0xffff, v62  }
0x192: {  	v38 =	vmov s30;
	v39 =	vmov s0;
	v40 =	vmov s1  }
0x193: {  	v34 =	vshll.u32 v34, v1;
	v33 =	vshrl.u32 v33, $0x3;
	v39 =	vshrl.u32 v39, $0x3  }
0x194: {  	v36 =	vshrl.u32 v36, $0x3;
	v37 =	vshrl.u32 v37, $0x3;
	v39 =	vshll.u32 v39, v1  }
0x195: {  	v35 =	vshrl.u32 v35, $0x3;
	v38 =	vshrl.u32 v38, $0x3;
	v39 =	vbroadcast v39, $0x0  }
0x196: {  	v34 =	vbroadcast v34, $0x0;
	v33 =	vshll.u32 v33, v1;
	v36 =	vshll.u32 v36, v1  }
0x197: {  	v41 =	vld [tilespmem:s10+$0xC0];
	v37 =	vshll.u32 v37, v1;
	v33 =	vbroadcast v33, $0x0;
	v42 =	vadd.s32 v32, v39  }
0x198: {  	v43 =	vld [tilespmem:s10+$0xFFFFFF00];
	v35 =	vshll.u32 v35, v1;
	v36 =	vbroadcast v36, $0x0;
	v34 =	vadd.s32 v25, v34  }
0x199: {  	v44 =	vld [tilespmem:s10+$0xFFFFFF40];
	v59 =	vshrl.u32 v40, $0x3;
	v57 =	vbroadcast v37, $0x0;
	v45 =	vadd.s32 v26, v33  }
0x19a: {  	v46 =	vld [tilespmem:s10+$0xFFFFFF80];
	p2 =	por $0x1, $0x1;
	v35 =	vbroadcast v35, $0x0;
	v58 =	vshll.u32 v38, v1;
	v47 =	vadd.s32 v27, v36  }
.Ltmp17:
0x19b: {  	v61 =	vshll.u32 v59, v1;
	v60 =	vbroadcast v58, $0x0;
	v38 =	vadd.s32 v28, v57;
	v39 =	vld [tilespmem:s10+$0xFFFFFFC0];
	(pc) =	sbr.rel @!p2 .LBB2_28-.Ltmp17, $4  }
0x19c: {  	s14 =	simm.s32 $0x9;
	v62 =	vbroadcast v61, $0x0;
	v40 =	vadd.s32 v29, v35;
	[tilespmem:v42+s19+$0x0] =	vst.idx.msk $0xffff, v41;
	v41 =	vld [tilespmem:s10+$0x0]  }
0x19d: {  	v63 =	vmov s31;
	s31 =	simm.s32 $0xA;
	s6 =	simm.s32 $0xB;
	s7 =	simm.s32 $0xC;
	[tilespmem:v34+s19+$0x0] =	vst.idx.msk $0xffff, v43;
	v43 =	vld [tilespmem:s10+$0x40];
	v42 =	vadd.s32 v30, v60  }
0x19e: {  	s30 =	simm.s32 $0xD;
	s1 =	simm.s32 $0xE;
	s0 =	simm.s32 $0xF;
	v37 =	vmov s6;
	v33 =	vmov s14;
	[tilespmem:v45+s19+$0x0] =	vst.idx.msk $0xffff, v44;
	v44 =	vld [tilespmem:s10+$0x80];
	v45 =	vadd.s32 v31, v62  }
0x19f: {  	s12 =	simm.s32 $0x10;
	p1 =	por $0x1, $0x1;
	s11 =	simm.s32 $0x8530;
	v36 =	vmov s31;
	v35 =	vmov s7;
	v34 =	vshrl.u32 v63, $0x3;
	[tilespmem:v47+s19+$0x0] =	vst.idx.msk $0xffff, v46  }
.LBB2_29:
0x1a0: {  	p2 =	slt.u32 s12, $0x78;
	v46 =	vmov s30;
	v47 =	vmov s1;
	v48 =	vmov s0;
	[tilespmem:v38+s19+$0x0] =	vst.idx.msk $0xffff, v39  }
0x1a1: {  	v34 =	vshll.u32 v34, v1;
	v33 =	vshrl.u32 v33, $0x3;
	v38 =	vshrl.u32 v48, $0x3;
	[tilespmem:v40+s19+$0x0] =	vst.idx.msk $0xffff, v41  }
0x1a2: {  	v36 =	vshrl.u32 v36, $0x3;
	v37 =	vshrl.u32 v37, $0x3;
	v38 =	vshll.u32 v38, v1;
	[tilespmem:v42+s19+$0x0] =	vst.idx.msk $0xffff, v43  }
0x1a3: {  	v35 =	vshrl.u32 v35, $0x3;
	v39 =	vshrl.u32 v46, $0x3;
	v38 =	vbroadcast v38, $0x0;
	[tilespmem:v45+s19+$0x0] =	vst.idx.msk $0xffff, v44  }
0x1a4: {  	s11 =	sadd.s32 $0x200, s11;
	v34 =	vbroadcast v34, $0x0;
	v33 =	vshll.u32 v33, v1;
	v40 =	vshrl.u32 v47, $0x3  }
0x1a5: {  	v36 =	vshll.u32 v36, v1;
	v33 =	vbroadcast v33, $0x0;
	v42 =	vld [tilespmem:s11+$0xC0];
	v43 =	vadd.s32 v32, v38  }
0x1a6: {  	v37 =	vshll.u32 v37, v1;
	v36 =	vbroadcast v36, $0x0;
	v34 =	vadd.s32 v25, v34;
	v44 =	vld [tilespmem:s11+$0xFFFFFF00]  }
0x1a7: {  	v35 =	vshll.u32 v35, v1;
	v46 =	vadd.s32 v26, v33;
	v33 =	vbroadcast v37, $0x0;
	v45 =	vld [tilespmem:s11+$0xFFFFFF40]  }
0x1a8: {  	v35 =	vbroadcast v35, $0x0;
	v48 =	vadd.s32 v27, v36;
	v36 =	vshll.u32 v39, v1;
	v47 =	vld [tilespmem:s11+$0xFFFFFF80]  }
.Ltmp18:
0x1a9: {  	v38 =	vadd.s32 v28, v33;
	v33 =	vbroadcast v36, $0x0;
	v36 =	vshll.u32 v40, v1;
	v39 =	vld [tilespmem:s11+$0xFFFFFFC0];
	(pc) =	sbr.rel @p2 .LBB2_29-.Ltmp18, $4  }
0x1aa: {  	v40 =	vadd.s32 v29, v35;
	v35 =	vbroadcast v36, $0x0;
	v41 =	vld [tilespmem:s11+$0x0];
	[tilespmem:v43+s19+$0x0] =	vst.idx.msk $0xffff, v42  }
0x1ab: {  	s0 =	sadd.s32 $0x1, s12;
	s1 =	sadd.s32 $0x2, s12;
	v36 =	vmov s12;
	v42 =	vadd.s32 v30, v33;
	[tilespmem:v34+s19+$0x0] =	vst.idx.msk $0xffff, v44;
	v43 =	vld [tilespmem:s11+$0x40]  }
0x1ac: {  	s6 =	sadd.s32 $0x4, s12;
	s30 =	sadd.s32 $0x5, s12;
	v33 =	vmov s0;
	s0 =	sadd.s32 $0x3, s12;
	v34 =	vshrl.u32 v36, $0x3;
	[tilespmem:v46+s19+$0x0] =	vst.idx.msk $0xffff, v45;
	v44 =	vld [tilespmem:s11+$0x80];
	v45 =	vadd.s32 v31, v35  }
0x1ad: {  	v36 =	vmov s1;
	v37 =	vmov s0;
	s1 =	sadd.s32 $0x6, s12;
	s0 =	sadd.s32 $0x7, s12;
	s12 =	sadd.s32 $0x8, s12;
	v35 =	vmov s6;
	[tilespmem:v48+s19+$0x0] =	vst.idx.msk $0xffff, v47  }
.LBB2_30:
0x1ae: {  	v46 =	vmov s30;
	v47 =	vmov s1;
	v48 =	vmov s0  }
0x1af: {  	v34 =	vshll.u32 v34, v1;
	v33 =	vshrl.u32 v33, $0x3;
	v36 =	vshrl.u32 v36, $0x3  }
0x1b0: {  	v37 =	vshrl.u32 v37, $0x3;
	v35 =	vshrl.u32 v35, $0x3;
	v48 =	vshrl.u32 v48, $0x3  }
0x1b1: {  	s0 =	sadd.s32 @p1 $0x200, s11;
	v46 =	vshrl.u32 v46, $0x3;
	v34 =	vbroadcast v34, $0x0;
	v33 =	vshll.u32 v33, v1  }
0x1b2: {  	v47 =	vshrl.u32 v47, $0x3;
	s10 =	smov.u32 @p1 s0;
	v36 =	vshll.u32 v36, v1;
	v33 =	vbroadcast v33, $0x0  }
0x1b3: {  	v37 =	vshll.u32 v37, v1;
	v53 =	vld [tilespmem:s10+$0xFFFFFF00];
	v36 =	vbroadcast v36, $0x0;
	v34 =	vadd.s32 v25, v34  }
0x1b4: {  	[tilespmem:v38+s19+$0x0] =	vst.idx.msk @p1 $0xffff, v39;
	v35 =	vshll.u32 v35, v1;
	v54 =	vld [tilespmem:s10+$0xFFFFFF40];
	v37 =	vbroadcast v37, $0x0;
	v33 =	vadd.s32 v26, v33  }
0x1b5: {  	[tilespmem:v40+s19+$0x0] =	vst.idx.msk @p1 $0xffff, v41;
	v48 =	vshll.u32 v48, v1;
	v55 =	vld [tilespmem:s10+$0xFFFFFF80];
	v35 =	vbroadcast v35, $0x0;
	v36 =	vadd.s32 v27, v36  }
0x1b6: {  	[tilespmem:v42+s19+$0x0] =	vst.idx.msk @p1 $0xffff, v43;
	v56 =	vshll.u32 v46, v1;
	v57 =	vld [tilespmem:s10+$0xFFFFFFC0];
	v48 =	vbroadcast v48, $0x0;
	v37 =	vadd.s32 v28, v37  }
0x1b7: {  	v58 =	vshll.u32 v47, v1;
	v59 =	vld [tilespmem:s10+$0x0];
	[tilespmem:v45+s19+$0x0] =	vst.idx.msk @p1 $0xffff, v44;
	v41 =	vbroadcast v56, $0x0;
	v35 =	vadd.s32 v29, v35  }
0x1b8: {  	v49 =	vld [tilespmem:s10+$0xC0];
	v43 =	vbroadcast v58, $0x0;
	v48 =	vadd.s32 v32, v48;
	[tilespmem:v34+s19+$0x0] =	vst.idx.msk $0xffff, v53  }
0x1b9: {  	v60 =	vld [tilespmem:s10+$0x40];
	v61 =	vadd.s32 v30, v41;
	[tilespmem:v33+s19+$0x0] =	vst.idx.msk $0xffff, v54  }
0x1ba: {  	v62 =	vld [tilespmem:s10+$0x80];
	v63 =	vadd.s32 v31, v43;
	[tilespmem:v36+s19+$0x0] =	vst.idx.msk $0xffff, v55  }
0x1bb: {  	[tilespmem:v37+s19+$0x0] =	vst.idx.msk $0xffff, v57  }
0x1bc: {  	s14 =	sshll.u32 s29, $0x7;
	[tilespmem:v35+s19+$0x0] =	vst.idx.msk $0xffff, v59  }
0x1bd: {  	s29 =	sshll.u32 s29, $0xA;
	s0 =	sand.u32 $0xE80, s14;
	[tilespmem:v48+s19+$0x0] =	vst.idx.msk $0xffff, v49  }
0x1be: {  	s1 =	sand.u32 $0xFFF8000, s29;
	s0 =	sadd.s32 s2, s0;
	[tilespmem:v61+s19+$0x0] =	vst.idx.msk $0xffff, v60  }
0x1bf: {  	s30 =	simm.s32 $0x10600;
	s1 =	sadd.s32 s1, s0;
	[tilespmem:v63+s19+$0x0] =	vst.idx.msk $0xffff, v62  }
0x1c0: {  	[hbm4b:s1+s3] =	stream.linear.scatter [tilespmem:s30], [sflag:$0x6], $0x80, $0x38;
	[tilespmem:$0x12800] =	vst v63  }
0x1c1: {  	s31 =	simm.s32 $0x10688;
	s6 =	sadd.s32 $0x10, s1  }
0x1c2: {  	[hbm4b:s6+s3] =	stream.linear.scatter [tilespmem:s31], [sflag:$0x6], $0x80, $0x38;
	[tilespmem:$0x12800] =	vst v63  }
0x1c3: {  	s12 =	simm.s32 $0x10820;
	s7 =	sadd.s32 $0x20, s1;
	s6 =	simm.s32 $0x10710  }
0x1c4: {  	[hbm4b:s7+s3] =	stream.linear.scatter [tilespmem:s6], [sflag:$0x6], $0x80, $0x38;
	[tilespmem:$0x12800] =	vst v63  }
0x1c5: {  	s14 =	simm.s32 $0x108A8;
	s10 =	simm.s32 $0x10798;
	s11 =	sadd.s32 $0x30, s1  }
0x1c6: {  	[hbm4b:s11+s3] =	stream.linear.scatter [tilespmem:s10], [sflag:$0x6], $0x80, $0x38;
	[tilespmem:$0x12800] =	vst v63  }
0x1c7: {  	s0 =	simm.s32 $0x440;
	s13 =	sadd.s32 $0x40, s1;
	s29 =	sadd.s32 $0x50, s1  }
0x1c8: {  	[hbm4b:s13+s3] =	stream.linear.scatter [tilespmem:s12], [sflag:$0x6], $0x80, $0x38;
	[tilespmem:$0x12800] =	vst v63  }
0x1c9: {  	s30 =	simm.s32 $0x10930;
	s31 =	sadd.s32 $0x60, s1;
	s6 =	simm.s32 $0x2200  }
0x1ca: {  	[hbm4b:s29+s3] =	stream.linear.scatter [tilespmem:s14], [sflag:$0x6], $0x80, $0x38;
	[tilespmem:$0x12800] =	vst v63  }
0x1cb: {  	s10 =	simm.s32 $0x109B8;
	s11 =	sadd.s32 $0x70, s1;
	s1 =	sadd.s32 $0x1000, s1  }
0x1cc: {  	[hbm4b:s31+s3] =	stream.linear.scatter [tilespmem:s30], [sflag:$0x6], $0x80, $0x38;
	[tilespmem:$0x12800] =	vst v63  }
.LBB2_31:
0x1cd: {  	[hbm4b:s11+s3] =	stream.linear.scatter [tilespmem:s10], [sflag:$0x6], $0x80, $0x38;
	[tilespmem:$0x12800] =	vst v63  }
0x1ce: {  	s7 =	smov.u32 s0;
	s0 =	smov.u32 s6  }
0x1cf: {  	s12 =	sadd.s32 $0x1100, s6;
	s0 =	sshra.s32 s0, $0x2;
	s10 =	sadd.s32 $0x10600, s7  }
0x1d0: {  	[hbm4b:s1+s3] =	stream.linear.scatter [tilespmem:s10], [sflag:$0x6], $0x80, $0x38;
	[tilespmem:$0x12800] =	vst v63  }
0x1d1: {  	p1 =	sne.s32 s6, $0x7700;
	s6 =	sadd.s32 $0x10688, s7;
	s10 =	sadd.s32 $0x10, s1  }
0x1d2: {  	[hbm4b:s10+s3] =	stream.linear.scatter [tilespmem:s6], [sflag:$0x6], $0x80, $0x38;
	[tilespmem:$0x12800] =	vst v63  }
0x1d3: {  	s6 =	sadd.s32 $0x10710, s7;
	s10 =	sadd.s32 $0x20, s1  }
0x1d4: {  	[hbm4b:s10+s3] =	stream.linear.scatter [tilespmem:s6], [sflag:$0x6], $0x80, $0x38;
	[tilespmem:$0x12800] =	vst v63  }
0x1d5: {  	s6 =	sadd.s32 $0x10798, s7;
	s10 =	sadd.s32 $0x30, s1  }
0x1d6: {  	[hbm4b:s10+s3] =	stream.linear.scatter [tilespmem:s6], [sflag:$0x6], $0x80, $0x38;
	[tilespmem:$0x12800] =	vst v63  }
0x1d7: {  	s6 =	sadd.s32 $0x10820, s7;
	s10 =	sadd.s32 $0x40, s1  }
0x1d8: {  	[hbm4b:s10+s3] =	stream.linear.scatter [tilespmem:s6], [sflag:$0x6], $0x80, $0x38;
	[tilespmem:$0x12800] =	vst v63  }
.Ltmp19:
0x1d9: {  	s6 =	sadd.s32 $0x108A8, s7;
	s10 =	sadd.s32 $0x50, s1;
	(pc) =	sbr.rel @p1 .LBB2_31-.Ltmp19, $4  }
0x1da: {  	[hbm4b:s10+s3] =	stream.linear.scatter [tilespmem:s6], [sflag:$0x6], $0x80, $0x38;
	[tilespmem:$0x12800] =	vst v63  }
0x1db: {  	s11 =	sadd.s32 $0x70, s1;
	s6 =	sadd.s32 $0x10930, s7;
	s10 =	sadd.s32 $0x60, s1  }
0x1dc: {  	[hbm4b:s10+s3] =	stream.linear.scatter [tilespmem:s6], [sflag:$0x6], $0x80, $0x38;
	[tilespmem:$0x12800] =	vst v63  }
0x1dd: {  	s1 =	sadd.s32 $0x1000, s1;
	s10 =	sadd.s32 $0x109B8, s7;
	s6 =	smov.u32 s12  }
0x1de: {  	[hbm4b:s11+s3] =	stream.linear.scatter [tilespmem:s10], [sflag:$0x6], $0x80, $0x38;
	[tilespmem:$0x12800] =	vst v63  }
0x1df: {  	s6 =	sadd.s32 $0x10600, s0  }
0x1e0: {  	[hbm4b:s1+s3] =	stream.linear.scatter [tilespmem:s6], [sflag:$0x6], $0x80, $0x38;
	[tilespmem:$0x12800] =	vst v63  }
0x1e1: {  	s31 =	sadd.s32 $0x10688, s0;
	s7 =	sadd.s32 $0x10, s1  }
0x1e2: {  	[hbm4b:s7+s3] =	stream.linear.scatter [tilespmem:s31], [sflag:$0x6], $0x80, $0x38;
	[tilespmem:$0x12800] =	vst v63  }
0x1e3: {  	s10 =	sadd.s32 $0x10710, s0;
	s11 =	sadd.s32 $0x20, s1  }
0x1e4: {  	[hbm4b:s11+s3] =	stream.linear.scatter [tilespmem:s10], [sflag:$0x6], $0x80, $0x38;
	[tilespmem:$0x12800] =	vst v63  }
0x1e5: {  	s12 =	sadd.s32 $0x10798, s0;
	s13 =	sadd.s32 $0x30, s1  }
0x1e6: {  	[hbm4b:s13+s3] =	stream.linear.scatter [tilespmem:s12], [sflag:$0x6], $0x80, $0x38;
	[tilespmem:$0x12800] =	vst v63  }
0x1e7: {  	s14 =	sadd.s32 $0x10820, s0;
	s31 =	sadd.s32 $0x40, s1  }
0x1e8: {  	[hbm4b:s31+s3] =	stream.linear.scatter [tilespmem:s14], [sflag:$0x6], $0x80, $0x38;
	[tilespmem:$0x12800] =	vst v63  }
0x1e9: {  	s6 =	simm.s32 @!p0 $0x8400;
	s10 =	sadd.s32 $0x108A8, s0;
	s11 =	sadd.s32 $0x50, s1  }
0x1ea: {  	[hbm4b:s11+s3] =	stream.linear.scatter [tilespmem:s10], [sflag:$0x6], $0x80, $0x38;
	[tilespmem:$0x12800] =	vst v63  }
0x1eb: {  	s7 =	simm.s32 $0x2;
	s12 =	sadd.s32 $0x10930, s0;
	s13 =	sadd.s32 $0x60, s1  }
0x1ec: {  	[hbm4b:s13+s3] =	stream.linear.scatter [tilespmem:s12], [sflag:$0x6], $0x80, $0x38;
	[tilespmem:$0x12800] =	vst v63  }
0x1ed: {  	s14 =	sadd.s32 $0x109B8, s0;
	s31 =	sadd.s32 $0x70, s1;
	s0 =	sadd.s32 @!p0 $0x280, s28  }
0x1ee: {  	[hbm4b:s31+s3] =	stream.linear.scatter [tilespmem:s14], [sflag:$0x6], $0x80, $0x38;
	[tilespmem:$0x12800] =	vst v63  }
0x1ef: {  	v35 =	vmov s7;
	s1 =	simm.s32 @!p0 $0x80;
	s10 =	simm.s32 $0x3;
	s11 =	simm.s32 $0x4  }
0x1f0: {  	v42 =	vshrl.u32 v35, $0x3;
	v36 =	vmov s10;
	[tilespmem:s6], [sflag:$0x2] =	stream.indirect.gather @!p0 [hbm4b:s4+s1], $0x40, s0, s1, $0xb8;
	[tilespmem:$0x12800] =	vst v63  }
0x1f1: {  	v59 =	vshll.u32 v42, v1;
	v37 =	vmov s11;
	s13 =	simm.s32 $0x7;
	v43 =	vshrl.u32 v36, $0x3;
	s1 =	simm.s32 $0x0;
	_ =	swait.ge [sflag:s20], $0x2000  }
0x1f2: {  	v44 =	vshrl.u32 v37, $0x3;
	v39 =	vmov s13;
	v33 =	vmov s1;
	[sflag:s20] =	ssyncset.done $0x0  }
0x1f3: {  	v36 =	vbroadcast v59, $0x0;
	v56 =	vshrl.u32 v39, $0x3;
	s6 =	simm.s32 $0x1;
	v33 =	vshrl.u32 v33, $0x3;
	[sflag:s20] =	ssyncadd.s32 $0xFFFFE000  }
0x1f4: {  	s12 =	simm.s32 $0x5;
	v34 =	vmov s6;
	v41 =	vshll.u32 v33, v1;
	v33 =	vshll.u32 v56, v1;
	_ =	swait.ge [sflag:s21], $0x2000  }
0x1f5: {  	v38 =	vmov s12;
	v57 =	vshrl.u32 v34, $0x3;
	v33 =	vbroadcast v33, $0x0;
	[sflag:s21] =	ssyncset.done $0x0  }
0x1f6: {  	s30 =	simm.s32 $0xA500;
	v60 =	vshll.u32 v43, v1;
	v58 =	vshll.u32 v57, v1;
	v34 =	vbroadcast v41, $0x0;
	[sflag:s21] =	ssyncadd.s32 $0xFFFFE000  }
0x1f7: {  	v62 =	vshll.u32 v44, v1;
	v35 =	vbroadcast v58, $0x0;
	v46 =	vadd.s32 v8, v33;
	v41 =	vld [tilespmem:s30+$0xC0]  }
0x1f8: {  	s14 =	simm.s32 $0x6;
	v38 =	vshrl.u32 v38, $0x3;
	v37 =	vbroadcast v60, $0x0;
	v48 =	vadd.s32 v0, v34;
	v47 =	vld [tilespmem:s30+$0xFFFFFF00]  }
0x1f9: {  	v40 =	vmov s14;
	v38 =	vshll.u32 v38, v1;
	v52 =	vadd.s32 v2, v35;
	v49 =	vld [tilespmem:s30+$0xFFFFFF40]  }
0x1fa: {  	v61 =	vshrl.u32 v40, $0x3;
	v40 =	vbroadcast v62, $0x0;
	v56 =	vadd.s32 v3, v36;
	v55 =	vld [tilespmem:s30+$0xFFFFFF80]  }
0x1fb: {  	v39 =	vbroadcast v38, $0x0;
	v45 =	vadd.s32 v4, v37;
	v63 =	vshll.u32 v61, v1;
	v42 =	vld [tilespmem:s30+$0xFFFFFFC0]  }
0x1fc: {  	s10 =	simm.s32 $0xB;
	v38 =	vbroadcast v63, $0x0;
	v44 =	vadd.s32 v5, v40;
	v43 =	vld [tilespmem:s30+$0x0];
	[tilespmem:v46+s17+$0x0] =	vst.idx.msk $0xffff, v41  }
0x1fd: {  	v54 =	vmov s10;
	s31 =	simm.s32 $0x8;
	s0 =	simm.s32 $0xA;
	[tilespmem:v48+s17+$0x0] =	vst.idx.msk $0xffff, v47;
	v46 =	vld [tilespmem:s30+$0x40];
	v47 =	vadd.s32 v6, v39  }
0x1fe: {  	s29 =	simm.s32 $0xC;
	s11 =	simm.s32 $0x10;
	s1 =	simm.s32 $0x9;
	v53 =	vmov s0;
	v41 =	vmov s31;
	[tilespmem:v52+s17+$0x0] =	vst.idx.msk $0xffff, v49;
	v48 =	vld [tilespmem:s30+$0x80];
	v49 =	vadd.s32 v7, v38  }
0x1ff: {  	s12 =	simm.s32 $0xE;
	s13 =	simm.s32 $0xF;
	s6 =	simm.s32 $0xD;
	v51 =	vmov s1;
	v52 =	vmov s29;
	[tilespmem:v56+s17+$0x0] =	vst.idx.msk $0xffff, v55;
	v50 =	vshrl.u32 v41, $0x3  }
.LBB2_33:
0x200: {  	p1 =	slt.u32 s11, $0x78;
	v55 =	vmov s6;
	v56 =	vmov s12;
	v57 =	vmov s13;
	[tilespmem:v45+s17+$0x0] =	vst.idx.msk $0xffff, v42  }
0x201: {  	v42 =	vshll.u32 v50, v1;
	v45 =	vshrl.u32 v51, $0x3;
	v50 =	vshrl.u32 v57, $0x3;
	[tilespmem:v44+s17+$0x0] =	vst.idx.msk $0xffff, v43  }
0x202: {  	v43 =	vshrl.u32 v53, $0x3;
	v44 =	vshrl.u32 v54, $0x3;
	v50 =	vshll.u32 v50, v1;
	[tilespmem:v47+s17+$0x0] =	vst.idx.msk $0xffff, v46  }
0x203: {  	v46 =	vshrl.u32 v52, $0x3;
	v47 =	vshrl.u32 v55, $0x3;
	v50 =	vbroadcast v50, $0x0;
	[tilespmem:v49+s17+$0x0] =	vst.idx.msk $0xffff, v48  }
0x204: {  	s30 =	sadd.s32 $0x200, s30;
	v42 =	vbroadcast v42, $0x0;
	v45 =	vshll.u32 v45, v1;
	v48 =	vshrl.u32 v56, $0x3  }
0x205: {  	v45 =	vbroadcast v45, $0x0;
	v43 =	vshll.u32 v43, v1;
	v49 =	vld [tilespmem:s30+$0xC0];
	v50 =	vadd.s32 v8, v50  }
0x206: {  	v52 =	vadd.s32 v0, v42;
	v42 =	vbroadcast v43, $0x0;
	v43 =	vshll.u32 v44, v1;
	v51 =	vld [tilespmem:s30+$0xFFFFFF00]  }
0x207: {  	v44 =	vshll.u32 v46, v1;
	v54 =	vadd.s32 v2, v45;
	v43 =	vbroadcast v43, $0x0;
	v53 =	vld [tilespmem:s30+$0xFFFFFF40]  }
0x208: {  	v46 =	vshll.u32 v47, v1;
	v44 =	vbroadcast v44, $0x0;
	v56 =	vadd.s32 v3, v42;
	v55 =	vld [tilespmem:s30+$0xFFFFFF80]  }
.Ltmp20:
0x209: {  	v47 =	vbroadcast v46, $0x0;
	v46 =	vshll.u32 v48, v1;
	v45 =	vadd.s32 v4, v43;
	v42 =	vld [tilespmem:s30+$0xFFFFFFC0];
	(pc) =	sbr.rel @p1 .LBB2_33-.Ltmp20, $4  }
0x20a: {  	v57 =	vbroadcast v46, $0x0;
	v44 =	vadd.s32 v5, v44;
	v43 =	vld [tilespmem:s30+$0x0];
	[tilespmem:v50+s17+$0x0] =	vst.idx.msk $0xffff, v49  }
0x20b: {  	s6 =	sadd.s32 $0x1, s11;
	s7 =	sadd.s32 $0x2, s11;
	v48 =	vmov s11;
	v47 =	vadd.s32 v6, v47;
	[tilespmem:v52+s17+$0x0] =	vst.idx.msk $0xffff, v51;
	v46 =	vld [tilespmem:s30+$0x40]  }
0x20c: {  	s12 =	sadd.s32 $0x3, s11;
	s13 =	sadd.s32 $0x4, s11;
	v50 =	vshrl.u32 v48, $0x3;
	v49 =	vadd.s32 v7, v57;
	v51 =	vmov s6;
	s6 =	sadd.s32 $0x5, s11;
	[tilespmem:v54+s17+$0x0] =	vst.idx.msk $0xffff, v53;
	v48 =	vld [tilespmem:s30+$0x80]  }
0x20d: {  	v52 =	vmov s13;
	s13 =	sadd.s32 $0x7, s11;
	v53 =	vmov s7;
	v54 =	vmov s12;
	s12 =	sadd.s32 $0x6, s11;
	s11 =	sadd.s32 $0x8, s11;
	[tilespmem:v56+s17+$0x0] =	vst.idx.msk $0xffff, v55  }
0x20e: {  	v55 =	vmov s6;
	v56 =	vmov s12;
	v57 =	vmov s13  }
0x20f: {  	v50 =	vshll.u32 v50, v1;
	v51 =	vshrl.u32 v51, $0x3;
	v53 =	vshrl.u32 v53, $0x3  }
0x210: {  	v54 =	vshrl.u32 v54, $0x3;
	v52 =	vshrl.u32 v52, $0x3;
	v57 =	vshrl.u32 v57, $0x3  }
0x211: {  	v55 =	vshrl.u32 v55, $0x3;
	v50 =	vbroadcast v50, $0x0;
	v57 =	vshll.u32 v57, v1  }
0x212: {  	s31 =	sadd.s32 $0x200, s30;
	v51 =	vshll.u32 v51, v1;
	v56 =	vshrl.u32 v56, $0x3;
	v57 =	vbroadcast v57, $0x0  }
0x213: {  	[tilespmem:v45+s17+$0x0] =	vst.idx.msk $0xffff, v42;
	v53 =	vshll.u32 v53, v1;
	v42 =	vld [tilespmem:s31+$0xFFFFFF00];
	v51 =	vbroadcast v51, $0x0;
	v45 =	vadd.s32 v0, v50  }
0x214: {  	v58 =	vld [tilespmem:s31+$0xC0];
	v62 =	vshll.u32 v54, v1;
	v61 =	vbroadcast v53, $0x0;
	v57 =	vadd.s32 v8, v57  }
0x215: {  	[tilespmem:v44+s17+$0x0] =	vst.idx.msk $0xffff, v43;
	v43 =	vld [tilespmem:s31+$0xFFFFFF40];
	v52 =	vshll.u32 v52, v1;
	v63 =	vbroadcast v62, $0x0;
	v44 =	vadd.s32 v2, v51  }
0x216: {  	[tilespmem:v47+s17+$0x0] =	vst.idx.msk $0xffff, v46;
	v46 =	vld [tilespmem:s31+$0xFFFFFF80];
	v59 =	vshll.u32 v55, v1;
	v50 =	vbroadcast v52, $0x0;
	v47 =	vadd.s32 v3, v61  }
0x217: {  	v62 =	vshll.u32 v56, v1;
	[tilespmem:v49+s17+$0x0] =	vst.idx.msk $0xffff, v48;
	v48 =	vld [tilespmem:s31+$0xFFFFFFC0];
	v60 =	vadd.s32 v4, v63;
	v61 =	vbroadcast v59, $0x0  }
0x218: {  	v52 =	vbroadcast v62, $0x0;
	v63 =	vld [tilespmem:s31+$0x0];
	v50 =	vadd.s32 v5, v50;
	[tilespmem:v45+s17+$0x0] =	vst.idx.msk $0xffff, v42  }
0x219: {  	v56 =	vld [tilespmem:s31+$0x40];
	[tilespmem:v57+s17+$0x0] =	vst.idx.msk $0xffff, v58;
	v57 =	vadd.s32 v6, v61  }
0x21a: {  	v59 =	vadd.s32 v7, v52;
	[tilespmem:v44+s17+$0x0] =	vst.idx.msk $0xffff, v43;
	v58 =	vld [tilespmem:s31+$0x80]  }
0x21b: {  	[tilespmem:v47+s17+$0x0] =	vst.idx.msk $0xffff, v46  }
0x21c: {  	[tilespmem:v60+s17+$0x0] =	vst.idx.msk $0xffff, v48  }
0x21d: {  	[tilespmem:v50+s17+$0x0] =	vst.idx.msk $0xffff, v63  }
0x21e: {  	[tilespmem:v57+s17+$0x0] =	vst.idx.msk $0xffff, v56  }
0x21f: {  	s30 =	simm.s32 $0xA510;
	[tilespmem:v59+s17+$0x0] =	vst.idx.msk $0xffff, v58  }
0x220: {  	v60 =	vadd.s32 v16, v33;
	v42 =	vld [tilespmem:s30+$0xC0]  }
0x221: {  	v61 =	vadd.s32 v9, v34;
	v44 =	vld [tilespmem:s30+$0xFFFFFF00]  }
0x222: {  	v62 =	vadd.s32 v10, v35;
	v46 =	vld [tilespmem:s30+$0xFFFFFF40]  }
0x223: {  	v63 =	vadd.s32 v11, v36;
	v48 =	vld [tilespmem:s30+$0xFFFFFF80]  }
0x224: {  	v37 =	vadd.s32 v12, v37;
	v34 =	vld [tilespmem:s30+$0xFFFFFFC0]  }
0x225: {  	v35 =	vadd.s32 v13, v40;
	v33 =	vld [tilespmem:s30+$0x0];
	[tilespmem:v60+s17+$0x0] =	vst.idx.msk $0xffff, v42  }
0x226: {  	v39 =	vadd.s32 v14, v39;
	v36 =	vld [tilespmem:s30+$0x40];
	[tilespmem:v61+s17+$0x0] =	vst.idx.msk $0xffff, v44  }
0x227: {  	v41 =	vshrl.u32 v41, $0x3;
	v38 =	vadd.s32 v15, v38;
	s6 =	simm.s32 $0xE;
	v45 =	vmov s10;
	v40 =	vld [tilespmem:s30+$0x80];
	[tilespmem:v62+s17+$0x0] =	vst.idx.msk $0xffff, v46  }
0x228: {  	s10 =	simm.s32 $0xF;
	v43 =	vmov s29;
	v42 =	vmov s1;
	s1 =	simm.s32 $0xD;
	v44 =	vmov s0;
	s0 =	simm.s32 $0x10;
	[tilespmem:v63+s17+$0x0] =	vst.idx.msk $0xffff, v48  }
.LBB2_35:
0x229: {  	p1 =	slt.u32 s0, $0x78;
	v46 =	vmov s1;
	v47 =	vmov s6;
	v48 =	vmov s10;
	[tilespmem:v37+s17+$0x0] =	vst.idx.msk $0xffff, v34  }
0x22a: {  	v34 =	vshll.u32 v41, v1;
	v37 =	vshrl.u32 v42, $0x3;
	v41 =	vshrl.u32 v48, $0x3;
	[tilespmem:v35+s17+$0x0] =	vst.idx.msk $0xffff, v33  }
0x22b: {  	v33 =	vshrl.u32 v44, $0x3;
	v35 =	vshrl.u32 v45, $0x3;
	v41 =	vshll.u32 v41, v1;
	[tilespmem:v39+s17+$0x0] =	vst.idx.msk $0xffff, v36  }
0x22c: {  	v36 =	vshrl.u32 v43, $0x3;
	v39 =	vshrl.u32 v46, $0x3;
	v41 =	vbroadcast v41, $0x0;
	[tilespmem:v38+s17+$0x0] =	vst.idx.msk $0xffff, v40  }
0x22d: {  	s30 =	sadd.s32 $0x200, s30;
	v34 =	vbroadcast v34, $0x0;
	v37 =	vshll.u32 v37, v1;
	v38 =	vshrl.u32 v47, $0x3  }
0x22e: {  	v37 =	vbroadcast v37, $0x0;
	v33 =	vshll.u32 v33, v1;
	v40 =	vld [tilespmem:s30+$0xC0];
	v41 =	vadd.s32 v16, v41  }
0x22f: {  	v43 =	vadd.s32 v9, v34;
	v33 =	vbroadcast v33, $0x0;
	v34 =	vshll.u32 v35, v1;
	v42 =	vld [tilespmem:s30+$0xFFFFFF00]  }
0x230: {  	v45 =	vadd.s32 v10, v37;
	v35 =	vbroadcast v34, $0x0;
	v34 =	vshll.u32 v36, v1;
	v44 =	vld [tilespmem:s30+$0xFFFFFF40]  }
0x231: {  	v47 =	vadd.s32 v11, v33;
	v36 =	vbroadcast v34, $0x0;
	v33 =	vshll.u32 v39, v1;
	v46 =	vld [tilespmem:s30+$0xFFFFFF80]  }
.Ltmp21:
0x232: {  	v38 =	vshll.u32 v38, v1;
	v37 =	vadd.s32 v12, v35;
	v39 =	vbroadcast v33, $0x0;
	v34 =	vld [tilespmem:s30+$0xFFFFFFC0];
	(pc) =	sbr.rel @p1 .LBB2_35-.Ltmp21, $4  }
0x233: {  	v38 =	vbroadcast v38, $0x0;
	v35 =	vadd.s32 v13, v36;
	v33 =	vld [tilespmem:s30+$0x0];
	[tilespmem:v41+s17+$0x0] =	vst.idx.msk $0xffff, v40  }
0x234: {  	s1 =	sadd.s32 $0x1, s0;
	s6 =	sadd.s32 $0x2, s0;
	v39 =	vadd.s32 v14, v39;
	v40 =	vmov s0;
	[tilespmem:v43+s17+$0x0] =	vst.idx.msk $0xffff, v42;
	v36 =	vld [tilespmem:s30+$0x40]  }
0x235: {  	s7 =	sadd.s32 $0x3, s0;
	s10 =	sadd.s32 $0x4, s0;
	v38 =	vadd.s32 v15, v38;
	v41 =	vshrl.u32 v40, $0x3;
	v42 =	vmov s1;
	s1 =	sadd.s32 $0x5, s0;
	[tilespmem:v45+s17+$0x0] =	vst.idx.msk $0xffff, v44;
	v40 =	vld [tilespmem:s30+$0x80]  }
0x236: {  	v43 =	vmov s10;
	s10 =	sadd.s32 $0x7, s0;
	v44 =	vmov s6;
	v45 =	vmov s7;
	s6 =	sadd.s32 $0x6, s0;
	s0 =	sadd.s32 $0x8, s0;
	[tilespmem:v47+s17+$0x0] =	vst.idx.msk $0xffff, v46  }
0x237: {  	v46 =	vmov s1;
	v47 =	vmov s6;
	v48 =	vmov s10  }
0x238: {  	v41 =	vshll.u32 v41, v1;
	v42 =	vshrl.u32 v42, $0x3;
	v44 =	vshrl.u32 v44, $0x3  }
0x239: {  	v45 =	vshrl.u32 v45, $0x3;
	v43 =	vshrl.u32 v43, $0x3;
	v48 =	vshrl.u32 v48, $0x3  }
0x23a: {  	v46 =	vshrl.u32 v46, $0x3;
	v41 =	vbroadcast v41, $0x0;
	v42 =	vshll.u32 v42, v1  }
0x23b: {  	s0 =	sadd.s32 $0x200, s30;
	v47 =	vshrl.u32 v47, $0x3;
	v44 =	vshll.u32 v44, v1;
	v42 =	vbroadcast v42, $0x0  }
0x23c: {  	[tilespmem:v37+s17+$0x0] =	vst.idx.msk $0xffff, v34;
	v34 =	vld [tilespmem:s0+$0xFFFFFF00];
	v62 =	vshll.u32 v45, v1;
	v61 =	vbroadcast v44, $0x0;
	v37 =	vadd.s32 v9, v41  }
0x23d: {  	v63 =	vld [tilespmem:s0+$0xFFFFFF40];
	v43 =	vshll.u32 v43, v1;
	v51 =	vbroadcast v62, $0x0;
	v50 =	vadd.s32 v10, v42  }
0x23e: {  	[tilespmem:v35+s17+$0x0] =	vst.idx.msk $0xffff, v33;
	v52 =	vld [tilespmem:s0+$0xFFFFFF80];
	v48 =	vshll.u32 v48, v1;
	v54 =	vbroadcast v43, $0x0;
	v53 =	vadd.s32 v11, v61  }
0x23f: {  	v56 =	vld [tilespmem:s0+$0xFFFFFFC0];
	[tilespmem:v39+s17+$0x0] =	vst.idx.msk $0xffff, v36;
	v55 =	vshll.u32 v46, v1;
	v48 =	vbroadcast v48, $0x0;
	v57 =	vadd.s32 v12, v51  }
0x240: {  	v60 =	vld [tilespmem:s0+$0x0];
	v59 =	vshll.u32 v47, v1;
	[tilespmem:v38+s17+$0x0] =	vst.idx.msk $0xffff, v40;
	v58 =	vbroadcast v55, $0x0;
	v41 =	vadd.s32 v13, v54  }
0x241: {  	v49 =	vld [tilespmem:s0+$0xC0];
	v43 =	vbroadcast v59, $0x0;
	v48 =	vadd.s32 v16, v48;
	[tilespmem:v37+s17+$0x0] =	vst.idx.msk $0xffff, v34  }
0x242: {  	v61 =	vld [tilespmem:s0+$0x40];
	v42 =	vadd.s32 v14, v58;
	[tilespmem:v50+s17+$0x0] =	vst.idx.msk $0xffff, v63  }
0x243: {  	s13 =	simm.s32 $0x0;
	s10 =	simm.s32 $0xA520;
	p2 =	por $0x1, $0x1;
	v62 =	vld [tilespmem:s0+$0x80];
	v43 =	vadd.s32 v15, v43;
	[tilespmem:v53+s17+$0x0] =	vst.idx.msk $0xffff, v52  }
.Ltmp22:
0x244: {  	s14 =	simm.s32 $0x1;
	s31 =	simm.s32 $0x2;
	[tilespmem:v57+s17+$0x0] =	vst.idx.msk $0xffff, v56;
	(pc) =	sbr.rel @!p2 .LBB2_40-.Ltmp22, $4  }
0x245: {  	s7 =	simm.s32 $0x3;
	s11 =	simm.s32 $0x4;
	s29 =	simm.s32 $0x5;
	[tilespmem:v41+s17+$0x0] =	vst.idx.msk $0xffff, v60  }
0x246: {  	s1 =	simm.s32 $0x6;
	s30 =	simm.s32 $0x8;
	p1 =	por $0x0, $0x0;
	v33 =	vmov s14;
	v35 =	vmov s11;
	v63 =	vmov s13;
	[tilespmem:v48+s17+$0x0] =	vst.idx.msk $0xffff, v49  }
0x247: {  	s6 =	simm.s32 $0x7;
	p3 =	por $0x0, $0x0;
	s14 =	simm.s32 $0x6;
	v36 =	vmov s31;
	v37 =	vmov s7;
	v34 =	vshrl.u32 v63, $0x3;
	[tilespmem:v42+s17+$0x0] =	vst.idx.msk $0xffff, v61  }
0x248: {  	s11 =	simm.s32 $0xA520;
	s0 =	simm.s32 $0x7;
	v47 =	vmovc v33;
	s13 =	simm.s32 $0x5;
	v50 =	vmovc v37;
	[tilespmem:v43+s17+$0x0] =	vst.idx.msk $0xffff, v62;
	v48 =	vmov v36;
	v49 =	vmov v35;
	v46 =	vmov v34  }
0x249: {  	v38 =	vmov s29;
	v39 =	vmov s0;
	v40 =	vmov s1  }
0x24a: {  	v41 =	vshll.u32 v34, v1;
	v42 =	vshrl.u32 v33, $0x3;
	v43 =	vshrl.u32 v36, $0x3  }
0x24b: {  	v44 =	vshrl.u32 v37, $0x3;
	v45 =	vshrl.u32 v35, $0x3;
	v39 =	vshrl.u32 v39, $0x3  }
0x24c: {  	v38 =	vshrl.u32 v38, $0x3;
	v41 =	vbroadcast v41, $0x0;
	v42 =	vshll.u32 v42, v1  }
0x24d: {  	v43 =	vshll.u32 v43, v1;
	v57 =	vshll.u32 v44, v1;
	v42 =	vbroadcast v42, $0x0  }
0x24e: {  	v48 =	vld [tilespmem:s10+$0xFFFFFF00];
	v39 =	vshll.u32 v39, v1;
	v56 =	vbroadcast v43, $0x0;
	v49 =	vadd.s32 v17, v41  }
0x24f: {  	v58 =	vld [tilespmem:s10+$0xFFFFFF40];
	v59 =	vshll.u32 v45, v1;
	v39 =	vbroadcast v39, $0x0;
	v50 =	vadd.s32 v18, v42  }
0x250: {  	v51 =	vld [tilespmem:s10+$0xFFFFFF80];
	v40 =	vshrl.u32 v40, $0x3;
	v41 =	vbroadcast v57, $0x0;
	v52 =	vadd.s32 v19, v56  }
0x251: {  	v46 =	vld [tilespmem:s10+$0xC0];
	p4 =	por $0x1, $0x1;
	v60 =	vshll.u32 v38, v1;
	v42 =	vbroadcast v59, $0x0;
	v47 =	vadd.s32 v24, v39  }
.Ltmp23:
0x252: {  	v62 =	vshll.u32 v40, v1;
	v61 =	vbroadcast v60, $0x0;
	v38 =	vadd.s32 v20, v41;
	v39 =	vld [tilespmem:s10+$0xFFFFFFC0];
	(pc) =	sbr.rel @!p4 .LBB2_38-.Ltmp23, $4  }
0x253: {  	s6 =	simm.s32 $0x9;
	v45 =	vbroadcast v62, $0x0;
	v41 =	vld [tilespmem:s10+$0x0];
	v40 =	vadd.s32 v21, v42;
	[tilespmem:v49+s17+$0x0] =	vst.idx.msk $0xffff, v48  }
0x254: {  	v63 =	vmov s30;
	s7 =	simm.s32 $0xA;
	s11 =	simm.s32 $0xB;
	s12 =	simm.s32 $0xC;
	v43 =	vld [tilespmem:s10+$0x40];
	v42 =	vadd.s32 v22, v61;
	[tilespmem:v50+s17+$0x0] =	vst.idx.msk $0xffff, v58  }
0x255: {  	s13 =	simm.s32 $0xD;
	s14 =	simm.s32 $0xE;
	p3 =	por $0x1, $0x1;
	v44 =	vld [tilespmem:s10+$0x80];
	v45 =	vadd.s32 v23, v45;
	v48 =	vmov s7;
	v49 =	vmov s12;
	[tilespmem:v52+s17+$0x0] =	vst.idx.msk $0xffff, v51  }
0x256: {  	s12 =	simm.s32 $0x10;
	v50 =	vmov s11;
	s11 =	simm.s32 $0xA520;
	[tilespmem:v47+s17+$0x0] =	vst.idx.msk $0xffff, v46;
	v46 =	vshrl.u32 v63, $0x3;
	v47 =	vmov s6;
	s6 =	simm.s32 $0xF  }
.LBB2_39:
0x257: {  	p4 =	slt.u32 s12, $0x78;
	v51 =	vmov s13;
	v52 =	vmov s14;
	v53 =	vmov s6;
	[tilespmem:v38+s17+$0x0] =	vst.idx.msk $0xffff, v39  }
0x258: {  	v38 =	vshll.u32 v46, v1;
	v39 =	vshrl.u32 v47, $0x3;
	v46 =	vshrl.u32 v53, $0x3;
	[tilespmem:v40+s17+$0x0] =	vst.idx.msk $0xffff, v41  }
0x259: {  	v40 =	vshrl.u32 v48, $0x3;
	v41 =	vshrl.u32 v50, $0x3;
	v46 =	vshll.u32 v46, v1;
	[tilespmem:v42+s17+$0x0] =	vst.idx.msk $0xffff, v43  }
0x25a: {  	v42 =	vshrl.u32 v49, $0x3;
	v43 =	vshrl.u32 v51, $0x3;
	v46 =	vbroadcast v46, $0x0;
	[tilespmem:v45+s17+$0x0] =	vst.idx.msk $0xffff, v44  }
0x25b: {  	s11 =	sadd.s32 $0x200, s11;
	v38 =	vbroadcast v38, $0x0;
	v39 =	vshll.u32 v39, v1;
	v44 =	vshrl.u32 v52, $0x3  }
0x25c: {  	v39 =	vbroadcast v39, $0x0;
	v40 =	vshll.u32 v40, v1;
	v45 =	vld [tilespmem:s11+$0xC0];
	v46 =	vadd.s32 v24, v46  }
0x25d: {  	v48 =	vadd.s32 v17, v38;
	v38 =	vbroadcast v40, $0x0;
	v40 =	vshll.u32 v41, v1;
	v47 =	vld [tilespmem:s11+$0xFFFFFF00]  }
0x25e: {  	v50 =	vadd.s32 v18, v39;
	v40 =	vbroadcast v40, $0x0;
	v39 =	vshll.u32 v42, v1;
	v49 =	vld [tilespmem:s11+$0xFFFFFF40]  }
0x25f: {  	v41 =	vshll.u32 v43, v1;
	v52 =	vadd.s32 v19, v38;
	v42 =	vbroadcast v39, $0x0;
	v51 =	vld [tilespmem:s11+$0xFFFFFF80]  }
.Ltmp24:
0x260: {  	v53 =	vbroadcast v41, $0x0;
	v43 =	vshll.u32 v44, v1;
	v38 =	vadd.s32 v20, v40;
	v39 =	vld [tilespmem:s11+$0xFFFFFFC0];
	(pc) =	sbr.rel @p4 .LBB2_39-.Ltmp24, $4  }
0x261: {  	v54 =	vbroadcast v43, $0x0;
	v40 =	vadd.s32 v21, v42;
	v41 =	vld [tilespmem:s11+$0x0];
	[tilespmem:v46+s17+$0x0] =	vst.idx.msk $0xffff, v45  }
0x262: {  	s6 =	sadd.s32 $0x1, s12;
	s7 =	sadd.s32 $0x2, s12;
	v44 =	vmov s12;
	v42 =	vadd.s32 v22, v53;
	[tilespmem:v48+s17+$0x0] =	vst.idx.msk $0xffff, v47;
	v43 =	vld [tilespmem:s11+$0x40]  }
0x263: {  	s14 =	sadd.s32 $0x4, s12;
	s13 =	sadd.s32 $0x5, s12;
	v46 =	vshrl.u32 v44, $0x3;
	v45 =	vadd.s32 v23, v54;
	v47 =	vmov s6;
	s6 =	sadd.s32 $0x3, s12;
	[tilespmem:v50+s17+$0x0] =	vst.idx.msk $0xffff, v49;
	v44 =	vld [tilespmem:s11+$0x80]  }
0x264: {  	v48 =	vmov s7;
	v50 =	vmov s6;
	v49 =	vmov s14;
	s14 =	sadd.s32 $0x6, s12;
	s6 =	sadd.s32 $0x7, s12;
	s12 =	sadd.s32 $0x8, s12;
	[tilespmem:v52+s17+$0x0] =	vst.idx.msk $0xffff, v51  }
.LBB2_40:
0x265: {  	v51 =	vmov s13;
	v52 =	vmov s14;
	v53 =	vmov s6  }
0x266: {  	v46 =	vshll.u32 v46, v1;
	v47 =	vshrl.u32 v47, $0x3;
	v48 =	vshrl.u32 v48, $0x3  }
0x267: {  	v50 =	vshrl.u32 v50, $0x3;
	v49 =	vshrl.u32 v49, $0x3;
	v53 =	vshrl.u32 v53, $0x3  }
0x268: {  	s6 =	sadd.s32 @p3 $0x200, s11;
	v51 =	vshrl.u32 v51, $0x3;
	v46 =	vbroadcast v46, $0x0;
	v47 =	vshll.u32 v47, v1  }
0x269: {  	v52 =	vshrl.u32 v52, $0x3;
	s10 =	smov.u32 @p3 s6;
	v48 =	vshll.u32 v48, v1;
	v47 =	vbroadcast v47, $0x0  }
0x26a: {  	[tilespmem:v38+s17+$0x0] =	vst.idx.msk @p3 $0xffff, v39;
	v59 =	vshll.u32 v50, v1;
	v38 =	vld [tilespmem:s10+$0xFFFFFF00];
	v58 =	vbroadcast v48, $0x0;
	v39 =	vadd.s32 v17, v46  }
0x26b: {  	[tilespmem:v40+s17+$0x0] =	vst.idx.msk @p3 $0xffff, v41;
	v61 =	vshll.u32 v49, v1;
	v40 =	vld [tilespmem:s10+$0xFFFFFF40];
	v60 =	vbroadcast v59, $0x0;
	v41 =	vadd.s32 v18, v47  }
0x26c: {  	v53 =	vshll.u32 v53, v1;
	[tilespmem:v42+s17+$0x0] =	vst.idx.msk @p3 $0xffff, v43;
	v42 =	vld [tilespmem:s10+$0xFFFFFF80];
	v62 =	vbroadcast v61, $0x0;
	v43 =	vadd.s32 v19, v58  }
0x26d: {  	v63 =	vshll.u32 v51, v1;
	v55 =	vld [tilespmem:s10+$0xFFFFFFC0];
	v53 =	vbroadcast v53, $0x0;
	v56 =	vadd.s32 v20, v60  }
0x26e: {  	v59 =	vld [tilespmem:s10+$0x0];
	[tilespmem:v45+s17+$0x0] =	vst.idx.msk @p3 $0xffff, v44;
	v57 =	vbroadcast v63, $0x0;
	v58 =	vshll.u32 v52, v1;
	v46 =	vadd.s32 v21, v62  }
0x26f: {  	v54 =	vld [tilespmem:s10+$0xC0];
	v53 =	vadd.s32 v24, v53;
	v48 =	vbroadcast v58, $0x0;
	[tilespmem:v39+s17+$0x0] =	vst.idx.msk $0xffff, v38  }
0x270: {  	v60 =	vld [tilespmem:s10+$0x40];
	v61 =	vadd.s32 v22, v57;
	[tilespmem:v41+s17+$0x0] =	vst.idx.msk $0xffff, v40  }
0x271: {  	v62 =	vld [tilespmem:s10+$0x80];
	v63 =	vadd.s32 v23, v48;
	[tilespmem:v43+s17+$0x0] =	vst.idx.msk $0xffff, v42  }
.Ltmp25:
0x272: {  	[tilespmem:v56+s17+$0x0] =	vst.idx.msk $0xffff, v55;
	(pc) =	sbr.rel @!p2 .LBB2_41-.Ltmp25, $4  }
0x273: {  	[tilespmem:v46+s17+$0x0] =	vst.idx.msk $0xffff, v59  }
0x274: {  	[tilespmem:v53+s17+$0x0] =	vst.idx.msk $0xffff, v54  }
0x275: {  	[tilespmem:v61+s17+$0x0] =	vst.idx.msk $0xffff, v60  }
0x276: {  	s10 =	simm.s32 $0xA530;
	[tilespmem:v63+s17+$0x0] =	vst.idx.msk $0xffff, v62  }
0x277: {  	v38 =	vmov s29;
	v39 =	vmov s0;
	v40 =	vmov s1  }
0x278: {  	v34 =	vshll.u32 v34, v1;
	v33 =	vshrl.u32 v33, $0x3;
	v39 =	vshrl.u32 v39, $0x3  }
0x279: {  	v36 =	vshrl.u32 v36, $0x3;
	v37 =	vshrl.u32 v37, $0x3;
	v39 =	vshll.u32 v39, v1  }
0x27a: {  	v35 =	vshrl.u32 v35, $0x3;
	v38 =	vshrl.u32 v38, $0x3;
	v39 =	vbroadcast v39, $0x0  }
0x27b: {  	v34 =	vbroadcast v34, $0x0;
	v33 =	vshll.u32 v33, v1;
	v36 =	vshll.u32 v36, v1  }
0x27c: {  	v41 =	vld [tilespmem:s10+$0xC0];
	v37 =	vshll.u32 v37, v1;
	v33 =	vbroadcast v33, $0x0;
	v42 =	vadd.s32 v32, v39  }
0x27d: {  	v43 =	vld [tilespmem:s10+$0xFFFFFF00];
	v35 =	vshll.u32 v35, v1;
	v36 =	vbroadcast v36, $0x0;
	v34 =	vadd.s32 v25, v34  }
0x27e: {  	v44 =	vld [tilespmem:s10+$0xFFFFFF40];
	v59 =	vshrl.u32 v40, $0x3;
	v57 =	vbroadcast v37, $0x0;
	v45 =	vadd.s32 v26, v33  }
0x27f: {  	v46 =	vld [tilespmem:s10+$0xFFFFFF80];
	p2 =	por $0x1, $0x1;
	v35 =	vbroadcast v35, $0x0;
	v58 =	vshll.u32 v38, v1;
	v47 =	vadd.s32 v27, v36  }
.Ltmp26:
0x280: {  	v61 =	vshll.u32 v59, v1;
	v60 =	vbroadcast v58, $0x0;
	v38 =	vadd.s32 v28, v57;
	v39 =	vld [tilespmem:s10+$0xFFFFFFC0];
	(pc) =	sbr.rel @!p2 .LBB2_43-.Ltmp26, $4  }
0x281: {  	s14 =	simm.s32 $0x9;
	v62 =	vbroadcast v61, $0x0;
	v40 =	vadd.s32 v29, v35;
	[tilespmem:v42+s17+$0x0] =	vst.idx.msk $0xffff, v41;
	v41 =	vld [tilespmem:s10+$0x0]  }
0x282: {  	v63 =	vmov s30;
	s31 =	simm.s32 $0xA;
	s6 =	simm.s32 $0xB;
	s7 =	simm.s32 $0xC;
	[tilespmem:v34+s17+$0x0] =	vst.idx.msk $0xffff, v43;
	v43 =	vld [tilespmem:s10+$0x40];
	v42 =	vadd.s32 v30, v60  }
0x283: {  	s29 =	simm.s32 $0xD;
	s1 =	simm.s32 $0xE;
	s0 =	simm.s32 $0xF;
	v37 =	vmov s6;
	v33 =	vmov s14;
	[tilespmem:v45+s17+$0x0] =	vst.idx.msk $0xffff, v44;
	v44 =	vld [tilespmem:s10+$0x80];
	v45 =	vadd.s32 v31, v62  }
0x284: {  	s12 =	simm.s32 $0x10;
	p1 =	por $0x1, $0x1;
	s11 =	simm.s32 $0xA530;
	v36 =	vmov s31;
	v35 =	vmov s7;
	v34 =	vshrl.u32 v63, $0x3;
	[tilespmem:v47+s17+$0x0] =	vst.idx.msk $0xffff, v46  }
.LBB2_44:
0x285: {  	p2 =	slt.u32 s12, $0x78;
	v46 =	vmov s29;
	v47 =	vmov s1;
	v48 =	vmov s0;
	[tilespmem:v38+s17+$0x0] =	vst.idx.msk $0xffff, v39  }
0x286: {  	v34 =	vshll.u32 v34, v1;
	v33 =	vshrl.u32 v33, $0x3;
	v38 =	vshrl.u32 v48, $0x3;
	[tilespmem:v40+s17+$0x0] =	vst.idx.msk $0xffff, v41  }
0x287: {  	v36 =	vshrl.u32 v36, $0x3;
	v37 =	vshrl.u32 v37, $0x3;
	v38 =	vshll.u32 v38, v1;
	[tilespmem:v42+s17+$0x0] =	vst.idx.msk $0xffff, v43  }
0x288: {  	v35 =	vshrl.u32 v35, $0x3;
	v39 =	vshrl.u32 v46, $0x3;
	v38 =	vbroadcast v38, $0x0;
	[tilespmem:v45+s17+$0x0] =	vst.idx.msk $0xffff, v44  }
0x289: {  	s11 =	sadd.s32 $0x200, s11;
	v34 =	vbroadcast v34, $0x0;
	v33 =	vshll.u32 v33, v1;
	v40 =	vshrl.u32 v47, $0x3  }
0x28a: {  	v36 =	vshll.u32 v36, v1;
	v33 =	vbroadcast v33, $0x0;
	v42 =	vld [tilespmem:s11+$0xC0];
	v43 =	vadd.s32 v32, v38  }
0x28b: {  	v37 =	vshll.u32 v37, v1;
	v36 =	vbroadcast v36, $0x0;
	v34 =	vadd.s32 v25, v34;
	v44 =	vld [tilespmem:s11+$0xFFFFFF00]  }
0x28c: {  	v35 =	vshll.u32 v35, v1;
	v46 =	vadd.s32 v26, v33;
	v33 =	vbroadcast v37, $0x0;
	v45 =	vld [tilespmem:s11+$0xFFFFFF40]  }
0x28d: {  	v35 =	vbroadcast v35, $0x0;
	v48 =	vadd.s32 v27, v36;
	v36 =	vshll.u32 v39, v1;
	v47 =	vld [tilespmem:s11+$0xFFFFFF80]  }
.Ltmp27:
0x28e: {  	v38 =	vadd.s32 v28, v33;
	v33 =	vbroadcast v36, $0x0;
	v36 =	vshll.u32 v40, v1;
	v39 =	vld [tilespmem:s11+$0xFFFFFFC0];
	(pc) =	sbr.rel @p2 .LBB2_44-.Ltmp27, $4  }
0x28f: {  	v40 =	vadd.s32 v29, v35;
	v35 =	vbroadcast v36, $0x0;
	v41 =	vld [tilespmem:s11+$0x0];
	[tilespmem:v43+s17+$0x0] =	vst.idx.msk $0xffff, v42  }
0x290: {  	s0 =	sadd.s32 $0x1, s12;
	s1 =	sadd.s32 $0x2, s12;
	v36 =	vmov s12;
	v42 =	vadd.s32 v30, v33;
	[tilespmem:v34+s17+$0x0] =	vst.idx.msk $0xffff, v44;
	v43 =	vld [tilespmem:s11+$0x40]  }
0x291: {  	s6 =	sadd.s32 $0x4, s12;
	s29 =	sadd.s32 $0x5, s12;
	v33 =	vmov s0;
	s0 =	sadd.s32 $0x3, s12;
	v34 =	vshrl.u32 v36, $0x3;
	[tilespmem:v46+s17+$0x0] =	vst.idx.msk $0xffff, v45;
	v44 =	vld [tilespmem:s11+$0x80];
	v45 =	vadd.s32 v31, v35  }
0x292: {  	v36 =	vmov s1;
	v37 =	vmov s0;
	s1 =	sadd.s32 $0x6, s12;
	s0 =	sadd.s32 $0x7, s12;
	s12 =	sadd.s32 $0x8, s12;
	v35 =	vmov s6;
	[tilespmem:v48+s17+$0x0] =	vst.idx.msk $0xffff, v47  }
.LBB2_45:
0x293: {  	v46 =	vmov s29;
	v47 =	vmov s1;
	v48 =	vmov s0  }
0x294: {  	v34 =	vshll.u32 v34, v1;
	v33 =	vshrl.u32 v33, $0x3;
	v36 =	vshrl.u32 v36, $0x3  }
0x295: {  	v37 =	vshrl.u32 v37, $0x3;
	v35 =	vshrl.u32 v35, $0x3;
	v48 =	vshrl.u32 v48, $0x3  }
0x296: {  	s0 =	sadd.s32 @p1 $0x200, s11;
	v46 =	vshrl.u32 v46, $0x3;
	v34 =	vbroadcast v34, $0x0;
	v33 =	vshll.u32 v33, v1  }
0x297: {  	v47 =	vshrl.u32 v47, $0x3;
	s10 =	smov.u32 @p1 s0;
	v36 =	vshll.u32 v36, v1;
	v33 =	vbroadcast v33, $0x0  }
0x298: {  	v37 =	vshll.u32 v37, v1;
	v53 =	vld [tilespmem:s10+$0xFFFFFF00];
	v36 =	vbroadcast v36, $0x0;
	v34 =	vadd.s32 v25, v34  }
0x299: {  	[tilespmem:v38+s17+$0x0] =	vst.idx.msk @p1 $0xffff, v39;
	v35 =	vshll.u32 v35, v1;
	v54 =	vld [tilespmem:s10+$0xFFFFFF40];
	v37 =	vbroadcast v37, $0x0;
	v33 =	vadd.s32 v26, v33  }
0x29a: {  	[tilespmem:v40+s17+$0x0] =	vst.idx.msk @p1 $0xffff, v41;
	v48 =	vshll.u32 v48, v1;
	v55 =	vld [tilespmem:s10+$0xFFFFFF80];
	v35 =	vbroadcast v35, $0x0;
	v36 =	vadd.s32 v27, v36  }
0x29b: {  	[tilespmem:v42+s17+$0x0] =	vst.idx.msk @p1 $0xffff, v43;
	v56 =	vshll.u32 v46, v1;
	v57 =	vld [tilespmem:s10+$0xFFFFFFC0];
	v48 =	vbroadcast v48, $0x0;
	v37 =	vadd.s32 v28, v37  }
0x29c: {  	v58 =	vshll.u32 v47, v1;
	v59 =	vld [tilespmem:s10+$0x0];
	[tilespmem:v45+s17+$0x0] =	vst.idx.msk @p1 $0xffff, v44;
	v41 =	vbroadcast v56, $0x0;
	v35 =	vadd.s32 v29, v35  }
0x29d: {  	v49 =	vld [tilespmem:s10+$0xC0];
	v43 =	vbroadcast v58, $0x0;
	v48 =	vadd.s32 v32, v48;
	[tilespmem:v34+s17+$0x0] =	vst.idx.msk $0xffff, v53  }
0x29e: {  	v60 =	vld [tilespmem:s10+$0x40];
	v61 =	vadd.s32 v30, v41;
	[tilespmem:v33+s17+$0x0] =	vst.idx.msk $0xffff, v54  }
0x29f: {  	v62 =	vld [tilespmem:s10+$0x80];
	v63 =	vadd.s32 v31, v43;
	[tilespmem:v36+s17+$0x0] =	vst.idx.msk $0xffff, v55  }
0x2a0: {  	s14 =	sadd.s32 $0x2, s26;
	[tilespmem:v37+s17+$0x0] =	vst.idx.msk $0xffff, v57  }
0x2a1: {  	s29 =	sshll.u32 s14, $0x7;
	[tilespmem:v35+s17+$0x0] =	vst.idx.msk $0xffff, v59  }
0x2a2: {  	s0 =	sshll.u32 s14, $0xA;
	s1 =	sand.u32 $0xF00, s29;
	[tilespmem:v48+s17+$0x0] =	vst.idx.msk $0xffff, v49  }
0x2a3: {  	s0 =	sand.u32 $0xFFF8000, s0;
	s1 =	sadd.s32 s2, s1;
	[tilespmem:v61+s17+$0x0] =	vst.idx.msk $0xffff, v60  }
0x2a4: {  	s30 =	simm.s32 $0xE400;
	s1 =	sadd.s32 s0, s1;
	[tilespmem:v63+s17+$0x0] =	vst.idx.msk $0xffff, v62  }
0x2a5: {  	[hbm4b:s1+s3] =	stream.linear.scatter [tilespmem:s30], [sflag:$0x5], $0x80, $0x38;
	[tilespmem:$0x12800] =	vst v63  }
0x2a6: {  	s31 =	simm.s32 $0xE488;
	s6 =	sadd.s32 $0x10, s1  }
0x2a7: {  	[hbm4b:s6+s3] =	stream.linear.scatter [tilespmem:s31], [sflag:$0x5], $0x80, $0x38;
	[tilespmem:$0x12800] =	vst v63  }
0x2a8: {  	s12 =	simm.s32 $0xE620;
	s7 =	sadd.s32 $0x20, s1;
	s6 =	simm.s32 $0xE510  }
0x2a9: {  	[hbm4b:s7+s3] =	stream.linear.scatter [tilespmem:s6], [sflag:$0x5], $0x80, $0x38;
	[tilespmem:$0x12800] =	vst v63  }
0x2aa: {  	s14 =	simm.s32 $0xE6A8;
	s10 =	simm.s32 $0xE598;
	s11 =	sadd.s32 $0x30, s1  }
0x2ab: {  	[hbm4b:s11+s3] =	stream.linear.scatter [tilespmem:s10], [sflag:$0x5], $0x80, $0x38;
	[tilespmem:$0x12800] =	vst v63  }
0x2ac: {  	s0 =	simm.s32 $0x440;
	s13 =	sadd.s32 $0x40, s1;
	s29 =	sadd.s32 $0x50, s1  }
0x2ad: {  	[hbm4b:s13+s3] =	stream.linear.scatter [tilespmem:s12], [sflag:$0x5], $0x80, $0x38;
	[tilespmem:$0x12800] =	vst v63  }
0x2ae: {  	s30 =	simm.s32 $0xE730;
	s31 =	sadd.s32 $0x60, s1;
	s6 =	simm.s32 $0x2200  }
0x2af: {  	[hbm4b:s29+s3] =	stream.linear.scatter [tilespmem:s14], [sflag:$0x5], $0x80, $0x38;
	[tilespmem:$0x12800] =	vst v63  }
0x2b0: {  	s10 =	simm.s32 $0xE7B8;
	s11 =	sadd.s32 $0x70, s1;
	s1 =	sadd.s32 $0x1000, s1  }
0x2b1: {  	[hbm4b:s31+s3] =	stream.linear.scatter [tilespmem:s30], [sflag:$0x5], $0x80, $0x38;
	[tilespmem:$0x12800] =	vst v63  }
.LBB2_46:
0x2b2: {  	[hbm4b:s11+s3] =	stream.linear.scatter [tilespmem:s10], [sflag:$0x5], $0x80, $0x38;
	[tilespmem:$0x12800] =	vst v63  }
0x2b3: {  	s7 =	smov.u32 s0;
	s0 =	smov.u32 s6  }
0x2b4: {  	s12 =	sadd.s32 $0x1100, s6;
	s0 =	sshra.s32 s0, $0x2;
	s10 =	sadd.s32 $0xE400, s7  }
0x2b5: {  	[hbm4b:s1+s3] =	stream.linear.scatter [tilespmem:s10], [sflag:$0x5], $0x80, $0x38;
	[tilespmem:$0x12800] =	vst v63  }
0x2b6: {  	p1 =	sne.s32 s6, $0x7700;
	s6 =	sadd.s32 $0xE488, s7;
	s10 =	sadd.s32 $0x10, s1  }
0x2b7: {  	[hbm4b:s10+s3] =	stream.linear.scatter [tilespmem:s6], [sflag:$0x5], $0x80, $0x38;
	[tilespmem:$0x12800] =	vst v63  }
0x2b8: {  	s6 =	sadd.s32 $0xE510, s7;
	s10 =	sadd.s32 $0x20, s1  }
0x2b9: {  	[hbm4b:s10+s3] =	stream.linear.scatter [tilespmem:s6], [sflag:$0x5], $0x80, $0x38;
	[tilespmem:$0x12800] =	vst v63  }
0x2ba: {  	s6 =	sadd.s32 $0xE598, s7;
	s10 =	sadd.s32 $0x30, s1  }
0x2bb: {  	[hbm4b:s10+s3] =	stream.linear.scatter [tilespmem:s6], [sflag:$0x5], $0x80, $0x38;
	[tilespmem:$0x12800] =	vst v63  }
0x2bc: {  	s6 =	sadd.s32 $0xE620, s7;
	s10 =	sadd.s32 $0x40, s1  }
0x2bd: {  	[hbm4b:s10+s3] =	stream.linear.scatter [tilespmem:s6], [sflag:$0x5], $0x80, $0x38;
	[tilespmem:$0x12800] =	vst v63  }
.Ltmp28:
0x2be: {  	s6 =	sadd.s32 $0xE6A8, s7;
	s10 =	sadd.s32 $0x50, s1;
	(pc) =	sbr.rel @p1 .LBB2_46-.Ltmp28, $4  }
0x2bf: {  	[hbm4b:s10+s3] =	stream.linear.scatter [tilespmem:s6], [sflag:$0x5], $0x80, $0x38;
	[tilespmem:$0x12800] =	vst v63  }
0x2c0: {  	s11 =	sadd.s32 $0x70, s1;
	s6 =	sadd.s32 $0xE730, s7;
	s10 =	sadd.s32 $0x60, s1  }
0x2c1: {  	[hbm4b:s10+s3] =	stream.linear.scatter [tilespmem:s6], [sflag:$0x5], $0x80, $0x38;
	[tilespmem:$0x12800] =	vst v63  }
0x2c2: {  	s1 =	sadd.s32 $0x1000, s1;
	s10 =	sadd.s32 $0xE7B8, s7;
	s6 =	smov.u32 s12  }
0x2c3: {  	[hbm4b:s11+s3] =	stream.linear.scatter [tilespmem:s10], [sflag:$0x5], $0x80, $0x38;
	[tilespmem:$0x12800] =	vst v63  }
0x2c4: {  	s6 =	sadd.s32 $0xE400, s0  }
0x2c5: {  	[hbm4b:s1+s3] =	stream.linear.scatter [tilespmem:s6], [sflag:$0x5], $0x80, $0x38;
	[tilespmem:$0x12800] =	vst v63  }
0x2c6: {  	s12 =	sadd.s32 $0xE488, s0;
	s7 =	sadd.s32 $0x10, s1  }
0x2c7: {  	[hbm4b:s7+s3] =	stream.linear.scatter [tilespmem:s12], [sflag:$0x5], $0x80, $0x38;
	[tilespmem:$0x12800] =	vst v63  }
0x2c8: {  	s13 =	sadd.s32 $0xE510, s0;
	s14 =	sadd.s32 $0x20, s1  }
0x2c9: {  	[hbm4b:s14+s3] =	stream.linear.scatter [tilespmem:s13], [sflag:$0x5], $0x80, $0x38;
	[tilespmem:$0x12800] =	vst v63  }
0x2ca: {  	s30 =	sadd.s32 $0xE598, s0;
	s31 =	sadd.s32 $0x30, s1  }
0x2cb: {  	[hbm4b:s31+s3] =	stream.linear.scatter [tilespmem:s30], [sflag:$0x5], $0x80, $0x38;
	[tilespmem:$0x12800] =	vst v63  }
0x2cc: {  	s10 =	sadd.s32 $0x40, s1;
	s11 =	sadd.s32 $0xE6A8, s0;
	s7 =	sadd.s32 $0xE620, s0  }
0x2cd: {  	[hbm4b:s10+s3] =	stream.linear.scatter [tilespmem:s7], [sflag:$0x5], $0x80, $0x38;
	[tilespmem:$0x12800] =	vst v63  }
0x2ce: {  	s6 =	simm.s32 @!p0 $0xA400;
	s12 =	sadd.s32 $0x50, s1;
	s13 =	sadd.s32 $0xE730, s0  }
0x2cf: {  	[hbm4b:s12+s3] =	stream.linear.scatter [tilespmem:s11], [sflag:$0x5], $0x80, $0x38;
	[tilespmem:$0x12800] =	vst v63  }
0x2d0: {  	s14 =	sadd.s32 $0x60, s1;
	s30 =	sadd.s32 $0xE7B8, s0;
	s31 =	sadd.s32 $0x70, s1  }
0x2d1: {  	[hbm4b:s14+s3] =	stream.linear.scatter [tilespmem:s13], [sflag:$0x5], $0x80, $0x38;
	[tilespmem:$0x12800] =	vst v63  }
0x2d2: {  	s0 =	sadd.s32 @!p0 $0x300, s28;
	s1 =	simm.s32 @!p0 $0x80;
	s7 =	simm.s32 $0x1  }
0x2d3: {  	[hbm4b:s31+s3] =	stream.linear.scatter [tilespmem:s30], [sflag:$0x5], $0x80, $0x38;
	[tilespmem:$0x12800] =	vst v63  }
0x2d4: {  	s10 =	simm.s32 $0x2;
	v34 =	vmov s7;
	s11 =	simm.s32 $0x3;
	s12 =	simm.s32 $0x4  }
0x2d5: {  	v35 =	vmov s10;
	v57 =	vshrl.u32 v34, $0x3;
	[tilespmem:s6], [sflag:$0x3] =	stream.indirect.gather @!p0 [hbm4b:s4+s1], $0x40, s0, s1, $0xb8;
	[tilespmem:$0x12800] =	vst v63  }
0x2d6: {  	v42 =	vshrl.u32 v35, $0x3;
	v36 =	vmov s11;
	v37 =	vmov s12;
	s14 =	simm.s32 $0x7;
	s6 =	simm.s32 $0x0;
	_ =	swait.ge [sflag:s22], $0x2000  }
0x2d7: {  	v58 =	vshll.u32 v57, v1;
	v39 =	vmov s14;
	v33 =	vmov s6;
	[sflag:s22] =	ssyncset.done $0x0  }
0x2d8: {  	v59 =	vshll.u32 v42, v1;
	v56 =	vshrl.u32 v39, $0x3;
	v33 =	vshrl.u32 v33, $0x3;
	[sflag:s22] =	ssyncadd.s32 $0xFFFFE000  }
0x2d9: {  	v43 =	vshrl.u32 v36, $0x3;
	v41 =	vshll.u32 v33, v1;
	v33 =	vshll.u32 v56, v1;
	_ =	swait.ge [sflag:s23], $0x2000  }
0x2da: {  	s13 =	simm.s32 $0x5;
	v44 =	vshrl.u32 v37, $0x3;
	v35 =	vbroadcast v58, $0x0;
	v33 =	vbroadcast v33, $0x0;
	[sflag:s23] =	ssyncset.done $0x0  }
0x2db: {  	s29 =	simm.s32 $0xC500;
	v36 =	vbroadcast v59, $0x0;
	v38 =	vmov s13;
	v34 =	vbroadcast v41, $0x0;
	[sflag:s23] =	ssyncadd.s32 $0xFFFFE000  }
0x2dc: {  	v60 =	vshll.u32 v43, v1;
	v62 =	vshll.u32 v44, v1;
	v46 =	vadd.s32 v8, v33;
	v41 =	vld [tilespmem:s29+$0xC0]  }
0x2dd: {  	s30 =	simm.s32 $0x6;
	v38 =	vshrl.u32 v38, $0x3;
	v52 =	vadd.s32 v2, v35;
	v48 =	vadd.s32 v0, v34;
	v47 =	vld [tilespmem:s29+$0xFFFFFF00]  }
0x2de: {  	v37 =	vbroadcast v60, $0x0;
	v40 =	vmov s30;
	v38 =	vshll.u32 v38, v1;
	v49 =	vld [tilespmem:s29+$0xFFFFFF40]  }
0x2df: {  	v61 =	vshrl.u32 v40, $0x3;
	v40 =	vbroadcast v62, $0x0;
	v56 =	vadd.s32 v3, v36;
	v55 =	vld [tilespmem:s29+$0xFFFFFF80]  }
0x2e0: {  	v39 =	vbroadcast v38, $0x0;
	v45 =	vadd.s32 v4, v37;
	v63 =	vshll.u32 v61, v1;
	v42 =	vld [tilespmem:s29+$0xFFFFFFC0]  }
0x2e1: {  	s10 =	simm.s32 $0xB;
	v38 =	vbroadcast v63, $0x0;
	v44 =	vadd.s32 v5, v40;
	v43 =	vld [tilespmem:s29+$0x0];
	[tilespmem:v46+s19+$0x0] =	vst.idx.msk $0xffff, v41  }
0x2e2: {  	v54 =	vmov s10;
	s31 =	simm.s32 $0x8;
	s1 =	simm.s32 $0x9;
	[tilespmem:v48+s19+$0x0] =	vst.idx.msk $0xffff, v47;
	v46 =	vld [tilespmem:s29+$0x40];
	v47 =	vadd.s32 v6, v39  }
0x2e3: {  	s28 =	simm.s32 $0xC;
	s12 =	simm.s32 $0xE;
	s0 =	simm.s32 $0xA;
	v51 =	vmov s1;
	v41 =	vmov s31;
	[tilespmem:v52+s19+$0x0] =	vst.idx.msk $0xffff, v49;
	v48 =	vld [tilespmem:s29+$0x80];
	v49 =	vadd.s32 v7, v38  }
0x2e4: {  	s11 =	simm.s32 $0x10;
	s13 =	simm.s32 $0xF;
	s6 =	simm.s32 $0xD;
	v53 =	vmov s0;
	v52 =	vmov s28;
	[tilespmem:v56+s19+$0x0] =	vst.idx.msk $0xffff, v55;
	v50 =	vshrl.u32 v41, $0x3  }
.LBB2_48:
0x2e5: {  	p1 =	slt.u32 s11, $0x78;
	v55 =	vmov s6;
	v56 =	vmov s12;
	v57 =	vmov s13;
	[tilespmem:v45+s19+$0x0] =	vst.idx.msk $0xffff, v42  }
0x2e6: {  	v42 =	vshll.u32 v50, v1;
	v45 =	vshrl.u32 v51, $0x3;
	v50 =	vshrl.u32 v57, $0x3;
	[tilespmem:v44+s19+$0x0] =	vst.idx.msk $0xffff, v43  }
0x2e7: {  	v43 =	vshrl.u32 v53, $0x3;
	v44 =	vshrl.u32 v54, $0x3;
	v50 =	vshll.u32 v50, v1;
	[tilespmem:v47+s19+$0x0] =	vst.idx.msk $0xffff, v46  }
0x2e8: {  	v46 =	vshrl.u32 v52, $0x3;
	v47 =	vshrl.u32 v55, $0x3;
	v50 =	vbroadcast v50, $0x0;
	[tilespmem:v49+s19+$0x0] =	vst.idx.msk $0xffff, v48  }
0x2e9: {  	s29 =	sadd.s32 $0x200, s29;
	v42 =	vbroadcast v42, $0x0;
	v45 =	vshll.u32 v45, v1;
	v48 =	vshrl.u32 v56, $0x3  }
0x2ea: {  	v45 =	vbroadcast v45, $0x0;
	v43 =	vshll.u32 v43, v1;
	v49 =	vld [tilespmem:s29+$0xC0];
	v50 =	vadd.s32 v8, v50  }
0x2eb: {  	v52 =	vadd.s32 v0, v42;
	v42 =	vbroadcast v43, $0x0;
	v43 =	vshll.u32 v44, v1;
	v51 =	vld [tilespmem:s29+$0xFFFFFF00]  }
0x2ec: {  	v44 =	vshll.u32 v46, v1;
	v54 =	vadd.s32 v2, v45;
	v43 =	vbroadcast v43, $0x0;
	v53 =	vld [tilespmem:s29+$0xFFFFFF40]  }
0x2ed: {  	v46 =	vshll.u32 v47, v1;
	v44 =	vbroadcast v44, $0x0;
	v56 =	vadd.s32 v3, v42;
	v55 =	vld [tilespmem:s29+$0xFFFFFF80]  }
.Ltmp29:
0x2ee: {  	v47 =	vbroadcast v46, $0x0;
	v46 =	vshll.u32 v48, v1;
	v45 =	vadd.s32 v4, v43;
	v42 =	vld [tilespmem:s29+$0xFFFFFFC0];
	(pc) =	sbr.rel @p1 .LBB2_48-.Ltmp29, $4  }
0x2ef: {  	v57 =	vbroadcast v46, $0x0;
	v44 =	vadd.s32 v5, v44;
	v43 =	vld [tilespmem:s29+$0x0];
	[tilespmem:v50+s19+$0x0] =	vst.idx.msk $0xffff, v49  }
0x2f0: {  	s6 =	sadd.s32 $0x1, s11;
	s7 =	sadd.s32 $0x2, s11;
	v48 =	vmov s11;
	v47 =	vadd.s32 v6, v47;
	[tilespmem:v52+s19+$0x0] =	vst.idx.msk $0xffff, v51;
	v46 =	vld [tilespmem:s29+$0x40]  }
0x2f1: {  	s12 =	sadd.s32 $0x3, s11;
	s13 =	sadd.s32 $0x4, s11;
	v50 =	vshrl.u32 v48, $0x3;
	v49 =	vadd.s32 v7, v57;
	v51 =	vmov s6;
	s6 =	sadd.s32 $0x5, s11;
	[tilespmem:v54+s19+$0x0] =	vst.idx.msk $0xffff, v53;
	v48 =	vld [tilespmem:s29+$0x80]  }
0x2f2: {  	v52 =	vmov s13;
	s13 =	sadd.s32 $0x7, s11;
	v53 =	vmov s7;
	v54 =	vmov s12;
	s12 =	sadd.s32 $0x6, s11;
	s11 =	sadd.s32 $0x8, s11;
	[tilespmem:v56+s19+$0x0] =	vst.idx.msk $0xffff, v55  }
0x2f3: {  	v55 =	vmov s6;
	v56 =	vmov s12;
	v57 =	vmov s13  }
0x2f4: {  	v50 =	vshll.u32 v50, v1;
	v51 =	vshrl.u32 v51, $0x3;
	v53 =	vshrl.u32 v53, $0x3  }
0x2f5: {  	v54 =	vshrl.u32 v54, $0x3;
	v52 =	vshrl.u32 v52, $0x3;
	v57 =	vshrl.u32 v57, $0x3  }
0x2f6: {  	v55 =	vshrl.u32 v55, $0x3;
	v50 =	vbroadcast v50, $0x0;
	v57 =	vshll.u32 v57, v1  }
0x2f7: {  	s31 =	sadd.s32 $0x200, s29;
	v51 =	vshll.u32 v51, v1;
	v56 =	vshrl.u32 v56, $0x3;
	v57 =	vbroadcast v57, $0x0  }
0x2f8: {  	[tilespmem:v45+s19+$0x0] =	vst.idx.msk $0xffff, v42;
	v53 =	vshll.u32 v53, v1;
	v42 =	vld [tilespmem:s31+$0xFFFFFF00];
	v51 =	vbroadcast v51, $0x0;
	v45 =	vadd.s32 v0, v50  }
0x2f9: {  	v58 =	vld [tilespmem:s31+$0xC0];
	v62 =	vshll.u32 v54, v1;
	v61 =	vbroadcast v53, $0x0;
	v57 =	vadd.s32 v8, v57  }
0x2fa: {  	[tilespmem:v44+s19+$0x0] =	vst.idx.msk $0xffff, v43;
	v43 =	vld [tilespmem:s31+$0xFFFFFF40];
	v52 =	vshll.u32 v52, v1;
	v63 =	vbroadcast v62, $0x0;
	v44 =	vadd.s32 v2, v51  }
0x2fb: {  	[tilespmem:v47+s19+$0x0] =	vst.idx.msk $0xffff, v46;
	v46 =	vld [tilespmem:s31+$0xFFFFFF80];
	v59 =	vshll.u32 v55, v1;
	v50 =	vbroadcast v52, $0x0;
	v47 =	vadd.s32 v3, v61  }
0x2fc: {  	v62 =	vshll.u32 v56, v1;
	[tilespmem:v49+s19+$0x0] =	vst.idx.msk $0xffff, v48;
	v48 =	vld [tilespmem:s31+$0xFFFFFFC0];
	v60 =	vadd.s32 v4, v63;
	v61 =	vbroadcast v59, $0x0  }
0x2fd: {  	v52 =	vbroadcast v62, $0x0;
	v63 =	vld [tilespmem:s31+$0x0];
	v50 =	vadd.s32 v5, v50;
	[tilespmem:v45+s19+$0x0] =	vst.idx.msk $0xffff, v42  }
0x2fe: {  	v56 =	vld [tilespmem:s31+$0x40];
	[tilespmem:v57+s19+$0x0] =	vst.idx.msk $0xffff, v58;
	v57 =	vadd.s32 v6, v61  }
0x2ff: {  	v59 =	vadd.s32 v7, v52;
	[tilespmem:v44+s19+$0x0] =	vst.idx.msk $0xffff, v43;
	v58 =	vld [tilespmem:s31+$0x80]  }
0x300: {  	[tilespmem:v47+s19+$0x0] =	vst.idx.msk $0xffff, v46  }
0x301: {  	[tilespmem:v60+s19+$0x0] =	vst.idx.msk $0xffff, v48  }
0x302: {  	[tilespmem:v50+s19+$0x0] =	vst.idx.msk $0xffff, v63  }
0x303: {  	[tilespmem:v57+s19+$0x0] =	vst.idx.msk $0xffff, v56  }
0x304: {  	s29 =	simm.s32 $0xC510;
	[tilespmem:v59+s19+$0x0] =	vst.idx.msk $0xffff, v58  }
0x305: {  	v60 =	vadd.s32 v16, v33;
	v42 =	vld [tilespmem:s29+$0xC0]  }
0x306: {  	v61 =	vadd.s32 v9, v34;
	v44 =	vld [tilespmem:s29+$0xFFFFFF00]  }
0x307: {  	v62 =	vadd.s32 v10, v35;
	v46 =	vld [tilespmem:s29+$0xFFFFFF40]  }
0x308: {  	v63 =	vadd.s32 v11, v36;
	v48 =	vld [tilespmem:s29+$0xFFFFFF80]  }
0x309: {  	v37 =	vadd.s32 v12, v37;
	v34 =	vld [tilespmem:s29+$0xFFFFFFC0]  }
0x30a: {  	v35 =	vadd.s32 v13, v40;
	v33 =	vld [tilespmem:s29+$0x0];
	[tilespmem:v60+s19+$0x0] =	vst.idx.msk $0xffff, v42  }
0x30b: {  	v39 =	vadd.s32 v14, v39;
	v36 =	vld [tilespmem:s29+$0x40];
	[tilespmem:v61+s19+$0x0] =	vst.idx.msk $0xffff, v44  }
0x30c: {  	v41 =	vshrl.u32 v41, $0x3;
	v38 =	vadd.s32 v15, v38;
	s6 =	simm.s32 $0xE;
	v45 =	vmov s10;
	v40 =	vld [tilespmem:s29+$0x80];
	[tilespmem:v62+s19+$0x0] =	vst.idx.msk $0xffff, v46  }
0x30d: {  	s10 =	simm.s32 $0xF;
	v43 =	vmov s28;
	v42 =	vmov s1;
	s1 =	simm.s32 $0xD;
	v44 =	vmov s0;
	s0 =	simm.s32 $0x10;
	[tilespmem:v63+s19+$0x0] =	vst.idx.msk $0xffff, v48  }
.LBB2_50:
0x30e: {  	p1 =	slt.u32 s0, $0x78;
	v46 =	vmov s1;
	v47 =	vmov s6;
	v48 =	vmov s10;
	[tilespmem:v37+s19+$0x0] =	vst.idx.msk $0xffff, v34  }
0x30f: {  	v34 =	vshll.u32 v41, v1;
	v37 =	vshrl.u32 v42, $0x3;
	v41 =	vshrl.u32 v48, $0x3;
	[tilespmem:v35+s19+$0x0] =	vst.idx.msk $0xffff, v33  }
0x310: {  	v33 =	vshrl.u32 v44, $0x3;
	v35 =	vshrl.u32 v45, $0x3;
	v41 =	vshll.u32 v41, v1;
	[tilespmem:v39+s19+$0x0] =	vst.idx.msk $0xffff, v36  }
0x311: {  	v36 =	vshrl.u32 v43, $0x3;
	v39 =	vshrl.u32 v46, $0x3;
	v41 =	vbroadcast v41, $0x0;
	[tilespmem:v38+s19+$0x0] =	vst.idx.msk $0xffff, v40  }
0x312: {  	s29 =	sadd.s32 $0x200, s29;
	v34 =	vbroadcast v34, $0x0;
	v37 =	vshll.u32 v37, v1;
	v38 =	vshrl.u32 v47, $0x3  }
0x313: {  	v37 =	vbroadcast v37, $0x0;
	v33 =	vshll.u32 v33, v1;
	v40 =	vld [tilespmem:s29+$0xC0];
	v41 =	vadd.s32 v16, v41  }
0x314: {  	v43 =	vadd.s32 v9, v34;
	v33 =	vbroadcast v33, $0x0;
	v34 =	vshll.u32 v35, v1;
	v42 =	vld [tilespmem:s29+$0xFFFFFF00]  }
0x315: {  	v45 =	vadd.s32 v10, v37;
	v35 =	vbroadcast v34, $0x0;
	v34 =	vshll.u32 v36, v1;
	v44 =	vld [tilespmem:s29+$0xFFFFFF40]  }
0x316: {  	v47 =	vadd.s32 v11, v33;
	v36 =	vbroadcast v34, $0x0;
	v33 =	vshll.u32 v39, v1;
	v46 =	vld [tilespmem:s29+$0xFFFFFF80]  }
.Ltmp30:
0x317: {  	v38 =	vshll.u32 v38, v1;
	v37 =	vadd.s32 v12, v35;
	v39 =	vbroadcast v33, $0x0;
	v34 =	vld [tilespmem:s29+$0xFFFFFFC0];
	(pc) =	sbr.rel @p1 .LBB2_50-.Ltmp30, $4  }
0x318: {  	v38 =	vbroadcast v38, $0x0;
	v35 =	vadd.s32 v13, v36;
	v33 =	vld [tilespmem:s29+$0x0];
	[tilespmem:v41+s19+$0x0] =	vst.idx.msk $0xffff, v40  }
0x319: {  	s1 =	sadd.s32 $0x1, s0;
	s6 =	sadd.s32 $0x2, s0;
	v39 =	vadd.s32 v14, v39;
	v40 =	vmov s0;
	[tilespmem:v43+s19+$0x0] =	vst.idx.msk $0xffff, v42;
	v36 =	vld [tilespmem:s29+$0x40]  }
0x31a: {  	s7 =	sadd.s32 $0x3, s0;
	s10 =	sadd.s32 $0x4, s0;
	v38 =	vadd.s32 v15, v38;
	v41 =	vshrl.u32 v40, $0x3;
	v42 =	vmov s1;
	s1 =	sadd.s32 $0x5, s0;
	[tilespmem:v45+s19+$0x0] =	vst.idx.msk $0xffff, v44;
	v40 =	vld [tilespmem:s29+$0x80]  }
0x31b: {  	v43 =	vmov s10;
	s10 =	sadd.s32 $0x7, s0;
	v44 =	vmov s6;
	v45 =	vmov s7;
	s6 =	sadd.s32 $0x6, s0;
	s0 =	sadd.s32 $0x8, s0;
	[tilespmem:v47+s19+$0x0] =	vst.idx.msk $0xffff, v46  }
0x31c: {  	v46 =	vmov s1;
	v47 =	vmov s6;
	v48 =	vmov s10  }
0x31d: {  	v41 =	vshll.u32 v41, v1;
	v42 =	vshrl.u32 v42, $0x3;
	v44 =	vshrl.u32 v44, $0x3  }
0x31e: {  	v45 =	vshrl.u32 v45, $0x3;
	v43 =	vshrl.u32 v43, $0x3;
	v48 =	vshrl.u32 v48, $0x3  }
0x31f: {  	v46 =	vshrl.u32 v46, $0x3;
	v41 =	vbroadcast v41, $0x0;
	v42 =	vshll.u32 v42, v1  }
0x320: {  	s0 =	sadd.s32 $0x200, s29;
	v47 =	vshrl.u32 v47, $0x3;
	v44 =	vshll.u32 v44, v1;
	v42 =	vbroadcast v42, $0x0  }
0x321: {  	[tilespmem:v37+s19+$0x0] =	vst.idx.msk $0xffff, v34;
	v34 =	vld [tilespmem:s0+$0xFFFFFF00];
	v62 =	vshll.u32 v45, v1;
	v61 =	vbroadcast v44, $0x0;
	v37 =	vadd.s32 v9, v41  }
0x322: {  	v63 =	vld [tilespmem:s0+$0xFFFFFF40];
	v43 =	vshll.u32 v43, v1;
	v51 =	vbroadcast v62, $0x0;
	v50 =	vadd.s32 v10, v42  }
0x323: {  	[tilespmem:v35+s19+$0x0] =	vst.idx.msk $0xffff, v33;
	v52 =	vld [tilespmem:s0+$0xFFFFFF80];
	v48 =	vshll.u32 v48, v1;
	v54 =	vbroadcast v43, $0x0;
	v53 =	vadd.s32 v11, v61  }
0x324: {  	v56 =	vld [tilespmem:s0+$0xFFFFFFC0];
	[tilespmem:v39+s19+$0x0] =	vst.idx.msk $0xffff, v36;
	v55 =	vshll.u32 v46, v1;
	v48 =	vbroadcast v48, $0x0;
	v57 =	vadd.s32 v12, v51  }
0x325: {  	v60 =	vld [tilespmem:s0+$0x0];
	v59 =	vshll.u32 v47, v1;
	[tilespmem:v38+s19+$0x0] =	vst.idx.msk $0xffff, v40;
	v58 =	vbroadcast v55, $0x0;
	v41 =	vadd.s32 v13, v54  }
0x326: {  	v49 =	vld [tilespmem:s0+$0xC0];
	v43 =	vbroadcast v59, $0x0;
	v48 =	vadd.s32 v16, v48;
	[tilespmem:v37+s19+$0x0] =	vst.idx.msk $0xffff, v34  }
0x327: {  	v61 =	vld [tilespmem:s0+$0x40];
	v42 =	vadd.s32 v14, v58;
	[tilespmem:v50+s19+$0x0] =	vst.idx.msk $0xffff, v63  }
0x328: {  	s14 =	simm.s32 $0x0;
	s10 =	simm.s32 $0xC520;
	p2 =	por $0x1, $0x1;
	v62 =	vld [tilespmem:s0+$0x80];
	v43 =	vadd.s32 v15, v43;
	[tilespmem:v53+s19+$0x0] =	vst.idx.msk $0xffff, v52  }
.Ltmp31:
0x329: {  	s30 =	simm.s32 $0x1;
	s31 =	simm.s32 $0x2;
	[tilespmem:v57+s19+$0x0] =	vst.idx.msk $0xffff, v56;
	(pc) =	sbr.rel @!p2 .LBB2_55-.Ltmp31, $4  }
0x32a: {  	s7 =	simm.s32 $0x3;
	s11 =	simm.s32 $0x4;
	s28 =	simm.s32 $0x5;
	[tilespmem:v41+s19+$0x0] =	vst.idx.msk $0xffff, v60  }
0x32b: {  	s1 =	simm.s32 $0x6;
	s29 =	simm.s32 $0x8;
	p1 =	por $0x0, $0x0;
	v33 =	vmov s30;
	v35 =	vmov s11;
	v63 =	vmov s14;
	[tilespmem:v48+s19+$0x0] =	vst.idx.msk $0xffff, v49  }
0x32c: {  	s13 =	simm.s32 $0x5;
	s6 =	simm.s32 $0x7;
	p3 =	por $0x0, $0x0;
	v36 =	vmov s31;
	v37 =	vmov s7;
	v34 =	vshrl.u32 v63, $0x3;
	[tilespmem:v42+s19+$0x0] =	vst.idx.msk $0xffff, v61  }
0x32d: {  	s11 =	simm.s32 $0xC520;
	s0 =	simm.s32 $0x7;
	v47 =	vmovc v33;
	s14 =	simm.s32 $0x6;
	v50 =	vmovc v37;
	[tilespmem:v43+s19+$0x0] =	vst.idx.msk $0xffff, v62;
	v48 =	vmov v36;
	v49 =	vmov v35;
	v46 =	vmov v34  }
0x32e: {  	v38 =	vmov s28;
	v39 =	vmov s0;
	v40 =	vmov s1  }
0x32f: {  	v41 =	vshll.u32 v34, v1;
	v42 =	vshrl.u32 v33, $0x3;
	v43 =	vshrl.u32 v36, $0x3  }
0x330: {  	v44 =	vshrl.u32 v37, $0x3;
	v45 =	vshrl.u32 v35, $0x3;
	v39 =	vshrl.u32 v39, $0x3  }
0x331: {  	v38 =	vshrl.u32 v38, $0x3;
	v41 =	vbroadcast v41, $0x0;
	v42 =	vshll.u32 v42, v1  }
0x332: {  	v43 =	vshll.u32 v43, v1;
	v57 =	vshll.u32 v44, v1;
	v42 =	vbroadcast v42, $0x0  }
0x333: {  	v48 =	vld [tilespmem:s10+$0xFFFFFF00];
	v39 =	vshll.u32 v39, v1;
	v56 =	vbroadcast v43, $0x0;
	v49 =	vadd.s32 v17, v41  }
0x334: {  	v58 =	vld [tilespmem:s10+$0xFFFFFF40];
	v59 =	vshll.u32 v45, v1;
	v39 =	vbroadcast v39, $0x0;
	v50 =	vadd.s32 v18, v42  }
0x335: {  	v51 =	vld [tilespmem:s10+$0xFFFFFF80];
	v40 =	vshrl.u32 v40, $0x3;
	v41 =	vbroadcast v57, $0x0;
	v52 =	vadd.s32 v19, v56  }
0x336: {  	v46 =	vld [tilespmem:s10+$0xC0];
	p4 =	por $0x1, $0x1;
	v60 =	vshll.u32 v38, v1;
	v42 =	vbroadcast v59, $0x0;
	v47 =	vadd.s32 v24, v39  }
.Ltmp32:
0x337: {  	v62 =	vshll.u32 v40, v1;
	v61 =	vbroadcast v60, $0x0;
	v38 =	vadd.s32 v20, v41;
	v39 =	vld [tilespmem:s10+$0xFFFFFFC0];
	(pc) =	sbr.rel @!p4 .LBB2_53-.Ltmp32, $4  }
0x338: {  	s6 =	simm.s32 $0x9;
	v45 =	vbroadcast v62, $0x0;
	v41 =	vld [tilespmem:s10+$0x0];
	v40 =	vadd.s32 v21, v42;
	[tilespmem:v49+s19+$0x0] =	vst.idx.msk $0xffff, v48  }
0x339: {  	v63 =	vmov s29;
	s7 =	simm.s32 $0xA;
	s11 =	simm.s32 $0xB;
	s12 =	simm.s32 $0xC;
	v43 =	vld [tilespmem:s10+$0x40];
	v42 =	vadd.s32 v22, v61;
	[tilespmem:v50+s19+$0x0] =	vst.idx.msk $0xffff, v58  }
0x33a: {  	s13 =	simm.s32 $0xD;
	s14 =	simm.s32 $0xE;
	p3 =	por $0x1, $0x1;
	v44 =	vld [tilespmem:s10+$0x80];
	v45 =	vadd.s32 v23, v45;
	v48 =	vmov s7;
	v49 =	vmov s12;
	[tilespmem:v52+s19+$0x0] =	vst.idx.msk $0xffff, v51  }
0x33b: {  	s12 =	simm.s32 $0x10;
	v50 =	vmov s11;
	s11 =	simm.s32 $0xC520;
	[tilespmem:v47+s19+$0x0] =	vst.idx.msk $0xffff, v46;
	v46 =	vshrl.u32 v63, $0x3;
	v47 =	vmov s6;
	s6 =	simm.s32 $0xF  }
.LBB2_54:
0x33c: {  	p4 =	slt.u32 s12, $0x78;
	v51 =	vmov s13;
	v52 =	vmov s14;
	v53 =	vmov s6;
	[tilespmem:v38+s19+$0x0] =	vst.idx.msk $0xffff, v39  }
0x33d: {  	v38 =	vshll.u32 v46, v1;
	v39 =	vshrl.u32 v47, $0x3;
	v46 =	vshrl.u32 v53, $0x3;
	[tilespmem:v40+s19+$0x0] =	vst.idx.msk $0xffff, v41  }
0x33e: {  	v40 =	vshrl.u32 v48, $0x3;
	v41 =	vshrl.u32 v50, $0x3;
	v46 =	vshll.u32 v46, v1;
	[tilespmem:v42+s19+$0x0] =	vst.idx.msk $0xffff, v43  }
0x33f: {  	v42 =	vshrl.u32 v49, $0x3;
	v43 =	vshrl.u32 v51, $0x3;
	v46 =	vbroadcast v46, $0x0;
	[tilespmem:v45+s19+$0x0] =	vst.idx.msk $0xffff, v44  }
0x340: {  	s11 =	sadd.s32 $0x200, s11;
	v38 =	vbroadcast v38, $0x0;
	v39 =	vshll.u32 v39, v1;
	v44 =	vshrl.u32 v52, $0x3  }
0x341: {  	v39 =	vbroadcast v39, $0x0;
	v40 =	vshll.u32 v40, v1;
	v45 =	vld [tilespmem:s11+$0xC0];
	v46 =	vadd.s32 v24, v46  }
0x342: {  	v48 =	vadd.s32 v17, v38;
	v38 =	vbroadcast v40, $0x0;
	v40 =	vshll.u32 v41, v1;
	v47 =	vld [tilespmem:s11+$0xFFFFFF00]  }
0x343: {  	v50 =	vadd.s32 v18, v39;
	v40 =	vbroadcast v40, $0x0;
	v39 =	vshll.u32 v42, v1;
	v49 =	vld [tilespmem:s11+$0xFFFFFF40]  }
0x344: {  	v41 =	vshll.u32 v43, v1;
	v52 =	vadd.s32 v19, v38;
	v42 =	vbroadcast v39, $0x0;
	v51 =	vld [tilespmem:s11+$0xFFFFFF80]  }
.Ltmp33:
0x345: {  	v53 =	vbroadcast v41, $0x0;
	v43 =	vshll.u32 v44, v1;
	v38 =	vadd.s32 v20, v40;
	v39 =	vld [tilespmem:s11+$0xFFFFFFC0];
	(pc) =	sbr.rel @p4 .LBB2_54-.Ltmp33, $4  }
0x346: {  	v54 =	vbroadcast v43, $0x0;
	v40 =	vadd.s32 v21, v42;
	v41 =	vld [tilespmem:s11+$0x0];
	[tilespmem:v46+s19+$0x0] =	vst.idx.msk $0xffff, v45  }
0x347: {  	s6 =	sadd.s32 $0x1, s12;
	s7 =	sadd.s32 $0x2, s12;
	v44 =	vmov s12;
	v42 =	vadd.s32 v22, v53;
	[tilespmem:v48+s19+$0x0] =	vst.idx.msk $0xffff, v47;
	v43 =	vld [tilespmem:s11+$0x40]  }
0x348: {  	s14 =	sadd.s32 $0x4, s12;
	s13 =	sadd.s32 $0x5, s12;
	v46 =	vshrl.u32 v44, $0x3;
	v45 =	vadd.s32 v23, v54;
	v47 =	vmov s6;
	s6 =	sadd.s32 $0x3, s12;
	[tilespmem:v50+s19+$0x0] =	vst.idx.msk $0xffff, v49;
	v44 =	vld [tilespmem:s11+$0x80]  }
0x349: {  	v48 =	vmov s7;
	v50 =	vmov s6;
	v49 =	vmov s14;
	s14 =	sadd.s32 $0x6, s12;
	s6 =	sadd.s32 $0x7, s12;
	s12 =	sadd.s32 $0x8, s12;
	[tilespmem:v52+s19+$0x0] =	vst.idx.msk $0xffff, v51  }
.LBB2_55:
0x34a: {  	v51 =	vmov s13;
	v52 =	vmov s14;
	v53 =	vmov s6  }
0x34b: {  	v46 =	vshll.u32 v46, v1;
	v47 =	vshrl.u32 v47, $0x3;
	v48 =	vshrl.u32 v48, $0x3  }
0x34c: {  	v50 =	vshrl.u32 v50, $0x3;
	v49 =	vshrl.u32 v49, $0x3;
	v53 =	vshrl.u32 v53, $0x3  }
0x34d: {  	s6 =	sadd.s32 @p3 $0x200, s11;
	v51 =	vshrl.u32 v51, $0x3;
	v46 =	vbroadcast v46, $0x0;
	v47 =	vshll.u32 v47, v1  }
0x34e: {  	v52 =	vshrl.u32 v52, $0x3;
	s10 =	smov.u32 @p3 s6;
	v48 =	vshll.u32 v48, v1;
	v47 =	vbroadcast v47, $0x0  }
0x34f: {  	[tilespmem:v38+s19+$0x0] =	vst.idx.msk @p3 $0xffff, v39;
	v59 =	vshll.u32 v50, v1;
	v38 =	vld [tilespmem:s10+$0xFFFFFF00];
	v58 =	vbroadcast v48, $0x0;
	v39 =	vadd.s32 v17, v46  }
0x350: {  	[tilespmem:v40+s19+$0x0] =	vst.idx.msk @p3 $0xffff, v41;
	v61 =	vshll.u32 v49, v1;
	v40 =	vld [tilespmem:s10+$0xFFFFFF40];
	v60 =	vbroadcast v59, $0x0;
	v41 =	vadd.s32 v18, v47  }
0x351: {  	v53 =	vshll.u32 v53, v1;
	[tilespmem:v42+s19+$0x0] =	vst.idx.msk @p3 $0xffff, v43;
	v42 =	vld [tilespmem:s10+$0xFFFFFF80];
	v62 =	vbroadcast v61, $0x0;
	v43 =	vadd.s32 v19, v58  }
0x352: {  	v63 =	vshll.u32 v51, v1;
	v55 =	vld [tilespmem:s10+$0xFFFFFFC0];
	v53 =	vbroadcast v53, $0x0;
	v56 =	vadd.s32 v20, v60  }
0x353: {  	v59 =	vld [tilespmem:s10+$0x0];
	[tilespmem:v45+s19+$0x0] =	vst.idx.msk @p3 $0xffff, v44;
	v57 =	vbroadcast v63, $0x0;
	v58 =	vshll.u32 v52, v1;
	v46 =	vadd.s32 v21, v62  }
0x354: {  	v54 =	vld [tilespmem:s10+$0xC0];
	v53 =	vadd.s32 v24, v53;
	v48 =	vbroadcast v58, $0x0;
	[tilespmem:v39+s19+$0x0] =	vst.idx.msk $0xffff, v38  }
0x355: {  	v60 =	vld [tilespmem:s10+$0x40];
	v61 =	vadd.s32 v22, v57;
	[tilespmem:v41+s19+$0x0] =	vst.idx.msk $0xffff, v40  }
0x356: {  	v62 =	vld [tilespmem:s10+$0x80];
	v63 =	vadd.s32 v23, v48;
	[tilespmem:v43+s19+$0x0] =	vst.idx.msk $0xffff, v42  }
.Ltmp34:
0x357: {  	[tilespmem:v56+s19+$0x0] =	vst.idx.msk $0xffff, v55;
	(pc) =	sbr.rel @!p2 .LBB2_56-.Ltmp34, $4  }
0x358: {  	[tilespmem:v46+s19+$0x0] =	vst.idx.msk $0xffff, v59  }
0x359: {  	[tilespmem:v53+s19+$0x0] =	vst.idx.msk $0xffff, v54  }
0x35a: {  	[tilespmem:v61+s19+$0x0] =	vst.idx.msk $0xffff, v60  }
0x35b: {  	s10 =	simm.s32 $0xC530;
	[tilespmem:v63+s19+$0x0] =	vst.idx.msk $0xffff, v62  }
0x35c: {  	v38 =	vmov s28;
	v39 =	vmov s0;
	v40 =	vmov s1  }
0x35d: {  	v34 =	vshll.u32 v34, v1;
	v33 =	vshrl.u32 v33, $0x3;
	v39 =	vshrl.u32 v39, $0x3  }
0x35e: {  	v36 =	vshrl.u32 v36, $0x3;
	v37 =	vshrl.u32 v37, $0x3;
	v39 =	vshll.u32 v39, v1  }
0x35f: {  	v35 =	vshrl.u32 v35, $0x3;
	v38 =	vshrl.u32 v38, $0x3;
	v39 =	vbroadcast v39, $0x0  }
0x360: {  	v34 =	vbroadcast v34, $0x0;
	v33 =	vshll.u32 v33, v1;
	v36 =	vshll.u32 v36, v1  }
0x361: {  	v41 =	vld [tilespmem:s10+$0xC0];
	v37 =	vshll.u32 v37, v1;
	v33 =	vbroadcast v33, $0x0;
	v42 =	vadd.s32 v32, v39  }
0x362: {  	v43 =	vld [tilespmem:s10+$0xFFFFFF00];
	v35 =	vshll.u32 v35, v1;
	v36 =	vbroadcast v36, $0x0;
	v34 =	vadd.s32 v25, v34  }
0x363: {  	v44 =	vld [tilespmem:s10+$0xFFFFFF40];
	v59 =	vshrl.u32 v40, $0x3;
	v57 =	vbroadcast v37, $0x0;
	v45 =	vadd.s32 v26, v33  }
0x364: {  	v46 =	vld [tilespmem:s10+$0xFFFFFF80];
	p2 =	por $0x1, $0x1;
	v35 =	vbroadcast v35, $0x0;
	v58 =	vshll.u32 v38, v1;
	v47 =	vadd.s32 v27, v36  }
.Ltmp35:
0x365: {  	v61 =	vshll.u32 v59, v1;
	v60 =	vbroadcast v58, $0x0;
	v38 =	vadd.s32 v28, v57;
	v39 =	vld [tilespmem:s10+$0xFFFFFFC0];
	(pc) =	sbr.rel @!p2 .LBB2_58-.Ltmp35, $4  }
0x366: {  	s30 =	simm.s32 $0x9;
	v62 =	vbroadcast v61, $0x0;
	v40 =	vadd.s32 v29, v35;
	[tilespmem:v42+s19+$0x0] =	vst.idx.msk $0xffff, v41;
	v41 =	vld [tilespmem:s10+$0x0]  }
0x367: {  	v63 =	vmov s29;
	s31 =	simm.s32 $0xA;
	s6 =	simm.s32 $0xB;
	s7 =	simm.s32 $0xC;
	[tilespmem:v34+s19+$0x0] =	vst.idx.msk $0xffff, v43;
	v43 =	vld [tilespmem:s10+$0x40];
	v42 =	vadd.s32 v30, v60  }
0x368: {  	s28 =	simm.s32 $0xD;
	s1 =	simm.s32 $0xE;
	s0 =	simm.s32 $0xF;
	v37 =	vmov s6;
	v33 =	vmov s30;
	[tilespmem:v45+s19+$0x0] =	vst.idx.msk $0xffff, v44;
	v44 =	vld [tilespmem:s10+$0x80];
	v45 =	vadd.s32 v31, v62  }
0x369: {  	s12 =	simm.s32 $0x10;
	p1 =	por $0x1, $0x1;
	s11 =	simm.s32 $0xC530;
	v36 =	vmov s31;
	v35 =	vmov s7;
	v34 =	vshrl.u32 v63, $0x3;
	[tilespmem:v47+s19+$0x0] =	vst.idx.msk $0xffff, v46  }
.LBB2_59:
0x36a: {  	p2 =	slt.u32 s12, $0x78;
	v46 =	vmov s28;
	v47 =	vmov s1;
	v48 =	vmov s0;
	[tilespmem:v38+s19+$0x0] =	vst.idx.msk $0xffff, v39  }
0x36b: {  	v34 =	vshll.u32 v34, v1;
	v33 =	vshrl.u32 v33, $0x3;
	v38 =	vshrl.u32 v48, $0x3;
	[tilespmem:v40+s19+$0x0] =	vst.idx.msk $0xffff, v41  }
0x36c: {  	v36 =	vshrl.u32 v36, $0x3;
	v37 =	vshrl.u32 v37, $0x3;
	v38 =	vshll.u32 v38, v1;
	[tilespmem:v42+s19+$0x0] =	vst.idx.msk $0xffff, v43  }
0x36d: {  	v35 =	vshrl.u32 v35, $0x3;
	v39 =	vshrl.u32 v46, $0x3;
	v38 =	vbroadcast v38, $0x0;
	[tilespmem:v45+s19+$0x0] =	vst.idx.msk $0xffff, v44  }
0x36e: {  	s11 =	sadd.s32 $0x200, s11;
	v34 =	vbroadcast v34, $0x0;
	v33 =	vshll.u32 v33, v1;
	v40 =	vshrl.u32 v47, $0x3  }
0x36f: {  	v36 =	vshll.u32 v36, v1;
	v33 =	vbroadcast v33, $0x0;
	v42 =	vld [tilespmem:s11+$0xC0];
	v43 =	vadd.s32 v32, v38  }
0x370: {  	v37 =	vshll.u32 v37, v1;
	v36 =	vbroadcast v36, $0x0;
	v34 =	vadd.s32 v25, v34;
	v44 =	vld [tilespmem:s11+$0xFFFFFF00]  }
0x371: {  	v35 =	vshll.u32 v35, v1;
	v46 =	vadd.s32 v26, v33;
	v33 =	vbroadcast v37, $0x0;
	v45 =	vld [tilespmem:s11+$0xFFFFFF40]  }
0x372: {  	v35 =	vbroadcast v35, $0x0;
	v48 =	vadd.s32 v27, v36;
	v36 =	vshll.u32 v39, v1;
	v47 =	vld [tilespmem:s11+$0xFFFFFF80]  }
.Ltmp36:
0x373: {  	v38 =	vadd.s32 v28, v33;
	v33 =	vbroadcast v36, $0x0;
	v36 =	vshll.u32 v40, v1;
	v39 =	vld [tilespmem:s11+$0xFFFFFFC0];
	(pc) =	sbr.rel @p2 .LBB2_59-.Ltmp36, $4  }
0x374: {  	v40 =	vadd.s32 v29, v35;
	v35 =	vbroadcast v36, $0x0;
	v41 =	vld [tilespmem:s11+$0x0];
	[tilespmem:v43+s19+$0x0] =	vst.idx.msk $0xffff, v42  }
0x375: {  	s0 =	sadd.s32 $0x1, s12;
	s1 =	sadd.s32 $0x2, s12;
	v36 =	vmov s12;
	v42 =	vadd.s32 v30, v33;
	[tilespmem:v34+s19+$0x0] =	vst.idx.msk $0xffff, v44;
	v43 =	vld [tilespmem:s11+$0x40]  }
0x376: {  	s6 =	sadd.s32 $0x4, s12;
	s28 =	sadd.s32 $0x5, s12;
	v33 =	vmov s0;
	s0 =	sadd.s32 $0x3, s12;
	v34 =	vshrl.u32 v36, $0x3;
	[tilespmem:v46+s19+$0x0] =	vst.idx.msk $0xffff, v45;
	v44 =	vld [tilespmem:s11+$0x80];
	v45 =	vadd.s32 v31, v35  }
0x377: {  	v36 =	vmov s1;
	v37 =	vmov s0;
	s1 =	sadd.s32 $0x6, s12;
	s0 =	sadd.s32 $0x7, s12;
	s12 =	sadd.s32 $0x8, s12;
	v35 =	vmov s6;
	[tilespmem:v48+s19+$0x0] =	vst.idx.msk $0xffff, v47  }
.LBB2_60:
0x378: {  	v46 =	vmov s28;
	v47 =	vmov s1;
	v48 =	vmov s0  }
0x379: {  	v34 =	vshll.u32 v34, v1;
	v33 =	vshrl.u32 v33, $0x3;
	v36 =	vshrl.u32 v36, $0x3  }
0x37a: {  	v37 =	vshrl.u32 v37, $0x3;
	v35 =	vshrl.u32 v35, $0x3;
	v48 =	vshrl.u32 v48, $0x3  }
0x37b: {  	s0 =	sadd.s32 @p1 $0x200, s11;
	v46 =	vshrl.u32 v46, $0x3;
	v34 =	vbroadcast v34, $0x0;
	v33 =	vshll.u32 v33, v1  }
0x37c: {  	v47 =	vshrl.u32 v47, $0x3;
	s10 =	smov.u32 @p1 s0;
	v36 =	vshll.u32 v36, v1;
	v33 =	vbroadcast v33, $0x0  }
0x37d: {  	v37 =	vshll.u32 v37, v1;
	v53 =	vld [tilespmem:s10+$0xFFFFFF00];
	v36 =	vbroadcast v36, $0x0;
	v34 =	vadd.s32 v25, v34  }
0x37e: {  	[tilespmem:v38+s19+$0x0] =	vst.idx.msk @p1 $0xffff, v39;
	v35 =	vshll.u32 v35, v1;
	v54 =	vld [tilespmem:s10+$0xFFFFFF40];
	v37 =	vbroadcast v37, $0x0;
	v33 =	vadd.s32 v26, v33  }
0x37f: {  	[tilespmem:v40+s19+$0x0] =	vst.idx.msk @p1 $0xffff, v41;
	v48 =	vshll.u32 v48, v1;
	v55 =	vld [tilespmem:s10+$0xFFFFFF80];
	v35 =	vbroadcast v35, $0x0;
	v36 =	vadd.s32 v27, v36  }
0x380: {  	[tilespmem:v42+s19+$0x0] =	vst.idx.msk @p1 $0xffff, v43;
	v56 =	vshll.u32 v46, v1;
	v57 =	vld [tilespmem:s10+$0xFFFFFFC0];
	v48 =	vbroadcast v48, $0x0;
	v37 =	vadd.s32 v28, v37  }
0x381: {  	v58 =	vshll.u32 v47, v1;
	v59 =	vld [tilespmem:s10+$0x0];
	[tilespmem:v45+s19+$0x0] =	vst.idx.msk @p1 $0xffff, v44;
	v41 =	vbroadcast v56, $0x0;
	v35 =	vadd.s32 v29, v35  }
0x382: {  	v49 =	vld [tilespmem:s10+$0xC0];
	v43 =	vbroadcast v58, $0x0;
	v48 =	vadd.s32 v32, v48;
	[tilespmem:v34+s19+$0x0] =	vst.idx.msk $0xffff, v53  }
0x383: {  	v60 =	vld [tilespmem:s10+$0x40];
	v61 =	vadd.s32 v30, v41;
	[tilespmem:v33+s19+$0x0] =	vst.idx.msk $0xffff, v54  }
0x384: {  	v62 =	vld [tilespmem:s10+$0x80];
	v63 =	vadd.s32 v31, v43;
	[tilespmem:v36+s19+$0x0] =	vst.idx.msk $0xffff, v55  }
0x385: {  	s30 =	sadd.s32 $0x3, s26;
	[tilespmem:v37+s19+$0x0] =	vst.idx.msk $0xffff, v57  }
0x386: {  	s31 =	sshll.u32 s30, $0x7;
	[tilespmem:v35+s19+$0x0] =	vst.idx.msk $0xffff, v59  }
0x387: {  	s0 =	sshll.u32 s30, $0xA;
	s1 =	sand.u32 $0xF80, s31;
	[tilespmem:v48+s19+$0x0] =	vst.idx.msk $0xffff, v49  }
0x388: {  	s0 =	sand.u32 $0xFFF8000, s0;
	s1 =	sadd.s32 s2, s1;
	[tilespmem:v61+s19+$0x0] =	vst.idx.msk $0xffff, v60  }
0x389: {  	s6 =	simm.s32 $0x10600;
	s1 =	sadd.s32 s0, s1;
	[tilespmem:v63+s19+$0x0] =	vst.idx.msk $0xffff, v62  }
0x38a: {  	[hbm4b:s1+s3] =	stream.linear.scatter [tilespmem:s6], [sflag:$0x6], $0x80, $0x38;
	[tilespmem:$0x12800] =	vst v63  }
0x38b: {  	s7 =	simm.s32 $0x10688;
	s6 =	sadd.s32 $0x10, s1  }
0x38c: {  	[hbm4b:s6+s3] =	stream.linear.scatter [tilespmem:s7], [sflag:$0x6], $0x80, $0x38;
	[tilespmem:$0x12800] =	vst v63  }
0x38d: {  	s12 =	simm.s32 $0x10798;
	s10 =	simm.s32 $0x10710;
	s11 =	sadd.s32 $0x20, s1  }
0x38e: {  	[hbm4b:s11+s3] =	stream.linear.scatter [tilespmem:s10], [sflag:$0x6], $0x80, $0x38;
	[tilespmem:$0x12800] =	vst v63  }
0x38f: {  	s14 =	simm.s32 $0x10820;
	s28 =	simm.s32 $0x108A8;
	s13 =	sadd.s32 $0x30, s1  }
0x390: {  	[hbm4b:s13+s3] =	stream.linear.scatter [tilespmem:s12], [sflag:$0x6], $0x80, $0x38;
	[tilespmem:$0x12800] =	vst v63  }
0x391: {  	s30 =	simm.s32 $0x10930;
	s0 =	simm.s32 $0x440;
	s26 =	sadd.s32 $0x40, s1  }
0x392: {  	[hbm4b:s26+s3] =	stream.linear.scatter [tilespmem:s14], [sflag:$0x6], $0x80, $0x38;
	[tilespmem:$0x12800] =	vst v63  }
0x393: {  	s29 =	sadd.s32 $0x50, s1;
	s31 =	sadd.s32 $0x60, s1;
	s6 =	simm.s32 $0x2200  }
0x394: {  	[hbm4b:s29+s3] =	stream.linear.scatter [tilespmem:s28], [sflag:$0x6], $0x80, $0x38;
	[tilespmem:$0x12800] =	vst v63  }
0x395: {  	s10 =	simm.s32 $0x109B8;
	s11 =	sadd.s32 $0x70, s1;
	s1 =	sadd.s32 $0x1000, s1  }
0x396: {  	[hbm4b:s31+s3] =	stream.linear.scatter [tilespmem:s30], [sflag:$0x6], $0x80, $0x38;
	[tilespmem:$0x12800] =	vst v63  }
.LBB2_61:
0x397: {  	[hbm4b:s11+s3] =	stream.linear.scatter [tilespmem:s10], [sflag:$0x6], $0x80, $0x38;
	[tilespmem:$0x12800] =	vst v63  }
0x398: {  	s7 =	smov.u32 s0;
	s0 =	smov.u32 s6  }
0x399: {  	s12 =	sadd.s32 $0x1100, s6;
	s0 =	sshra.s32 s0, $0x2;
	s10 =	sadd.s32 $0x10600, s7  }
0x39a: {  	[hbm4b:s1+s3] =	stream.linear.scatter [tilespmem:s10], [sflag:$0x6], $0x80, $0x38;
	[tilespmem:$0x12800] =	vst v63  }
0x39b: {  	p1 =	sne.s32 s6, $0x7700;
	s6 =	sadd.s32 $0x10688, s7;
	s10 =	sadd.s32 $0x10, s1  }
0x39c: {  	[hbm4b:s10+s3] =	stream.linear.scatter [tilespmem:s6], [sflag:$0x6], $0x80, $0x38;
	[tilespmem:$0x12800] =	vst v63  }
0x39d: {  	s6 =	sadd.s32 $0x10710, s7;
	s10 =	sadd.s32 $0x20, s1  }
0x39e: {  	[hbm4b:s10+s3] =	stream.linear.scatter [tilespmem:s6], [sflag:$0x6], $0x80, $0x38;
	[tilespmem:$0x12800] =	vst v63  }
0x39f: {  	s6 =	sadd.s32 $0x10798, s7;
	s10 =	sadd.s32 $0x30, s1  }
0x3a0: {  	[hbm4b:s10+s3] =	stream.linear.scatter [tilespmem:s6], [sflag:$0x6], $0x80, $0x38;
	[tilespmem:$0x12800] =	vst v63  }
0x3a1: {  	s6 =	sadd.s32 $0x10820, s7;
	s10 =	sadd.s32 $0x40, s1  }
0x3a2: {  	[hbm4b:s10+s3] =	stream.linear.scatter [tilespmem:s6], [sflag:$0x6], $0x80, $0x38;
	[tilespmem:$0x12800] =	vst v63  }
.Ltmp37:
0x3a3: {  	s6 =	sadd.s32 $0x108A8, s7;
	s10 =	sadd.s32 $0x50, s1;
	(pc) =	sbr.rel @p1 .LBB2_61-.Ltmp37, $4  }
0x3a4: {  	[hbm4b:s10+s3] =	stream.linear.scatter [tilespmem:s6], [sflag:$0x6], $0x80, $0x38;
	[tilespmem:$0x12800] =	vst v63  }
0x3a5: {  	s11 =	sadd.s32 $0x70, s1;
	s6 =	sadd.s32 $0x10930, s7;
	s10 =	sadd.s32 $0x60, s1  }
0x3a6: {  	[hbm4b:s10+s3] =	stream.linear.scatter [tilespmem:s6], [sflag:$0x6], $0x80, $0x38;
	[tilespmem:$0x12800] =	vst v63  }
0x3a7: {  	s1 =	sadd.s32 $0x1000, s1;
	s10 =	sadd.s32 $0x109B8, s7;
	s6 =	smov.u32 s12  }
0x3a8: {  	[hbm4b:s11+s3] =	stream.linear.scatter [tilespmem:s10], [sflag:$0x6], $0x80, $0x38;
	[tilespmem:$0x12800] =	vst v63  }
0x3a9: {  	s6 =	sadd.s32 $0x10600, s0  }
0x3aa: {  	[hbm4b:s1+s3] =	stream.linear.scatter [tilespmem:s6], [sflag:$0x6], $0x80, $0x38;
	[tilespmem:$0x12800] =	vst v63  }
0x3ab: {  	s29 =	sadd.s32 $0x10688, s0;
	s7 =	sadd.s32 $0x10, s1  }
0x3ac: {  	[hbm4b:s7+s3] =	stream.linear.scatter [tilespmem:s29], [sflag:$0x6], $0x80, $0x38;
	[tilespmem:$0x12800] =	vst v63  }
0x3ad: {  	s30 =	sadd.s32 $0x10710, s0;
	s31 =	sadd.s32 $0x20, s1  }
0x3ae: {  	[hbm4b:s31+s3] =	stream.linear.scatter [tilespmem:s30], [sflag:$0x6], $0x80, $0x38;
	[tilespmem:$0x12800] =	vst v63  }
0x3af: {  	s10 =	sadd.s32 $0x10798, s0;
	s11 =	sadd.s32 $0x30, s1  }
0x3b0: {  	[hbm4b:s11+s3] =	stream.linear.scatter [tilespmem:s10], [sflag:$0x6], $0x80, $0x38;
	[tilespmem:$0x12800] =	vst v63  }
0x3b1: {  	s12 =	sadd.s32 $0x10820, s0;
	s13 =	sadd.s32 $0x40, s1  }
0x3b2: {  	[hbm4b:s13+s3] =	stream.linear.scatter [tilespmem:s12], [sflag:$0x6], $0x80, $0x38;
	[tilespmem:$0x12800] =	vst v63  }
0x3b3: {  	s14 =	sadd.s32 $0x108A8, s0;
	s26 =	sadd.s32 $0x50, s1  }
0x3b4: {  	[hbm4b:s26+s3] =	stream.linear.scatter [tilespmem:s14], [sflag:$0x6], $0x80, $0x38;
	[tilespmem:$0x12800] =	vst v63  }
.Ltmp38:
0x3b5: {  	_ = 	snop;
	(pc) =	sbr.rel @p0 .LBB2_64-.Ltmp38, $4  }
0x3b6: {  	s28 =	sadd.s32 $0x10930, s0;
	s29 =	sadd.s32 $0x60, s1  }
0x3b7: {  	[hbm4b:s29+s3] =	stream.linear.scatter [tilespmem:s28], [sflag:$0x6], $0x80, $0x38;
	[tilespmem:$0x12800] =	vst v63  }
0x3b8: {  	s30 =	sadd.s32 $0x109B8, s0;
	s31 =	sadd.s32 $0x70, s1  }
0x3b9: {  	[hbm4b:s31+s3] =	stream.linear.scatter [tilespmem:s30], [sflag:$0x6], $0x80, $0x38;
	[tilespmem:$0x12800] =	vst v63  }
.Ltmp39:
0x3ba: {  	(pc) =	sbr.rel .LBB2_2-.Ltmp39, $4  }
0x3bb: {  	s0 =	sshll.u32 s25, $0x9  }
0x3bc: {  	s0 =	sand.u32 $0x3FFFFE00, s0  }
0x3bd: {  	s25 =	sadd.s32 $0x1, s25;
	s0 =	sadd.s32 $0x380, s0  }
0x3be: {  	[tilespmem:s15], [sflag:$0x4] =	stream.indirect.gather [hbm4b:s4+s9], $0x40, s0, s9, $0xb8;
	[tilespmem:$0x12800] =	vst v63  }
.LBB2_11:
.Ltmp40:
0x3bf: {  	(pc) =	sbr.rel .LBB2_15-.Ltmp40, $2  }
0x3c0: {  	_ =	sdelay $0x2  }
0x3c1: {  	s10 =	simm.s32 $0x6530  }
.LBB2_26:
.Ltmp41:
0x3c2: {  	(pc) =	sbr.rel .LBB2_30-.Ltmp41, $2  }
0x3c3: {  	_ =	sdelay $0x2  }
0x3c4: {  	s11 =	simm.s32 $0x8530  }
.LBB2_41:
.Ltmp42:
0x3c5: {  	(pc) =	sbr.rel .LBB2_45-.Ltmp42, $2  }
0x3c6: {  	_ =	sdelay $0x2  }
0x3c7: {  	s11 =	simm.s32 $0xA530  }
.LBB2_56:
.Ltmp43:
0x3c8: {  	(pc) =	sbr.rel .LBB2_60-.Ltmp43, $2  }
0x3c9: {  	_ =	sdelay $0x2  }
0x3ca: {  	s11 =	simm.s32 $0xC530  }
.LBB2_8:
.Ltmp44:
0x3cb: {  	(pc) =	sbr.rel .LBB2_10-.Ltmp44, $2  }
0x3cc: {  	_ =	sdelay $0x2  }
0x3cd: {  	s10 =	simm.s32 $0x6520  }
.LBB2_13:
.Ltmp45:
0x3ce: {  	(pc) =	sbr.rel .LBB2_15-.Ltmp45, $2  }
0x3cf: {  	_ =	sdelay $0x2  }
0x3d0: {  	s10 =	simm.s32 $0x6530  }
.LBB2_23:
.Ltmp46:
0x3d1: {  	(pc) =	sbr.rel .LBB2_25-.Ltmp46, $2  }
0x3d2: {  	_ =	sdelay $0x2  }
0x3d3: {  	s11 =	simm.s32 $0x8520  }
.LBB2_28:
.Ltmp47:
0x3d4: {  	(pc) =	sbr.rel .LBB2_30-.Ltmp47, $2  }
0x3d5: {  	_ =	sdelay $0x2  }
0x3d6: {  	s11 =	simm.s32 $0x8530  }
.LBB2_38:
.Ltmp48:
0x3d7: {  	(pc) =	sbr.rel .LBB2_40-.Ltmp48, $2  }
0x3d8: {  	_ =	sdelay $0x2  }
0x3d9: {  	s11 =	simm.s32 $0xA520  }
.LBB2_43:
.Ltmp49:
0x3da: {  	(pc) =	sbr.rel .LBB2_45-.Ltmp49, $2  }
0x3db: {  	_ =	sdelay $0x2  }
0x3dc: {  	s11 =	simm.s32 $0xA530  }
.LBB2_53:
.Ltmp50:
0x3dd: {  	(pc) =	sbr.rel .LBB2_55-.Ltmp50, $2  }
0x3de: {  	_ =	sdelay $0x2  }
0x3df: {  	s11 =	simm.s32 $0xC520  }
.LBB2_58:
.Ltmp51:
0x3e0: {  	(pc) =	sbr.rel .LBB2_60-.Ltmp51, $2  }
0x3e1: {  	_ =	sdelay $0x2  }
0x3e2: {  	s11 =	simm.s32 $0xC530  }
.LBB2_65:
0x3e3: {  	_ =	sfence.sel $0x180000  }
0x3e4: {  	[bflag:$0x0] =	sbarrier.arrive $0xFFFF  }
0x3e5: {  	_ =	strace $0x90000047  }
0x3e6: {  	s0 =	stileid.u32;
	[bflag:$0x2] =	sbarrier.arrive $0xFFFF  }
0x3e7: {  	p0 =	sne.s32 s0, $0x0;
	s0 =	rddreg [dreg:$0x2]  }
0x3e8: {  	s0 =	sadd.s32 @!p0 $0x100000, s0  }
0x3e9: {  	[sflag:s0] =	ssyncadd.tile.s32 @!p0 $0x1;
	_ =	shalt  }
.Lfunc_end2:
_tile_overlayer_lowered:
.L_overlay_start_2:
0x3ea: {  	(tag) =	ssettag $0x2  }
0x3eb: {  	s0 =	rddreg [dreg:$0x0];
	s2 =	stileid.u32  }
0x3ec: {  	s1 =	rddreg [dreg:$0x1];
	p0 =	sne.s32 s2, $0x0  }
0x3ed: {  	s3 =	rddreg [dreg:$0x2];
	[bflag:$0x3] =	sbarrier.arrive $0xFFFF;
	s2 =	simm.s32 @!p0 $0x1C07  }
0x3ee: {  	[timem:s3], [sflag:s2] =	dma.local @!p0 [hbm:s0], s1  }
0x3ef: {  	s0 =	simm.s32 @!p0 $0x7  }
0x3f0: {  	_ =	swait.ge @!p0 [sflag:s0], s1  }
0x3f1: {  	s1 =	ssub.s32 @!p0 $0x0, s1;
	[sflag:s0] =	ssyncset.done @!p0 $0x0  }
0x3f2: {  	[sflag:s0] =	ssyncadd.s32 @!p0 s1  }
0x3f3: {  	[bflag:$0x3] =	sbarrier.arrive $0xFFFF  }
0x3f4: {  	_ =	shalt  }

</sc_bundles>
